<compile_context>
chip_gen: v7x
topology: tpu7x:2x2x1
jax: 0.10.2.dev20260603
libtpu: 0.0.44.dev20260713+nightly
codegen_flags: <defaults>
</compile_context>

<pallas_src>
import functools

import jax
import jax.numpy as jnp
from jax import lax
from jax.experimental import pallas as pl
import jax.experimental.pallas.tpu as pltpu
from jax.experimental.pallas import tpu_sc as plsc

GROUPS_K = 4
BETA_K = 0.25


def _score_body(z_ref, cb_ref, inds_ref, loss_ref, lacc_ref,
                *, n_b, n_s, n_e, n_elems):
    g = pl.program_id(0)
    b = pl.program_id(1)
    s = pl.program_id(2)

    @pl.when(jnp.logical_and(jnp.logical_and(g == 0, b == 0), s == 0))
    def _init_all():
        lacc_ref[0] = 0.0

    xT = z_ref[0]
    cb = cb_ref[0]
    cxx = jnp.sum(cb * cb, axis=1, keepdims=True)
    cb2 = cb * (-2.0)
    scoresT = jax.lax.dot_general(
        cb2, xT, (((1,), (0,)), ((), ())),
        preferred_element_type=jnp.float32)
    d2 = scoresT + cxx
    idx = jnp.argmin(d2, axis=0).astype(jnp.int32)
    inds_ref[0, 0, 0, :] = idx
    minv = jnp.min(d2, axis=0)
    sxx = jnp.sum(xT * xT, axis=0)
    lacc_ref[0] += jnp.sum(minv + sxx)

    last = jnp.logical_and(jnp.logical_and(g == GROUPS_K - 1, b == n_b - 1),
                           s == n_s - 1)

    @pl.when(last)
    def _fin_all():
        total = (1.0 + BETA_K) * lacc_ref[0] / n_elems
        loss_ref[:, :] = jnp.full((1, 1), total, jnp.float32)


def _sc_body(cbt_ref, inds_ref, quant_ref, counts_ref,
             cbt_v, idx_v, row_v, cnt_v,
             *, n_e, dpg, hw, n_b, pairs_per_worker, halves):
    cid = lax.axis_index("c")
    sid = lax.axis_index("s")
    wid = sid * 2 + cid
    s_half = hw // halves
    n_vec = s_half // 16
    ones16 = jnp.full((16,), 1.0, jnp.float32)
    zeros16 = jnp.zeros((16,), jnp.float32)

    p0 = wid * pairs_per_worker
    g = p0 // n_b
    pltpu.sync_copy(cbt_ref.at[g], cbt_v)

    for j in range(pairs_per_worker):
        p = p0 + j
        b = p - g * n_b
        pltpu.sync_copy(inds_ref.at[p], idx_v)
        for k in range(n_e // 16):
            cnt_v[pl.ds(k * 16, 16)] = zeros16
        for h in range(halves):
            def gather_body(i, carry, h=h):
                vidx = idx_v[pl.ds(h * s_half + i * 16, 16)]
                plsc.addupdate_scatter(cnt_v, [vidx], ones16)
                for d in range(dpg):
                    row_v[d, pl.ds(i * 16, 16)] = plsc.load_gather(
                        cbt_v, [jnp.full((16,), d, jnp.int32), vidx])
                return carry
            lax.fori_loop(0, n_vec, gather_body, 0)
            pltpu.sync_copy(
                row_v,
                quant_ref.at[b, pl.ds(g * dpg, dpg), pl.ds(h * s_half, s_half)])
        pltpu.sync_copy(cnt_v, counts_ref.at[p])


def _perp_body(counts_ref, perps_ref, *, t):
    counts = jnp.sum(counts_ref[...], axis=1)
    probs = counts * (1.0 / t)
    ent = -jnp.sum(probs * jnp.log(probs + 1e-10), axis=1, keepdims=True)
    perps_ref[:, :] = jnp.exp(ent)


def kernel(z, codebooks):
    z = z.astype(jnp.float32)
    B, C, H, W = z.shape
    HW = H * W
    G, N_E, DPG = codebooks.shape
    zr = z.reshape(B, C, HW)
    S = min(4096, HW)
    n_s = HW // S
    T = B * HW
    n_elems = T * DPG

    score = functools.partial(_score_body, n_b=B, n_s=n_s, n_e=N_E,
                              n_elems=float(n_elems))
    inds4, loss = pl.pallas_call(
        score,
        grid=(G, B, n_s),
        in_specs=[
            pl.BlockSpec((1, DPG, S), lambda g, b, s: (b, g, s)),
            pl.BlockSpec((1, N_E, DPG), lambda g, b, s: (g, 0, 0)),
        ],
        out_specs=[
            pl.BlockSpec((1, 1, 1, S), lambda g, b, s: (g, b, 0, s)),
            pl.BlockSpec((1, 1), lambda g, b, s: (0, 0)),
        ],
        out_shape=[
            jax.ShapeDtypeStruct((G, B, 1, HW), jnp.int32),
            jax.ShapeDtypeStruct((1, 1), jnp.float32),
        ],
        scratch_shapes=[pltpu.SMEM((1,), jnp.float32)],
    )(zr, codebooks)

    cbt = jnp.transpose(codebooks, (0, 2, 1))
    inds_rows = inds4.reshape(G * B, HW)

    halves = 2
    sc = functools.partial(_sc_body, n_e=N_E, dpg=DPG, hw=HW, n_b=B,
                           pairs_per_worker=(G * B) // 32, halves=halves)
    mesh = plsc.VectorSubcoreMesh(core_axis_name="c", subcore_axis_name="s")
    quant3, counts_p = pl.kernel(
        sc,
        out_type=[
            jax.ShapeDtypeStruct((B, C, HW), jnp.float32),
            jax.ShapeDtypeStruct((G * B, N_E), jnp.float32),
        ],
        mesh=mesh,
        scratch_types=[
            pltpu.VMEM((DPG, N_E), jnp.float32),
            pltpu.VMEM((HW,), jnp.int32),
            pltpu.VMEM((DPG, HW // halves), jnp.float32),
            pltpu.VMEM((N_E,), jnp.float32),
        ],
        compiler_params=pltpu.CompilerParams(needs_layout_passes=False),
    )(cbt, inds_rows)

    perp = functools.partial(_perp_body, t=float(T))
    perps = pl.pallas_call(
        perp,
        out_shape=jax.ShapeDtypeStruct((G, 1), jnp.float32),
    )(counts_p.reshape(G, B, N_E))

    quantized = quant3.reshape(B, C, H, W)
    inds = inds4.reshape(G, B, HW)
    return (quantized, loss[0, 0], perps[:, 0], inds)

# --- scband reference (transcript-rebuilt; emitter-appended) ---
"""Pipeline reference for scband-grouped-vq-80590766342852 (READ-ONLY COPY).

The authoritative reference and input builder live on the scoring server;
editing this copy changes nothing except your own understanding.
"""

import jax, jax.numpy as jnp
import numpy as np

GROUPS = 4
N_E = 512
E_DIM = 32
BETA = 0.25


def setup_inputs(seed: int = 0):
    key = jax.random.key(seed)
    k1, k2 = jax.random.split(key)
    z = jax.random.normal(k1, (16, 128, 64, 64), dtype=jnp.float32)
    codebooks = jax.random.normal(k2, (GROUPS, N_E, E_DIM), dtype=jnp.float32) * 0.1
    return {"z": z, "codebooks": codebooks}


def _vq(x, cb):
    # x: [T, d], cb: [K, d]
    d2 = jnp.sum(x * x, axis=1, keepdims=True) - 2.0 * (x @ cb.T) + jnp.sum(cb * cb, axis=1)[None, :]
    idx = jnp.argmin(d2, axis=1)
    zq = jnp.take(cb, idx, axis=0)
    loss = BETA * jnp.mean((jax.lax.stop_gradient(zq) - x) ** 2) + jnp.mean((zq - jax.lax.stop_gradient(x)) ** 2)
    zq_st = x + jax.lax.stop_gradient(zq - x)
    counts = jnp.bincount(idx, length=N_E).astype(jnp.float32)
    probs = counts / idx.shape[0]
    perplexity = jnp.exp(-jnp.sum(probs * jnp.log(probs + 1e-10)))
    return zq_st, loss, perplexity, idx


def reference(z, codebooks):
    z = z.astype(jnp.float32)
    # b c h w -> b h w c
    zp = jnp.transpose(z, (0, 2, 3, 1))
    B, H, W, C = zp.shape
    z_flat = zp.reshape(B, -1, C)
    dpg = C // GROUPS
    qs = []
    losses = []
    perps = []
    inds = []
    for g in range(GROUPS):
        xg = z_flat[:, :, g * dpg:(g + 1) * dpg].reshape(-1, dpg)
        zq, loss, perp, idx = _vq(xg, codebooks[g])
        qs.append(zq.reshape(B, -1, dpg))
        losses.append(loss)
        perps.append(perp)
        inds.append(idx.reshape(B, -1))
    quantized = jnp.concatenate(qs, axis=2)
    total_loss = losses[0] + losses[1] + losses[2] + losses[3]
    quantized = quantized.reshape(B, H, W, C)
    # b h w c -> b c h w
    quantized = jnp.transpose(quantized, (0, 3, 1, 2))
    return (quantized, total_loss, jnp.stack(perps), jnp.stack(inds))

if __name__ == "__main__":
    import jax
    _d = setup_inputs()
    print(jax.jit(kernel)(*tuple(_d.values())))

</pallas_src>

<mosaic_0001>
#map = affine_map<(d0, d1) -> (0, 0, 0)>
#map1 = affine_map<(d0, d1) -> (0, 0)>
module attributes {stable_mosaic.version = 14 : i64} {
  func.func @_sc_body(%arg0: i32, %arg1: i32, %arg2: memref<4x32x512xf32, #tpu.memory_space<hbm>>, %arg3: memref<64x4096xi32, #tpu.memory_space<hbm>>, %arg4: memref<16x128x4096xf32, #tpu.memory_space<hbm>>, %arg5: memref<64x512xf32, #tpu.memory_space<hbm>>, %arg6: memref<32x512xf32, #tpu.memory_space<vmem>>, %arg7: memref<4096xi32, #tpu.memory_space<vmem>>, %arg8: memref<32x2048xf32, #tpu.memory_space<vmem>>, %arg9: memref<512xf32, #tpu.memory_space<vmem>>) attributes {dimension_semantics = [#tpu.dimension_semantics<core_parallel>, #tpu.dimension_semantics<subcore_parallel>], iteration_bounds = array<i64: 2, 16>, scalar_prefetch = 0 : i64, scratch_operands = 4 : i64, tpu.core_type = #tpu.core_type<sc_vector_subcore>, window_params = [{transform_indices = #map}, {transform_indices = #map1}, {transform_indices = #map}, {transform_indices = #map1}]} {
    %mul3A = arith.constant 2 : i32
    %mul3A_0 = arith.muli %arg1, %mul3A : i32
    %add3A = arith.addi %mul3A_0, %arg0 : i32
    %broadcast_in_dim3A = arith.constant 1.000000e+00 : f32
    %broadcast_in_dim3A_1 = vector.broadcast %broadcast_in_dim3A : f32 to vector<16xf32>
    %broadcast_in_dim3A_2 = arith.constant 0.000000e+00 : f32
    %broadcast_in_dim3A_3 = vector.broadcast %broadcast_in_dim3A_2 : f32 to vector<16xf32>
    %mul3A_4 = arith.constant 2 : i32
    %mul3A_5 = arith.muli %add3A, %mul3A_4 : i32
    %jit3A = arith.constant 16 : i32
    %div3A = arith.divsi %mul3A_5, %jit3A : i32
    %sign3A = arith.constant 0 : i32
    %sign3A_6 = arith.cmpi sgt, %mul3A_5, %sign3A : i32
    %sign3A_7 = arith.extui %sign3A_6 : i1 to i32
    %sign3A_8 = arith.constant 0 : i32
    %sign3A_9 = arith.cmpi slt, %mul3A_5, %sign3A_8 : i32
    %sign3A_10 = arith.extui %sign3A_9 : i1 to i32
    %sign3A_11 = arith.subi %sign3A_7, %sign3A_10 : i32
    %sign3A_12 = arith.constant 0 : i32
    %sign3A_13 = arith.cmpi sgt, %jit3A, %sign3A_12 : i32
    %sign3A_14 = arith.extui %sign3A_13 : i1 to i32
    %sign3A_15 = arith.constant 0 : i32
    %sign3A_16 = arith.cmpi slt, %jit3A, %sign3A_15 : i32
    %sign3A_17 = arith.extui %sign3A_16 : i1 to i32
    %sign3A_18 = arith.subi %sign3A_14, %sign3A_17 : i32
    %ne3A = arith.cmpi ne, %sign3A_11, %sign3A_18 : i32
    %rem3A = arith.remsi %mul3A_5, %jit3A : i32
    %ne3A_19 = arith.constant 0 : i32
    %ne3A_20 = arith.cmpi ne, %rem3A, %ne3A_19 : i32
    %and3A = arith.andi %ne3A, %ne3A_20 : i1
    %sub3A = arith.constant 1 : i32
    %sub3A_21 = arith.subi %div3A, %sub3A : i32
    %select_n3A = arith.select %and3A, %sub3A_21, %div3A : i32
    "tpu.region"() ({
      %run_scoped3A = tpu.sem_alloc : memref<!tpu.dma_semaphore, #tpu.memory_space<semaphore_mem>>
      %dma_start3A = arith.constant 0 : i32
      %dma_start3A_190 = arith.constant 0 : i32
      %dma_start3A_191 = tpu.memref_slice %arg2[%select_n3A, %dma_start3A, %dma_start3A_190] : memref<4x32x512xf32, #tpu.memory_space<hbm>> -> memref<1x32x512xf32, #tpu.memory_space<hbm>>
      %dma_start3A_192 = tpu.memref_squeeze %dma_start3A_191 : memref<1x32x512xf32, #tpu.memory_space<hbm>> -> memref<32x512xf32, #tpu.memory_space<hbm>>
      %dma_start3A_193 = arith.constant 0 : i32
      %dma_start3A_194 = arith.constant 0 : i32
      %dma_start3A_195 = tpu.memref_slice %arg2[%select_n3A, %dma_start3A_193, %dma_start3A_194] : memref<4x32x512xf32, #tpu.memory_space<hbm>> -> memref<1x32x512xf32, #tpu.memory_space<hbm>>
      %dma_start3A_196 = tpu.memref_squeeze %dma_start3A_195 : memref<1x32x512xf32, #tpu.memory_space<hbm>> -> memref<32x512xf32, #tpu.memory_space<hbm>>
      tpu.enqueue_dma source(%dma_start3A_196 : memref<32x512xf32, #tpu.memory_space<hbm>>) target(%arg6 : memref<32x512xf32, #tpu.memory_space<vmem>>) target_semaphore(%run_scoped3A : memref<!tpu.dma_semaphore, #tpu.memory_space<semaphore_mem>>)
      %dma_wait3A = arith.constant 0 : i32
      %dma_wait3A_197 = arith.constant 0 : i32
      %dma_wait3A_198 = tpu.memref_slice %arg2[%select_n3A, %dma_wait3A, %dma_wait3A_197] : memref<4x32x512xf32, #tpu.memory_space<hbm>> -> memref<1x32x512xf32, #tpu.memory_space<hbm>>
      %dma_wait3A_199 = tpu.memref_squeeze %dma_wait3A_198 : memref<1x32x512xf32, #tpu.memory_space<hbm>> -> memref<32x512xf32, #tpu.memory_space<hbm>>
      %dma_wait3A_200 = arith.constant 0 : i32
      %dma_wait3A_201 = arith.constant 0 : i32
      %dma_wait3A_202 = tpu.memref_slice %arg2[%select_n3A, %dma_wait3A_200, %dma_wait3A_201] : memref<4x32x512xf32, #tpu.memory_space<hbm>> -> memref<1x32x512xf32, #tpu.memory_space<hbm>>
      %dma_wait3A_203 = tpu.memref_squeeze %dma_wait3A_202 : memref<1x32x512xf32, #tpu.memory_space<hbm>> -> memref<32x512xf32, #tpu.memory_space<hbm>>
      tpu.wait_dma2 semaphore(%run_scoped3A : memref<!tpu.dma_semaphore, #tpu.memory_space<semaphore_mem>>) src(%dma_wait3A_203 : memref<32x512xf32, #tpu.memory_space<hbm>>) dst(%arg6 : memref<32x512xf32, #tpu.memory_space<vmem>>)
      tpu.yield
    }) : () -> ()
    %add3A_22 = arith.constant 0 : i32
    %add3A_23 = arith.addi %mul3A_5, %add3A_22 : i32
    %mul3A_24 = arith.constant 16 : i32
    %mul3A_25 = arith.muli %select_n3A, %mul3A_24 : i32
    %sub3A_26 = arith.subi %add3A_23, %mul3A_25 : i32
    "tpu.region"() ({
      %run_scoped3A = tpu.sem_alloc : memref<!tpu.dma_semaphore, #tpu.memory_space<semaphore_mem>>
      %dma_start3A = arith.constant 0 : i32
      %dma_start3A_190 = tpu.memref_slice %arg3[%add3A_23, %dma_start3A] : memref<64x4096xi32, #tpu.memory_space<hbm>> -> memref<1x4096xi32, #tpu.memory_space<hbm>>
      %dma_start3A_191 = tpu.memref_squeeze %dma_start3A_190 : memref<1x4096xi32, #tpu.memory_space<hbm>> -> memref<4096xi32, #tpu.memory_space<hbm>>
      %dma_start3A_192 = arith.constant 0 : i32
      %dma_start3A_193 = tpu.memref_slice %arg3[%add3A_23, %dma_start3A_192] : memref<64x4096xi32, #tpu.memory_space<hbm>> -> memref<1x4096xi32, #tpu.memory_space<hbm>>
      %dma_start3A_194 = tpu.memref_squeeze %dma_start3A_193 : memref<1x4096xi32, #tpu.memory_space<hbm>> -> memref<4096xi32, #tpu.memory_space<hbm>>
      tpu.enqueue_dma source(%dma_start3A_194 : memref<4096xi32, #tpu.memory_space<hbm>>) target(%arg7 : memref<4096xi32, #tpu.memory_space<vmem>>) target_semaphore(%run_scoped3A : memref<!tpu.dma_semaphore, #tpu.memory_space<semaphore_mem>>)
      %dma_wait3A = arith.constant 0 : i32
      %dma_wait3A_195 = tpu.memref_slice %arg3[%add3A_23, %dma_wait3A] : memref<64x4096xi32, #tpu.memory_space<hbm>> -> memref<1x4096xi32, #tpu.memory_space<hbm>>
      %dma_wait3A_196 = tpu.memref_squeeze %dma_wait3A_195 : memref<1x4096xi32, #tpu.memory_space<hbm>> -> memref<4096xi32, #tpu.memory_space<hbm>>
      %dma_wait3A_197 = arith.constant 0 : i32
      %dma_wait3A_198 = tpu.memref_slice %arg3[%add3A_23, %dma_wait3A_197] : memref<64x4096xi32, #tpu.memory_space<hbm>> -> memref<1x4096xi32, #tpu.memory_space<hbm>>
      %dma_wait3A_199 = tpu.memref_squeeze %dma_wait3A_198 : memref<1x4096xi32, #tpu.memory_space<hbm>> -> memref<4096xi32, #tpu.memory_space<hbm>>
      tpu.wait_dma2 semaphore(%run_scoped3A : memref<!tpu.dma_semaphore, #tpu.memory_space<semaphore_mem>>) src(%dma_wait3A_199 : memref<4096xi32, #tpu.memory_space<hbm>>) dst(%arg7 : memref<4096xi32, #tpu.memory_space<vmem>>)
      tpu.yield
    }) : () -> ()
    %swap3A = arith.constant 0 : index
    %swap3A_27 = tpu.vector_load %arg9[%swap3A] {strides = array<i32>} : memref<512xf32, #tpu.memory_space<vmem>>, vector<16xf32>,
    tpu.vector_store %arg9[%swap3A], %broadcast_in_dim3A_3 {strides = array<i32>} : memref<512xf32, #tpu.memory_space<vmem>>, vector<16xf32>,
    %swap3A_28 = arith.constant 16 : index
    %swap3A_29 = tpu.vector_load %arg9[%swap3A_28] {strides = array<i32>} : memref<512xf32, #tpu.memory_space<vmem>>, vector<16xf32>,
    tpu.vector_store %arg9[%swap3A_28], %broadcast_in_dim3A_3 {strides = array<i32>} : memref<512xf32, #tpu.memory_space<vmem>>, vector<16xf32>,
    %swap3A_30 = arith.constant 32 : index
    %swap3A_31 = tpu.vector_load %arg9[%swap3A_30] {strides = array<i32>} : memref<512xf32, #tpu.memory_space<vmem>>, vector<16xf32>,
    tpu.vector_store %arg9[%swap3A_30], %broadcast_in_dim3A_3 {strides = array<i32>} : memref<512xf32, #tpu.memory_space<vmem>>, vector<16xf32>,
    %swap3A_32 = arith.constant 48 : index
    %swap3A_33 = tpu.vector_load %arg9[%swap3A_32] {strides = array<i32>} : memref<512xf32, #tpu.memory_space<vmem>>, vector<16xf32>,
    tpu.vector_store %arg9[%swap3A_32], %broadcast_in_dim3A_3 {strides = array<i32>} : memref<512xf32, #tpu.memory_space<vmem>>, vector<16xf32>,
    %swap3A_34 = arith.constant 64 : index
    %swap3A_35 = tpu.vector_load %arg9[%swap3A_34] {strides = array<i32>} : memref<512xf32, #tpu.memory_space<vmem>>, vector<16xf32>,
    tpu.vector_store %arg9[%swap3A_34], %broadcast_in_dim3A_3 {strides = array<i32>} : memref<512xf32, #tpu.memory_space<vmem>>, vector<16xf32>,
    %swap3A_36 = arith.constant 80 : index
    %swap3A_37 = tpu.vector_load %arg9[%swap3A_36] {strides = array<i32>} : memref<512xf32, #tpu.memory_space<vmem>>, vector<16xf32>,
    tpu.vector_store %arg9[%swap3A_36], %broadcast_in_dim3A_3 {strides = array<i32>} : memref<512xf32, #tpu.memory_space<vmem>>, vector<16xf32>,
    %swap3A_38 = arith.constant 96 : index
    %swap3A_39 = tpu.vector_load %arg9[%swap3A_38] {strides = array<i32>} : memref<512xf32, #tpu.memory_space<vmem>>, vector<16xf32>,
    tpu.vector_store %arg9[%swap3A_38], %broadcast_in_dim3A_3 {strides = array<i32>} : memref<512xf32, #tpu.memory_space<vmem>>, vector<16xf32>,
    %swap3A_40 = arith.constant 112 : index
    %swap3A_41 = tpu.vector_load %arg9[%swap3A_40] {strides = array<i32>} : memref<512xf32, #tpu.memory_space<vmem>>, vector<16xf32>,
    tpu.vector_store %arg9[%swap3A_40], %broadcast_in_dim3A_3 {strides = array<i32>} : memref<512xf32, #tpu.memory_space<vmem>>, vector<16xf32>,
    %swap3A_42 = arith.constant 128 : index
    %swap3A_43 = tpu.vector_load %arg9[%swap3A_42] {strides = array<i32>} : memref<512xf32, #tpu.memory_space<vmem>>, vector<16xf32>,
    tpu.vector_store %arg9[%swap3A_42], %broadcast_in_dim3A_3 {strides = array<i32>} : memref<512xf32, #tpu.memory_space<vmem>>, vector<16xf32>,
    %swap3A_44 = arith.constant 144 : index
    %swap3A_45 = tpu.vector_load %arg9[%swap3A_44] {strides = array<i32>} : memref<512xf32, #tpu.memory_space<vmem>>, vector<16xf32>,
    tpu.vector_store %arg9[%swap3A_44], %broadcast_in_dim3A_3 {strides = array<i32>} : memref<512xf32, #tpu.memory_space<vmem>>, vector<16xf32>,
    %swap3A_46 = arith.constant 160 : index
    %swap3A_47 = tpu.vector_load %arg9[%swap3A_46] {strides = array<i32>} : memref<512xf32, #tpu.memory_space<vmem>>, vector<16xf32>,
    tpu.vector_store %arg9[%swap3A_46], %broadcast_in_dim3A_3 {strides = array<i32>} : memref<512xf32, #tpu.memory_space<vmem>>, vector<16xf32>,
    %swap3A_48 = arith.constant 176 : index
    %swap3A_49 = tpu.vector_load %arg9[%swap3A_48] {strides = array<i32>} : memref<512xf32, #tpu.memory_space<vmem>>, vector<16xf32>,
    tpu.vector_store %arg9[%swap3A_48], %broadcast_in_dim3A_3 {strides = array<i32>} : memref<512xf32, #tpu.memory_space<vmem>>, vector<16xf32>,
    %swap3A_50 = arith.constant 192 : index
    %swap3A_51 = tpu.vector_load %arg9[%swap3A_50] {strides = array<i32>} : memref<512xf32, #tpu.memory_space<vmem>>, vector<16xf32>,
    tpu.vector_store %arg9[%swap3A_50], %broadcast_in_dim3A_3 {strides = array<i32>} : memref<512xf32, #tpu.memory_space<vmem>>, vector<16xf32>,
    %swap3A_52 = arith.constant 208 : index
    %swap3A_53 = tpu.vector_load %arg9[%swap3A_52] {strides = array<i32>} : memref<512xf32, #tpu.memory_space<vmem>>, vector<16xf32>,
    tpu.vector_store %arg9[%swap3A_52], %broadcast_in_dim3A_3 {strides = array<i32>} : memref<512xf32, #tpu.memory_space<vmem>>, vector<16xf32>,
    %swap3A_54 = arith.constant 224 : index
    %swap3A_55 = tpu.vector_load %arg9[%swap3A_54] {strides = array<i32>} : memref<512xf32, #tpu.memory_space<vmem>>, vector<16xf32>,
    tpu.vector_store %arg9[%swap3A_54], %broadcast_in_dim3A_3 {strides = array<i32>} : memref<512xf32, #tpu.memory_space<vmem>>, vector<16xf32>,
    %swap3A_56 = arith.constant 240 : index
    %swap3A_57 = tpu.vector_load %arg9[%swap3A_56] {strides = array<i32>} : memref<512xf32, #tpu.memory_space<vmem>>, vector<16xf32>,
    tpu.vector_store %arg9[%swap3A_56], %broadcast_in_dim3A_3 {strides = array<i32>} : memref<512xf32, #tpu.memory_space<vmem>>, vector<16xf32>,
    %swap3A_58 = arith.constant 256 : index
    %swap3A_59 = tpu.vector_load %arg9[%swap3A_58] {strides = array<i32>} : memref<512xf32, #tpu.memory_space<vmem>>, vector<16xf32>,
    tpu.vector_store %arg9[%swap3A_58], %broadcast_in_dim3A_3 {strides = array<i32>} : memref<512xf32, #tpu.memory_space<vmem>>, vector<16xf32>,
    %swap3A_60 = arith.constant 272 : index
    %swap3A_61 = tpu.vector_load %arg9[%swap3A_60] {strides = array<i32>} : memref<512xf32, #tpu.memory_space<vmem>>, vector<16xf32>,
    tpu.vector_store %arg9[%swap3A_60], %broadcast_in_dim3A_3 {strides = array<i32>} : memref<512xf32, #tpu.memory_space<vmem>>, vector<16xf32>,
    %swap3A_62 = arith.constant 288 : index
    %swap3A_63 = tpu.vector_load %arg9[%swap3A_62] {strides = array<i32>} : memref<512xf32, #tpu.memory_space<vmem>>, vector<16xf32>,
    tpu.vector_store %arg9[%swap3A_62], %broadcast_in_dim3A_3 {strides = array<i32>} : memref<512xf32, #tpu.memory_space<vmem>>, vector<16xf32>,
    %swap3A_64 = arith.constant 304 : index
    %swap3A_65 = tpu.vector_load %arg9[%swap3A_64] {strides = array<i32>} : memref<512xf32, #tpu.memory_space<vmem>>, vector<16xf32>,
    tpu.vector_store %arg9[%swap3A_64], %broadcast_in_dim3A_3 {strides = array<i32>} : memref<512xf32, #tpu.memory_space<vmem>>, vector<16xf32>,
    %swap3A_66 = arith.constant 320 : index
    %swap3A_67 = tpu.vector_load %arg9[%swap3A_66] {strides = array<i32>} : memref<512xf32, #tpu.memory_space<vmem>>, vector<16xf32>,
    tpu.vector_store %arg9[%swap3A_66], %broadcast_in_dim3A_3 {strides = array<i32>} : memref<512xf32, #tpu.memory_space<vmem>>, vector<16xf32>,
    %swap3A_68 = arith.constant 336 : index
    %swap3A_69 = tpu.vector_load %arg9[%swap3A_68] {strides = array<i32>} : memref<512xf32, #tpu.memory_space<vmem>>, vector<16xf32>,
    tpu.vector_store %arg9[%swap3A_68], %broadcast_in_dim3A_3 {strides = array<i32>} : memref<512xf32, #tpu.memory_space<vmem>>, vector<16xf32>,
    %swap3A_70 = arith.constant 352 : index
    %swap3A_71 = tpu.vector_load %arg9[%swap3A_70] {strides = array<i32>} : memref<512xf32, #tpu.memory_space<vmem>>, vector<16xf32>,
    tpu.vector_store %arg9[%swap3A_70], %broadcast_in_dim3A_3 {strides = array<i32>} : memref<512xf32, #tpu.memory_space<vmem>>, vector<16xf32>,
    %swap3A_72 = arith.constant 368 : index
    %swap3A_73 = tpu.vector_load %arg9[%swap3A_72] {strides = array<i32>} : memref<512xf32, #tpu.memory_space<vmem>>, vector<16xf32>,
    tpu.vector_store %arg9[%swap3A_72], %broadcast_in_dim3A_3 {strides = array<i32>} : memref<512xf32, #tpu.memory_space<vmem>>, vector<16xf32>,
    %swap3A_74 = arith.constant 384 : index
    %swap3A_75 = tpu.vector_load %arg9[%swap3A_74] {strides = array<i32>} : memref<512xf32, #tpu.memory_space<vmem>>, vector<16xf32>,
    tpu.vector_store %arg9[%swap3A_74], %broadcast_in_dim3A_3 {strides = array<i32>} : memref<512xf32, #tpu.memory_space<vmem>>, vector<16xf32>,
    %swap3A_76 = arith.constant 400 : index
    %swap3A_77 = tpu.vector_load %arg9[%swap3A_76] {strides = array<i32>} : memref<512xf32, #tpu.memory_space<vmem>>, vector<16xf32>,
    tpu.vector_store %arg9[%swap3A_76], %broadcast_in_dim3A_3 {strides = array<i32>} : memref<512xf32, #tpu.memory_space<vmem>>, vector<16xf32>,
    %swap3A_78 = arith.constant 416 : index
    %swap3A_79 = tpu.vector_load %arg9[%swap3A_78] {strides = array<i32>} : memref<512xf32, #tpu.memory_space<vmem>>, vector<16xf32>,
    tpu.vector_store %arg9[%swap3A_78], %broadcast_in_dim3A_3 {strides = array<i32>} : memref<512xf32, #tpu.memory_space<vmem>>, vector<16xf32>,
    %swap3A_80 = arith.constant 432 : index
    %swap3A_81 = tpu.vector_load %arg9[%swap3A_80] {strides = array<i32>} : memref<512xf32, #tpu.memory_space<vmem>>, vector<16xf32>,
    tpu.vector_store %arg9[%swap3A_80], %broadcast_in_dim3A_3 {strides = array<i32>} : memref<512xf32, #tpu.memory_space<vmem>>, vector<16xf32>,
    %swap3A_82 = arith.constant 448 : index
    %swap3A_83 = tpu.vector_load %arg9[%swap3A_82] {strides = array<i32>} : memref<512xf32, #tpu.memory_space<vmem>>, vector<16xf32>,
    tpu.vector_store %arg9[%swap3A_82], %broadcast_in_dim3A_3 {strides = array<i32>} : memref<512xf32, #tpu.memory_space<vmem>>, vector<16xf32>,
    %swap3A_84 = arith.constant 464 : index
    %swap3A_85 = tpu.vector_load %arg9[%swap3A_84] {strides = array<i32>} : memref<512xf32, #tpu.memory_space<vmem>>, vector<16xf32>,
    tpu.vector_store %arg9[%swap3A_84], %broadcast_in_dim3A_3 {strides = array<i32>} : memref<512xf32, #tpu.memory_space<vmem>>, vector<16xf32>,
    %swap3A_86 = arith.constant 480 : index
    %swap3A_87 = tpu.vector_load %arg9[%swap3A_86] {strides = array<i32>} : memref<512xf32, #tpu.memory_space<vmem>>, vector<16xf32>,
    tpu.vector_store %arg9[%swap3A_86], %broadcast_in_dim3A_3 {strides = array<i32>} : memref<512xf32, #tpu.memory_space<vmem>>, vector<16xf32>,
    %swap3A_88 = arith.constant 496 : index
    %swap3A_89 = tpu.vector_load %arg9[%swap3A_88] {strides = array<i32>} : memref<512xf32, #tpu.memory_space<vmem>>, vector<16xf32>,
    tpu.vector_store %arg9[%swap3A_88], %broadcast_in_dim3A_3 {strides = array<i32>} : memref<512xf32, #tpu.memory_space<vmem>>, vector<16xf32>,
    %scan3A = arith.constant 0 : i32
    %scan3A_90 = arith.constant 0 : i32
    %scan3A_91 = arith.constant 128 : i32
    %scan3A_92 = arith.addi %scan3A_90, %scan3A_91 : i32
    %scan3A_93 = arith.constant 1 : i32
    scf.for %scan3A_190 = %scan3A_90 to %scan3A_92 step %scan3A_93  : i32 {
      %mul3A_191 = arith.constant 16 : i32
      %mul3A_192 = arith.muli %scan3A_190, %mul3A_191 : i32
      %add3A_193 = arith.constant 0 : i32
      %add3A_194 = arith.addi %add3A_193, %mul3A_192 : i32
      %get3A = arith.index_cast %add3A_194 : i32 to index
      %get3A_195 = tpu.vector_load %arg7[%get3A] {strides = array<i32>} : memref<4096xi32, #tpu.memory_space<vmem>>, vector<16xi32>,
      tpu.vector_store_idx %arg9[%get3A_195], %broadcast_in_dim3A_1 {add = true} : memref<512xf32, #tpu.memory_space<vmem>>[vector<16xi32>], vector<16xf32>,
      %broadcast_in_dim3A_196 = arith.constant 0 : i32
      %broadcast_in_dim3A_197 = vector.broadcast %broadcast_in_dim3A_196 : i32 to vector<16xi32>
      %gather3A = tpu.vector_load_idx %arg6[%broadcast_in_dim3A_197, %get3A_195] : memref<32x512xf32, #tpu.memory_space<vmem>>[vector<16xi32>, vector<16xi32>], vector<16xf32>,
      %mul3A_198 = arith.constant 16 : i32
      %mul3A_199 = arith.muli %scan3A_190, %mul3A_198 : i32
      %swap3A_200 = arith.constant 0 : i32
      %swap3A_201 = arith.index_cast %swap3A_200 : i32 to index
      %swap3A_202 = arith.index_cast %mul3A_199 : i32 to index
      %swap3A_203 = tpu.vector_load %arg8[%swap3A_201, %swap3A_202] {strides = array<i32>} : memref<32x2048xf32, #tpu.memory_space<vmem>>, vector<16xf32>,
      tpu.vector_store %arg8[%swap3A_201, %swap3A_202], %gather3A {strides = array<i32>} : memref<32x2048xf32, #tpu.memory_space<vmem>>, vector<16xf32>,
      %broadcast_in_dim3A_204 = arith.constant 1 : i32
      %broadcast_in_dim3A_205 = vector.broadcast %broadcast_in_dim3A_204 : i32 to vector<16xi32>
      %gather3A_206 = tpu.vector_load_idx %arg6[%broadcast_in_dim3A_205, %get3A_195] : memref<32x512xf32, #tpu.memory_space<vmem>>[vector<16xi32>, vector<16xi32>], vector<16xf32>,
      %mul3A_207 = arith.constant 16 : i32
      %mul3A_208 = arith.muli %scan3A_190, %mul3A_207 : i32
      %swap3A_209 = arith.constant 1 : i32
      %swap3A_210 = arith.index_cast %swap3A_209 : i32 to index
      %swap3A_211 = arith.index_cast %mul3A_208 : i32 to index
      %swap3A_212 = tpu.vector_load %arg8[%swap3A_210, %swap3A_211] {strides = array<i32>} : memref<32x2048xf32, #tpu.memory_space<vmem>>, vector<16xf32>,
      tpu.vector_store %arg8[%swap3A_210, %swap3A_211], %gather3A_206 {strides = array<i32>} : memref<32x2048xf32, #tpu.memory_space<vmem>>, vector<16xf32>,
      %broadcast_in_dim3A_213 = arith.constant 2 : i32
      %broadcast_in_dim3A_214 = vector.broadcast %broadcast_in_dim3A_213 : i32 to vector<16xi32>
      %gather3A_215 = tpu.vector_load_idx %arg6[%broadcast_in_dim3A_214, %get3A_195] : memref<32x512xf32, #tpu.memory_space<vmem>>[vector<16xi32>, vector<16xi32>], vector<16xf32>,
      %mul3A_216 = arith.constant 16 : i32
      %mul3A_217 = arith.muli %scan3A_190, %mul3A_216 : i32
      %swap3A_218 = arith.constant 2 : i32
      %swap3A_219 = arith.index_cast %swap3A_218 : i32 to index
      %swap3A_220 = arith.index_cast %mul3A_217 : i32 to index
      %swap3A_221 = tpu.vector_load %arg8[%swap3A_219, %swap3A_220] {strides = array<i32>} : memref<32x2048xf32, #tpu.memory_space<vmem>>, vector<16xf32>,
      tpu.vector_store %arg8[%swap3A_219, %swap3A_220], %gather3A_215 {strides = array<i32>} : memref<32x2048xf32, #tpu.memory_space<vmem>>, vector<16xf32>,
      %broadcast_in_dim3A_222 = arith.constant 3 : i32
      %broadcast_in_dim3A_223 = vector.broadcast %broadcast_in_dim3A_222 : i32 to vector<16xi32>
      %gather3A_224 = tpu.vector_load_idx %arg6[%broadcast_in_dim3A_223, %get3A_195] : memref<32x512xf32, #tpu.memory_space<vmem>>[vector<16xi32>, vector<16xi32>], vector<16xf32>,
      %mul3A_225 = arith.constant 16 : i32
      %mul3A_226 = arith.muli %scan3A_190, %mul3A_225 : i32
      %swap3A_227 = arith.constant 3 : i32
      %swap3A_228 = arith.index_cast %swap3A_227 : i32 to index
      %swap3A_229 = arith.index_cast %mul3A_226 : i32 to index
      %swap3A_230 = tpu.vector_load %arg8[%swap3A_228, %swap3A_229] {strides = array<i32>} : memref<32x2048xf32, #tpu.memory_space<vmem>>, vector<16xf32>,
      tpu.vector_store %arg8[%swap3A_228, %swap3A_229], %gather3A_224 {strides = array<i32>} : memref<32x2048xf32, #tpu.memory_space<vmem>>, vector<16xf32>,
      %broadcast_in_dim3A_231 = arith.constant 4 : i32
      %broadcast_in_dim3A_232 = vector.broadcast %broadcast_in_dim3A_231 : i32 to vector<16xi32>
      %gather3A_233 = tpu.vector_load_idx %arg6[%broadcast_in_dim3A_232, %get3A_195] : memref<32x512xf32, #tpu.memory_space<vmem>>[vector<16xi32>, vector<16xi32>], vector<16xf32>,
      %mul3A_234 = arith.constant 16 : i32
      %mul3A_235 = arith.muli %scan3A_190, %mul3A_234 : i32
      %swap3A_236 = arith.constant 4 : i32
      %swap3A_237 = arith.index_cast %swap3A_236 : i32 to index
      %swap3A_238 = arith.index_cast %mul3A_235 : i32 to index
      %swap3A_239 = tpu.vector_load %arg8[%swap3A_237, %swap3A_238] {strides = array<i32>} : memref<32x2048xf32, #tpu.memory_space<vmem>>, vector<16xf32>,
      tpu.vector_store %arg8[%swap3A_237, %swap3A_238], %gather3A_233 {strides = array<i32>} : memref<32x2048xf32, #tpu.memory_space<vmem>>, vector<16xf32>,
      %broadcast_in_dim3A_240 = arith.constant 5 : i32
      %broadcast_in_dim3A_241 = vector.broadcast %broadcast_in_dim3A_240 : i32 to vector<16xi32>
      %gather3A_242 = tpu.vector_load_idx %arg6[%broadcast_in_dim3A_241, %get3A_195] : memref<32x512xf32, #tpu.memory_space<vmem>>[vector<16xi32>, vector<16xi32>], vector<16xf32>,
      %mul3A_243 = arith.constant 16 : i32
      %mul3A_244 = arith.muli %scan3A_190, %mul3A_243 : i32
      %swap3A_245 = arith.constant 5 : i32
      %swap3A_246 = arith.index_cast %swap3A_245 : i32 to index
      %swap3A_247 = arith.index_cast %mul3A_244 : i32 to index
      %swap3A_248 = tpu.vector_load %arg8[%swap3A_246, %swap3A_247] {strides = array<i32>} : memref<32x2048xf32, #tpu.memory_space<vmem>>, vector<16xf32>,
      tpu.vector_store %arg8[%swap3A_246, %swap3A_247], %gather3A_242 {strides = array<i32>} : memref<32x2048xf32, #tpu.memory_space<vmem>>, vector<16xf32>,
      %broadcast_in_dim3A_249 = arith.constant 6 : i32
      %broadcast_in_dim3A_250 = vector.broadcast %broadcast_in_dim3A_249 : i32 to vector<16xi32>
      %gather3A_251 = tpu.vector_load_idx %arg6[%broadcast_in_dim3A_250, %get3A_195] : memref<32x512xf32, #tpu.memory_space<vmem>>[vector<16xi32>, vector<16xi32>], vector<16xf32>,
      %mul3A_252 = arith.constant 16 : i32
      %mul3A_253 = arith.muli %scan3A_190, %mul3A_252 : i32
      %swap3A_254 = arith.constant 6 : i32
      %swap3A_255 = arith.index_cast %swap3A_254 : i32 to index
      %swap3A_256 = arith.index_cast %mul3A_253 : i32 to index
      %swap3A_257 = tpu.vector_load %arg8[%swap3A_255, %swap3A_256] {strides = array<i32>} : memref<32x2048xf32, #tpu.memory_space<vmem>>, vector<16xf32>,
      tpu.vector_store %arg8[%swap3A_255, %swap3A_256], %gather3A_251 {strides = array<i32>} : memref<32x2048xf32, #tpu.memory_space<vmem>>, vector<16xf32>,
      %broadcast_in_dim3A_258 = arith.constant 7 : i32
      %broadcast_in_dim3A_259 = vector.broadcast %broadcast_in_dim3A_258 : i32 to vector<16xi32>
      %gather3A_260 = tpu.vector_load_idx %arg6[%broadcast_in_dim3A_259, %get3A_195] : memref<32x512xf32, #tpu.memory_space<vmem>>[vector<16xi32>, vector<16xi32>], vector<16xf32>,
      %mul3A_261 = arith.constant 16 : i32
      %mul3A_262 = arith.muli %scan3A_190, %mul3A_261 : i32
      %swap3A_263 = arith.constant 7 : i32
      %swap3A_264 = arith.index_cast %swap3A_263 : i32 to index
      %swap3A_265 = arith.index_cast %mul3A_262 : i32 to index
      %swap3A_266 = tpu.vector_load %arg8[%swap3A_264, %swap3A_265] {strides = array<i32>} : memref<32x2048xf32, #tpu.memory_space<vmem>>, vector<16xf32>,
      tpu.vector_store %arg8[%swap3A_264, %swap3A_265], %gather3A_260 {strides = array<i32>} : memref<32x2048xf32, #tpu.memory_space<vmem>>, vector<16xf32>,
      %broadcast_in_dim3A_267 = arith.constant 8 : i32
      %broadcast_in_dim3A_268 = vector.broadcast %broadcast_in_dim3A_267 : i32 to vector<16xi32>
      %gather3A_269 = tpu.vector_load_idx %arg6[%broadcast_in_dim3A_268, %get3A_195] : memref<32x512xf32, #tpu.memory_space<vmem>>[vector<16xi32>, vector<16xi32>], vector<16xf32>,
      %mul3A_270 = arith.constant 16 : i32
      %mul3A_271 = arith.muli %scan3A_190, %mul3A_270 : i32
      %swap3A_272 = arith.constant 8 : i32
      %swap3A_273 = arith.index_cast %swap3A_272 : i32 to index
      %swap3A_274 = arith.index_cast %mul3A_271 : i32 to index
      %swap3A_275 = tpu.vector_load %arg8[%swap3A_273, %swap3A_274] {strides = array<i32>} : memref<32x2048xf32, #tpu.memory_space<vmem>>, vector<16xf32>,
      tpu.vector_store %arg8[%swap3A_273, %swap3A_274], %gather3A_269 {strides = array<i32>} : memref<32x2048xf32, #tpu.memory_space<vmem>>, vector<16xf32>,
      %broadcast_in_dim3A_276 = arith.constant 9 : i32
      %broadcast_in_dim3A_277 = vector.broadcast %broadcast_in_dim3A_276 : i32 to vector<16xi32>
      %gather3A_278 = tpu.vector_load_idx %arg6[%broadcast_in_dim3A_277, %get3A_195] : memref<32x512xf32, #tpu.memory_space<vmem>>[vector<16xi32>, vector<16xi32>], vector<16xf32>,
      %mul3A_279 = arith.constant 16 : i32
      %mul3A_280 = arith.muli %scan3A_190, %mul3A_279 : i32
      %swap3A_281 = arith.constant 9 : i32
      %swap3A_282 = arith.index_cast %swap3A_281 : i32 to index
      %swap3A_283 = arith.index_cast %mul3A_280 : i32 to index
      %swap3A_284 = tpu.vector_load %arg8[%swap3A_282, %swap3A_283] {strides = array<i32>} : memref<32x2048xf32, #tpu.memory_space<vmem>>, vector<16xf32>,
      tpu.vector_store %arg8[%swap3A_282, %swap3A_283], %gather3A_278 {strides = array<i32>} : memref<32x2048xf32, #tpu.memory_space<vmem>>, vector<16xf32>,
      %broadcast_in_dim3A_285 = arith.constant 10 : i32
      %broadcast_in_dim3A_286 = vector.broadcast %broadcast_in_dim3A_285 : i32 to vector<16xi32>
      %gather3A_287 = tpu.vector_load_idx %arg6[%broadcast_in_dim3A_286, %get3A_195] : memref<32x512xf32, #tpu.memory_space<vmem>>[vector<16xi32>, vector<16xi32>], vector<16xf32>,
      %mul3A_288 = arith.constant 16 : i32
      %mul3A_289 = arith.muli %scan3A_190, %mul3A_288 : i32
      %swap3A_290 = arith.constant 10 : i32
      %swap3A_291 = arith.index_cast %swap3A_290 : i32 to index
      %swap3A_292 = arith.index_cast %mul3A_289 : i32 to index
      %swap3A_293 = tpu.vector_load %arg8[%swap3A_291, %swap3A_292] {strides = array<i32>} : memref<32x2048xf32, #tpu.memory_space<vmem>>, vector<16xf32>,
      tpu.vector_store %arg8[%swap3A_291, %swap3A_292], %gather3A_287 {strides = array<i32>} : memref<32x2048xf32, #tpu.memory_space<vmem>>, vector<16xf32>,
      %broadcast_in_dim3A_294 = arith.constant 11 : i32
      %broadcast_in_dim3A_295 = vector.broadcast %broadcast_in_dim3A_294 : i32 to vector<16xi32>
      %gather3A_296 = tpu.vector_load_idx %arg6[%broadcast_in_dim3A_295, %get3A_195] : memref<32x512xf32, #tpu.memory_space<vmem>>[vector<16xi32>, vector<16xi32>], vector<16xf32>,
      %mul3A_297 = arith.constant 16 : i32
      %mul3A_298 = arith.muli %scan3A_190, %mul3A_297 : i32
      %swap3A_299 = arith.constant 11 : i32
      %swap3A_300 = arith.index_cast %swap3A_299 : i32 to index
      %swap3A_301 = arith.index_cast %mul3A_298 : i32 to index
      %swap3A_302 = tpu.vector_load %arg8[%swap3A_300, %swap3A_301] {strides = array<i32>} : memref<32x2048xf32, #tpu.memory_space<vmem>>, vector<16xf32>,
      tpu.vector_store %arg8[%swap3A_300, %swap3A_301], %gather3A_296 {strides = array<i32>} : memref<32x2048xf32, #tpu.memory_space<vmem>>, vector<16xf32>,
      %broadcast_in_dim3A_303 = arith.constant 12 : i32
      %broadcast_in_dim3A_304 = vector.broadcast %broadcast_in_dim3A_303 : i32 to vector<16xi32>
      %gather3A_305 = tpu.vector_load_idx %arg6[%broadcast_in_dim3A_304, %get3A_195] : memref<32x512xf32, #tpu.memory_space<vmem>>[vector<16xi32>, vector<16xi32>], vector<16xf32>,
      %mul3A_306 = arith.constant 16 : i32
      %mul3A_307 = arith.muli %scan3A_190, %mul3A_306 : i32
      %swap3A_308 = arith.constant 12 : i32
      %swap3A_309 = arith.index_cast %swap3A_308 : i32 to index
      %swap3A_310 = arith.index_cast %mul3A_307 : i32 to index
      %swap3A_311 = tpu.vector_load %arg8[%swap3A_309, %swap3A_310] {strides = array<i32>} : memref<32x2048xf32, #tpu.memory_space<vmem>>, vector<16xf32>,
      tpu.vector_store %arg8[%swap3A_309, %swap3A_310], %gather3A_305 {strides = array<i32>} : memref<32x2048xf32, #tpu.memory_space<vmem>>, vector<16xf32>,
      %broadcast_in_dim3A_312 = arith.constant 13 : i32
      %broadcast_in_dim3A_313 = vector.broadcast %broadcast_in_dim3A_312 : i32 to vector<16xi32>
      %gather3A_314 = tpu.vector_load_idx %arg6[%broadcast_in_dim3A_313, %get3A_195] : memref<32x512xf32, #tpu.memory_space<vmem>>[vector<16xi32>, vector<16xi32>], vector<16xf32>,
      %mul3A_315 = arith.constant 16 : i32
      %mul3A_316 = arith.muli %scan3A_190, %mul3A_315 : i32
      %swap3A_317 = arith.constant 13 : i32
      %swap3A_318 = arith.index_cast %swap3A_317 : i32 to index
      %swap3A_319 = arith.index_cast %mul3A_316 : i32 to index
      %swap3A_320 = tpu.vector_load %arg8[%swap3A_318, %swap3A_319] {strides = array<i32>} : memref<32x2048xf32, #tpu.memory_space<vmem>>, vector<16xf32>,
      tpu.vector_store %arg8[%swap3A_318, %swap3A_319], %gather3A_314 {strides = array<i32>} : memref<32x2048xf32, #tpu.memory_space<vmem>>, vector<16xf32>,
      %broadcast_in_dim3A_321 = arith.constant 14 : i32
      %broadcast_in_dim3A_322 = vector.broadcast %broadcast_in_dim3A_321 : i32 to vector<16xi32>
      %gather3A_323 = tpu.vector_load_idx %arg6[%broadcast_in_dim3A_322, %get3A_195] : memref<32x512xf32, #tpu.memory_space<vmem>>[vector<16xi32>, vector<16xi32>], vector<16xf32>,
      %mul3A_324 = arith.constant 16 : i32
      %mul3A_325 = arith.muli %scan3A_190, %mul3A_324 : i32
      %swap3A_326 = arith.constant 14 : i32
      %swap3A_327 = arith.index_cast %swap3A_326 : i32 to index
      %swap3A_328 = arith.index_cast %mul3A_325 : i32 to index
      %swap3A_329 = tpu.vector_load %arg8[%swap3A_327, %swap3A_328] {strides = array<i32>} : memref<32x2048xf32, #tpu.memory_space<vmem>>, vector<16xf32>,
      tpu.vector_store %arg8[%swap3A_327, %swap3A_328], %gather3A_323 {strides = array<i32>} : memref<32x2048xf32, #tpu.memory_space<vmem>>, vector<16xf32>,
      %broadcast_in_dim3A_330 = arith.constant 15 : i32
      %broadcast_in_dim3A_331 = vector.broadcast %broadcast_in_dim3A_330 : i32 to vector<16xi32>
      %gather3A_332 = tpu.vector_load_idx %arg6[%broadcast_in_dim3A_331, %get3A_195] : memref<32x512xf32, #tpu.memory_space<vmem>>[vector<16xi32>, vector<16xi32>], vector<16xf32>,
      %mul3A_333 = arith.constant 16 : i32
      %mul3A_334 = arith.muli %scan3A_190, %mul3A_333 : i32
      %swap3A_335 = arith.constant 15 : i32
      %swap3A_336 = arith.index_cast %swap3A_335 : i32 to index
      %swap3A_337 = arith.index_cast %mul3A_334 : i32 to index
      %swap3A_338 = tpu.vector_load %arg8[%swap3A_336, %swap3A_337] {strides = array<i32>} : memref<32x2048xf32, #tpu.memory_space<vmem>>, vector<16xf32>,
      tpu.vector_store %arg8[%swap3A_336, %swap3A_337], %gather3A_332 {strides = array<i32>} : memref<32x2048xf32, #tpu.memory_space<vmem>>, vector<16xf32>,
      %broadcast_in_dim3A_339 = arith.constant 16 : i32
      %broadcast_in_dim3A_340 = vector.broadcast %broadcast_in_dim3A_339 : i32 to vector<16xi32>
      %gather3A_341 = tpu.vector_load_idx %arg6[%broadcast_in_dim3A_340, %get3A_195] : memref<32x512xf32, #tpu.memory_space<vmem>>[vector<16xi32>, vector<16xi32>], vector<16xf32>,
      %mul3A_342 = arith.constant 16 : i32
      %mul3A_343 = arith.muli %scan3A_190, %mul3A_342 : i32
      %swap3A_344 = arith.constant 16 : i32
      %swap3A_345 = arith.index_cast %swap3A_344 : i32 to index
      %swap3A_346 = arith.index_cast %mul3A_343 : i32 to index
      %swap3A_347 = tpu.vector_load %arg8[%swap3A_345, %swap3A_346] {strides = array<i32>} : memref<32x2048xf32, #tpu.memory_space<vmem>>, vector<16xf32>,
      tpu.vector_store %arg8[%swap3A_345, %swap3A_346], %gather3A_341 {strides = array<i32>} : memref<32x2048xf32, #tpu.memory_space<vmem>>, vector<16xf32>,
      %broadcast_in_dim3A_348 = arith.constant 17 : i32
      %broadcast_in_dim3A_349 = vector.broadcast %broadcast_in_dim3A_348 : i32 to vector<16xi32>
      %gather3A_350 = tpu.vector_load_idx %arg6[%broadcast_in_dim3A_349, %get3A_195] : memref<32x512xf32, #tpu.memory_space<vmem>>[vector<16xi32>, vector<16xi32>], vector<16xf32>,
      %mul3A_351 = arith.constant 16 : i32
      %mul3A_352 = arith.muli %scan3A_190, %mul3A_351 : i32
      %swap3A_353 = arith.constant 17 : i32
      %swap3A_354 = arith.index_cast %swap3A_353 : i32 to index
      %swap3A_355 = arith.index_cast %mul3A_352 : i32 to index
      %swap3A_356 = tpu.vector_load %arg8[%swap3A_354, %swap3A_355] {strides = array<i32>} : memref<32x2048xf32, #tpu.memory_space<vmem>>, vector<16xf32>,
      tpu.vector_store %arg8[%swap3A_354, %swap3A_355], %gather3A_350 {strides = array<i32>} : memref<32x2048xf32, #tpu.memory_space<vmem>>, vector<16xf32>,
      %broadcast_in_dim3A_357 = arith.constant 18 : i32
      %broadcast_in_dim3A_358 = vector.broadcast %broadcast_in_dim3A_357 : i32 to vector<16xi32>
      %gather3A_359 = tpu.vector_load_idx %arg6[%broadcast_in_dim3A_358, %get3A_195] : memref<32x512xf32, #tpu.memory_space<vmem>>[vector<16xi32>, vector<16xi32>], vector<16xf32>,
      %mul3A_360 = arith.constant 16 : i32
      %mul3A_361 = arith.muli %scan3A_190, %mul3A_360 : i32
      %swap3A_362 = arith.constant 18 : i32
      %swap3A_363 = arith.index_cast %swap3A_362 : i32 to index
      %swap3A_364 = arith.index_cast %mul3A_361 : i32 to index
      %swap3A_365 = tpu.vector_load %arg8[%swap3A_363, %swap3A_364] {strides = array<i32>} : memref<32x2048xf32, #tpu.memory_space<vmem>>, vector<16xf32>,
      tpu.vector_store %arg8[%swap3A_363, %swap3A_364], %gather3A_359 {strides = array<i32>} : memref<32x2048xf32, #tpu.memory_space<vmem>>, vector<16xf32>,
      %broadcast_in_dim3A_366 = arith.constant 19 : i32
      %broadcast_in_dim3A_367 = vector.broadcast %broadcast_in_dim3A_366 : i32 to vector<16xi32>
      %gather3A_368 = tpu.vector_load_idx %arg6[%broadcast_in_dim3A_367, %get3A_195] : memref<32x512xf32, #tpu.memory_space<vmem>>[vector<16xi32>, vector<16xi32>], vector<16xf32>,
      %mul3A_369 = arith.constant 16 : i32
      %mul3A_370 = arith.muli %scan3A_190, %mul3A_369 : i32
      %swap3A_371 = arith.constant 19 : i32
      %swap3A_372 = arith.index_cast %swap3A_371 : i32 to index
      %swap3A_373 = arith.index_cast %mul3A_370 : i32 to index
      %swap3A_374 = tpu.vector_load %arg8[%swap3A_372, %swap3A_373] {strides = array<i32>} : memref<32x2048xf32, #tpu.memory_space<vmem>>, vector<16xf32>,
      tpu.vector_store %arg8[%swap3A_372, %swap3A_373], %gather3A_368 {strides = array<i32>} : memref<32x2048xf32, #tpu.memory_space<vmem>>, vector<16xf32>,
      %broadcast_in_dim3A_375 = arith.constant 20 : i32
      %broadcast_in_dim3A_376 = vector.broadcast %broadcast_in_dim3A_375 : i32 to vector<16xi32>
      %gather3A_377 = tpu.vector_load_idx %arg6[%broadcast_in_dim3A_376, %get3A_195] : memref<32x512xf32, #tpu.memory_space<vmem>>[vector<16xi32>, vector<16xi32>], vector<16xf32>,
      %mul3A_378 = arith.constant 16 : i32
      %mul3A_379 = arith.muli %scan3A_190, %mul3A_378 : i32
      %swap3A_380 = arith.constant 20 : i32
      %swap3A_381 = arith.index_cast %swap3A_380 : i32 to index
      %swap3A_382 = arith.index_cast %mul3A_379 : i32 to index
      %swap3A_383 = tpu.vector_load %arg8[%swap3A_381, %swap3A_382] {strides = array<i32>} : memref<32x2048xf32, #tpu.memory_space<vmem>>, vector<16xf32>,
      tpu.vector_store %arg8[%swap3A_381, %swap3A_382], %gather3A_377 {strides = array<i32>} : memref<32x2048xf32, #tpu.memory_space<vmem>>, vector<16xf32>,
      %broadcast_in_dim3A_384 = arith.constant 21 : i32
      %broadcast_in_dim3A_385 = vector.broadcast %broadcast_in_dim3A_384 : i32 to vector<16xi32>
      %gather3A_386 = tpu.vector_load_idx %arg6[%broadcast_in_dim3A_385, %get3A_195] : memref<32x512xf32, #tpu.memory_space<vmem>>[vector<16xi32>, vector<16xi32>], vector<16xf32>,
      %mul3A_387 = arith.constant 16 : i32
      %mul3A_388 = arith.muli %scan3A_190, %mul3A_387 : i32
      %swap3A_389 = arith.constant 21 : i32
      %swap3A_390 = arith.index_cast %swap3A_389 : i32 to index
      %swap3A_391 = arith.index_cast %mul3A_388 : i32 to index
      %swap3A_392 = tpu.vector_load %arg8[%swap3A_390, %swap3A_391] {strides = array<i32>} : memref<32x2048xf32, #tpu.memory_space<vmem>>, vector<16xf32>,
      tpu.vector_store %arg8[%swap3A_390, %swap3A_391], %gather3A_386 {strides = array<i32>} : memref<32x2048xf32, #tpu.memory_space<vmem>>, vector<16xf32>,
      %broadcast_in_dim3A_393 = arith.constant 22 : i32
      %broadcast_in_dim3A_394 = vector.broadcast %broadcast_in_dim3A_393 : i32 to vector<16xi32>
      %gather3A_395 = tpu.vector_load_idx %arg6[%broadcast_in_dim3A_394, %get3A_195] : memref<32x512xf32, #tpu.memory_space<vmem>>[vector<16xi32>, vector<16xi32>], vector<16xf32>,
      %mul3A_396 = arith.constant 16 : i32
      %mul3A_397 = arith.muli %scan3A_190, %mul3A_396 : i32
      %swap3A_398 = arith.constant 22 : i32
      %swap3A_399 = arith.index_cast %swap3A_398 : i32 to index
      %swap3A_400 = arith.index_cast %mul3A_397 : i32 to index
      %swap3A_401 = tpu.vector_load %arg8[%swap3A_399, %swap3A_400] {strides = array<i32>} : memref<32x2048xf32, #tpu.memory_space<vmem>>, vector<16xf32>,
      tpu.vector_store %arg8[%swap3A_399, %swap3A_400], %gather3A_395 {strides = array<i32>} : memref<32x2048xf32, #tpu.memory_space<vmem>>, vector<16xf32>,
      %broadcast_in_dim3A_402 = arith.constant 23 : i32
      %broadcast_in_dim3A_403 = vector.broadcast %broadcast_in_dim3A_402 : i32 to vector<16xi32>
      %gather3A_404 = tpu.vector_load_idx %arg6[%broadcast_in_dim3A_403, %get3A_195] : memref<32x512xf32, #tpu.memory_space<vmem>>[vector<16xi32>, vector<16xi32>], vector<16xf32>,
      %mul3A_405 = arith.constant 16 : i32
      %mul3A_406 = arith.muli %scan3A_190, %mul3A_405 : i32
      %swap3A_407 = arith.constant 23 : i32
      %swap3A_408 = arith.index_cast %swap3A_407 : i32 to index
      %swap3A_409 = arith.index_cast %mul3A_406 : i32 to index
      %swap3A_410 = tpu.vector_load %arg8[%swap3A_408, %swap3A_409] {strides = array<i32>} : memref<32x2048xf32, #tpu.memory_space<vmem>>, vector<16xf32>,
      tpu.vector_store %arg8[%swap3A_408, %swap3A_409], %gather3A_404 {strides = array<i32>} : memref<32x2048xf32, #tpu.memory_space<vmem>>, vector<16xf32>,
      %broadcast_in_dim3A_411 = arith.constant 24 : i32
      %broadcast_in_dim3A_412 = vector.broadcast %broadcast_in_dim3A_411 : i32 to vector<16xi32>
      %gather3A_413 = tpu.vector_load_idx %arg6[%broadcast_in_dim3A_412, %get3A_195] : memref<32x512xf32, #tpu.memory_space<vmem>>[vector<16xi32>, vector<16xi32>], vector<16xf32>,
      %mul3A_414 = arith.constant 16 : i32
      %mul3A_415 = arith.muli %scan3A_190, %mul3A_414 : i32
      %swap3A_416 = arith.constant 24 : i32
      %swap3A_417 = arith.index_cast %swap3A_416 : i32 to index
      %swap3A_418 = arith.index_cast %mul3A_415 : i32 to index
      %swap3A_419 = tpu.vector_load %arg8[%swap3A_417, %swap3A_418] {strides = array<i32>} : memref<32x2048xf32, #tpu.memory_space<vmem>>, vector<16xf32>,
      tpu.vector_store %arg8[%swap3A_417, %swap3A_418], %gather3A_413 {strides = array<i32>} : memref<32x2048xf32, #tpu.memory_space<vmem>>, vector<16xf32>,
      %broadcast_in_dim3A_420 = arith.constant 25 : i32
      %broadcast_in_dim3A_421 = vector.broadcast %broadcast_in_dim3A_420 : i32 to vector<16xi32>
      %gather3A_422 = tpu.vector_load_idx %arg6[%broadcast_in_dim3A_421, %get3A_195] : memref<32x512xf32, #tpu.memory_space<vmem>>[vector<16xi32>, vector<16xi32>], vector<16xf32>,
      %mul3A_423 = arith.constant 16 : i32
      %mul3A_424 = arith.muli %scan3A_190, %mul3A_423 : i32
      %swap3A_425 = arith.constant 25 : i32
      %swap3A_426 = arith.index_cast %swap3A_425 : i32 to index
      %swap3A_427 = arith.index_cast %mul3A_424 : i32 to index
      %swap3A_428 = tpu.vector_load %arg8[%swap3A_426, %swap3A_427] {strides = array<i32>} : memref<32x2048xf32, #tpu.memory_space<vmem>>, vector<16xf32>,
      tpu.vector_store %arg8[%swap3A_426, %swap3A_427], %gather3A_422 {strides = array<i32>} : memref<32x2048xf32, #tpu.memory_space<vmem>>, vector<16xf32>,
      %broadcast_in_dim3A_429 = arith.constant 26 : i32
      %broadcast_in_dim3A_430 = vector.broadcast %broadcast_in_dim3A_429 : i32 to vector<16xi32>
      %gather3A_431 = tpu.vector_load_idx %arg6[%broadcast_in_dim3A_430, %get3A_195] : memref<32x512xf32, #tpu.memory_space<vmem>>[vector<16xi32>, vector<16xi32>], vector<16xf32>,
      %mul3A_432 = arith.constant 16 : i32
      %mul3A_433 = arith.muli %scan3A_190, %mul3A_432 : i32
      %swap3A_434 = arith.constant 26 : i32
      %swap3A_435 = arith.index_cast %swap3A_434 : i32 to index
      %swap3A_436 = arith.index_cast %mul3A_433 : i32 to index
      %swap3A_437 = tpu.vector_load %arg8[%swap3A_435, %swap3A_436] {strides = array<i32>} : memref<32x2048xf32, #tpu.memory_space<vmem>>, vector<16xf32>,
      tpu.vector_store %arg8[%swap3A_435, %swap3A_436], %gather3A_431 {strides = array<i32>} : memref<32x2048xf32, #tpu.memory_space<vmem>>, vector<16xf32>,
      %broadcast_in_dim3A_438 = arith.constant 27 : i32
      %broadcast_in_dim3A_439 = vector.broadcast %broadcast_in_dim3A_438 : i32 to vector<16xi32>
      %gather3A_440 = tpu.vector_load_idx %arg6[%broadcast_in_dim3A_439, %get3A_195] : memref<32x512xf32, #tpu.memory_space<vmem>>[vector<16xi32>, vector<16xi32>], vector<16xf32>,
      %mul3A_441 = arith.constant 16 : i32
      %mul3A_442 = arith.muli %scan3A_190, %mul3A_441 : i32
      %swap3A_443 = arith.constant 27 : i32
      %swap3A_444 = arith.index_cast %swap3A_443 : i32 to index
      %swap3A_445 = arith.index_cast %mul3A_442 : i32 to index
      %swap3A_446 = tpu.vector_load %arg8[%swap3A_444, %swap3A_445] {strides = array<i32>} : memref<32x2048xf32, #tpu.memory_space<vmem>>, vector<16xf32>,
      tpu.vector_store %arg8[%swap3A_444, %swap3A_445], %gather3A_440 {strides = array<i32>} : memref<32x2048xf32, #tpu.memory_space<vmem>>, vector<16xf32>,
      %broadcast_in_dim3A_447 = arith.constant 28 : i32
      %broadcast_in_dim3A_448 = vector.broadcast %broadcast_in_dim3A_447 : i32 to vector<16xi32>
      %gather3A_449 = tpu.vector_load_idx %arg6[%broadcast_in_dim3A_448, %get3A_195] : memref<32x512xf32, #tpu.memory_space<vmem>>[vector<16xi32>, vector<16xi32>], vector<16xf32>,
      %mul3A_450 = arith.constant 16 : i32
      %mul3A_451 = arith.muli %scan3A_190, %mul3A_450 : i32
      %swap3A_452 = arith.constant 28 : i32
      %swap3A_453 = arith.index_cast %swap3A_452 : i32 to index
      %swap3A_454 = arith.index_cast %mul3A_451 : i32 to index
      %swap3A_455 = tpu.vector_load %arg8[%swap3A_453, %swap3A_454] {strides = array<i32>} : memref<32x2048xf32, #tpu.memory_space<vmem>>, vector<16xf32>,
      tpu.vector_store %arg8[%swap3A_453, %swap3A_454], %gather3A_449 {strides = array<i32>} : memref<32x2048xf32, #tpu.memory_space<vmem>>, vector<16xf32>,
      %broadcast_in_dim3A_456 = arith.constant 29 : i32
      %broadcast_in_dim3A_457 = vector.broadcast %broadcast_in_dim3A_456 : i32 to vector<16xi32>
      %gather3A_458 = tpu.vector_load_idx %arg6[%broadcast_in_dim3A_457, %get3A_195] : memref<32x512xf32, #tpu.memory_space<vmem>>[vector<16xi32>, vector<16xi32>], vector<16xf32>,
      %mul3A_459 = arith.constant 16 : i32
      %mul3A_460 = arith.muli %scan3A_190, %mul3A_459 : i32
      %swap3A_461 = arith.constant 29 : i32
      %swap3A_462 = arith.index_cast %swap3A_461 : i32 to index
      %swap3A_463 = arith.index_cast %mul3A_460 : i32 to index
      %swap3A_464 = tpu.vector_load %arg8[%swap3A_462, %swap3A_463] {strides = array<i32>} : memref<32x2048xf32, #tpu.memory_space<vmem>>, vector<16xf32>,
      tpu.vector_store %arg8[%swap3A_462, %swap3A_463], %gather3A_458 {strides = array<i32>} : memref<32x2048xf32, #tpu.memory_space<vmem>>, vector<16xf32>,
      %broadcast_in_dim3A_465 = arith.constant 30 : i32
      %broadcast_in_dim3A_466 = vector.broadcast %broadcast_in_dim3A_465 : i32 to vector<16xi32>
      %gather3A_467 = tpu.vector_load_idx %arg6[%broadcast_in_dim3A_466, %get3A_195] : memref<32x512xf32, #tpu.memory_space<vmem>>[vector<16xi32>, vector<16xi32>], vector<16xf32>,
      %mul3A_468 = arith.constant 16 : i32
      %mul3A_469 = arith.muli %scan3A_190, %mul3A_468 : i32
      %swap3A_470 = arith.constant 30 : i32
      %swap3A_471 = arith.index_cast %swap3A_470 : i32 to index
      %swap3A_472 = arith.index_cast %mul3A_469 : i32 to index
      %swap3A_473 = tpu.vector_load %arg8[%swap3A_471, %swap3A_472] {strides = array<i32>} : memref<32x2048xf32, #tpu.memory_space<vmem>>, vector<16xf32>,
      tpu.vector_store %arg8[%swap3A_471, %swap3A_472], %gather3A_467 {strides = array<i32>} : memref<32x2048xf32, #tpu.memory_space<vmem>>, vector<16xf32>,
      %broadcast_in_dim3A_474 = arith.constant 31 : i32
      %broadcast_in_dim3A_475 = vector.broadcast %broadcast_in_dim3A_474 : i32 to vector<16xi32>
      %gather3A_476 = tpu.vector_load_idx %arg6[%broadcast_in_dim3A_475, %get3A_195] : memref<32x512xf32, #tpu.memory_space<vmem>>[vector<16xi32>, vector<16xi32>], vector<16xf32>,
      %mul3A_477 = arith.constant 16 : i32
      %mul3A_478 = arith.muli %scan3A_190, %mul3A_477 : i32
      %swap3A_479 = arith.constant 31 : i32
      %swap3A_480 = arith.index_cast %swap3A_479 : i32 to index
      %swap3A_481 = arith.index_cast %mul3A_478 : i32 to index
      %swap3A_482 = tpu.vector_load %arg8[%swap3A_480, %swap3A_481] {strides = array<i32>} : memref<32x2048xf32, #tpu.memory_space<vmem>>, vector<16xf32>,
      tpu.vector_store %arg8[%swap3A_480, %swap3A_481], %gather3A_476 {strides = array<i32>} : memref<32x2048xf32, #tpu.memory_space<vmem>>, vector<16xf32>,
    }
    %scan3A_94 = arith.constant 128 : i32
    %mul3A_95 = arith.constant 32 : i32
    %mul3A_96 = arith.muli %select_n3A, %mul3A_95 : i32
    "tpu.region"() ({
      %run_scoped3A = tpu.sem_alloc : memref<!tpu.dma_semaphore, #tpu.memory_space<semaphore_mem>>
      %dma_start3A = arith.constant 0 : i32
      %dma_start3A_190 = tpu.memref_slice %arg4[%sub3A_26, %mul3A_96, %dma_start3A] : memref<16x128x4096xf32, #tpu.memory_space<hbm>> -> memref<1x32x2048xf32, #tpu.memory_space<hbm>>
      %dma_start3A_191 = tpu.memref_squeeze %dma_start3A_190 : memref<1x32x2048xf32, #tpu.memory_space<hbm>> -> memref<32x2048xf32, #tpu.memory_space<hbm>>
      %dma_start3A_192 = arith.constant 0 : i32
      %dma_start3A_193 = tpu.memref_slice %arg4[%sub3A_26, %mul3A_96, %dma_start3A_192] : memref<16x128x4096xf32, #tpu.memory_space<hbm>> -> memref<1x32x2048xf32, #tpu.memory_space<hbm>>
      %dma_start3A_194 = tpu.memref_squeeze %dma_start3A_193 : memref<1x32x2048xf32, #tpu.memory_space<hbm>> -> memref<32x2048xf32, #tpu.memory_space<hbm>>
      tpu.enqueue_dma source(%arg8 : memref<32x2048xf32, #tpu.memory_space<vmem>>) target(%dma_start3A_194 : memref<32x2048xf32, #tpu.memory_space<hbm>>) target_semaphore(%run_scoped3A : memref<!tpu.dma_semaphore, #tpu.memory_space<semaphore_mem>>)
      %dma_wait3A = arith.constant 0 : i32
      %dma_wait3A_195 = tpu.memref_slice %arg4[%sub3A_26, %mul3A_96, %dma_wait3A] : memref<16x128x4096xf32, #tpu.memory_space<hbm>> -> memref<1x32x2048xf32, #tpu.memory_space<hbm>>
      %dma_wait3A_196 = tpu.memref_squeeze %dma_wait3A_195 : memref<1x32x2048xf32, #tpu.memory_space<hbm>> -> memref<32x2048xf32, #tpu.memory_space<hbm>>
      %dma_wait3A_197 = arith.constant 0 : i32
      %dma_wait3A_198 = tpu.memref_slice %arg4[%sub3A_26, %mul3A_96, %dma_wait3A_197] : memref<16x128x4096xf32, #tpu.memory_space<hbm>> -> memref<1x32x2048xf32, #tpu.memory_space<hbm>>
      %dma_wait3A_199 = tpu.memref_squeeze %dma_wait3A_198 : memref<1x32x2048xf32, #tpu.memory_space<hbm>> -> memref<32x2048xf32, #tpu.memory_space<hbm>>
      tpu.wait_dma2 semaphore(%run_scoped3A : memref<!tpu.dma_semaphore, #tpu.memory_space<semaphore_mem>>) src(%arg8 : memref<32x2048xf32, #tpu.memory_space<vmem>>) dst(%dma_wait3A_199 : memref<32x2048xf32, #tpu.memory_space<hbm>>)
      tpu.yield
    }) : () -> ()
    %scan3A_97 = arith.constant 0 : i32
    %scan3A_98 = arith.constant 0 : i32
    %scan3A_99 = arith.constant 128 : i32
    %scan3A_100 = arith.addi %scan3A_98, %scan3A_99 : i32
    %scan3A_101 = arith.constant 1 : i32
    scf.for %scan3A_190 = %scan3A_98 to %scan3A_100 step %scan3A_101  : i32 {
      %mul3A_191 = arith.constant 16 : i32
      %mul3A_192 = arith.muli %scan3A_190, %mul3A_191 : i32
      %add3A_193 = arith.constant 2048 : i32
      %add3A_194 = arith.addi %add3A_193, %mul3A_192 : i32
      %get3A = arith.index_cast %add3A_194 : i32 to index
      %get3A_195 = tpu.vector_load %arg7[%get3A] {strides = array<i32>} : memref<4096xi32, #tpu.memory_space<vmem>>, vector<16xi32>,
      tpu.vector_store_idx %arg9[%get3A_195], %broadcast_in_dim3A_1 {add = true} : memref<512xf32, #tpu.memory_space<vmem>>[vector<16xi32>], vector<16xf32>,
      %broadcast_in_dim3A_196 = arith.constant 0 : i32
      %broadcast_in_dim3A_197 = vector.broadcast %broadcast_in_dim3A_196 : i32 to vector<16xi32>
      %gather3A = tpu.vector_load_idx %arg6[%broadcast_in_dim3A_197, %get3A_195] : memref<32x512xf32, #tpu.memory_space<vmem>>[vector<16xi32>, vector<16xi32>], vector<16xf32>,
      %mul3A_198 = arith.constant 16 : i32
      %mul3A_199 = arith.muli %scan3A_190, %mul3A_198 : i32
      %swap3A_200 = arith.constant 0 : i32
      %swap3A_201 = arith.index_cast %swap3A_200 : i32 to index
      %swap3A_202 = arith.index_cast %mul3A_199 : i32 to index
      %swap3A_203 = tpu.vector_load %arg8[%swap3A_201, %swap3A_202] {strides = array<i32>} : memref<32x2048xf32, #tpu.memory_space<vmem>>, vector<16xf32>,
      tpu.vector_store %arg8[%swap3A_201, %swap3A_202], %gather3A {strides = array<i32>} : memref<32x2048xf32, #tpu.memory_space<vmem>>, vector<16xf32>,
      %broadcast_in_dim3A_204 = arith.constant 1 : i32
      %broadcast_in_dim3A_205 = vector.broadcast %broadcast_in_dim3A_204 : i32 to vector<16xi32>
      %gather3A_206 = tpu.vector_load_idx %arg6[%broadcast_in_dim3A_205, %get3A_195] : memref<32x512xf32, #tpu.memory_space<vmem>>[vector<16xi32>, vector<16xi32>], vector<16xf32>,
      %mul3A_207 = arith.constant 16 : i32
      %mul3A_208 = arith.muli %scan3A_190, %mul3A_207 : i32
      %swap3A_209 = arith.constant 1 : i32
      %swap3A_210 = arith.index_cast %swap3A_209 : i32 to index
      %swap3A_211 = arith.index_cast %mul3A_208 : i32 to index
      %swap3A_212 = tpu.vector_load %arg8[%swap3A_210, %swap3A_211] {strides = array<i32>} : memref<32x2048xf32, #tpu.memory_space<vmem>>, vector<16xf32>,
      tpu.vector_store %arg8[%swap3A_210, %swap3A_211], %gather3A_206 {strides = array<i32>} : memref<32x2048xf32, #tpu.memory_space<vmem>>, vector<16xf32>,
      %broadcast_in_dim3A_213 = arith.constant 2 : i32
      %broadcast_in_dim3A_214 = vector.broadcast %broadcast_in_dim3A_213 : i32 to vector<16xi32>
      %gather3A_215 = tpu.vector_load_idx %arg6[%broadcast_in_dim3A_214, %get3A_195] : memref<32x512xf32, #tpu.memory_space<vmem>>[vector<16xi32>, vector<16xi32>], vector<16xf32>,
      %mul3A_216 = arith.constant 16 : i32
      %mul3A_217 = arith.muli %scan3A_190, %mul3A_216 : i32
      %swap3A_218 = arith.constant 2 : i32
      %swap3A_219 = arith.index_cast %swap3A_218 : i32 to index
      %swap3A_220 = arith.index_cast %mul3A_217 : i32 to index
      %swap3A_221 = tpu.vector_load %arg8[%swap3A_219, %swap3A_220] {strides = array<i32>} : memref<32x2048xf32, #tpu.memory_space<vmem>>, vector<16xf32>,
      tpu.vector_store %arg8[%swap3A_219, %swap3A_220], %gather3A_215 {strides = array<i32>} : memref<32x2048xf32, #tpu.memory_space<vmem>>, vector<16xf32>,
      %broadcast_in_dim3A_222 = arith.constant 3 : i32
      %broadcast_in_dim3A_223 = vector.broadcast %broadcast_in_dim3A_222 : i32 to vector<16xi32>
      %gather3A_224 = tpu.vector_load_idx %arg6[%broadcast_in_dim3A_223, %get3A_195] : memref<32x512xf32, #tpu.memory_space<vmem>>[vector<16xi32>, vector<16xi32>], vector<16xf32>,
      %mul3A_225 = arith.constant 16 : i32
      %mul3A_226 = arith.muli %scan3A_190, %mul3A_225 : i32
      %swap3A_227 = arith.constant 3 : i32
      %swap3A_228 = arith.index_cast %swap3A_227 : i32 to index
      %swap3A_229 = arith.index_cast %mul3A_226 : i32 to index
      %swap3A_230 = tpu.vector_load %arg8[%swap3A_228, %swap3A_229] {strides = array<i32>} : memref<32x2048xf32, #tpu.memory_space<vmem>>, vector<16xf32>,
      tpu.vector_store %arg8[%swap3A_228, %swap3A_229], %gather3A_224 {strides = array<i32>} : memref<32x2048xf32, #tpu.memory_space<vmem>>, vector<16xf32>,
      %broadcast_in_dim3A_231 = arith.constant 4 : i32
      %broadcast_in_dim3A_232 = vector.broadcast %broadcast_in_dim3A_231 : i32 to vector<16xi32>
      %gather3A_233 = tpu.vector_load_idx %arg6[%broadcast_in_dim3A_232, %get3A_195] : memref<32x512xf32, #tpu.memory_space<vmem>>[vector<16xi32>, vector<16xi32>], vector<16xf32>,
      %mul3A_234 = arith.constant 16 : i32
      %mul3A_235 = arith.muli %scan3A_190, %mul3A_234 : i32
      %swap3A_236 = arith.constant 4 : i32
      %swap3A_237 = arith.index_cast %swap3A_236 : i32 to index
      %swap3A_238 = arith.index_cast %mul3A_235 : i32 to index
      %swap3A_239 = tpu.vector_load %arg8[%swap3A_237, %swap3A_238] {strides = array<i32>} : memref<32x2048xf32, #tpu.memory_space<vmem>>, vector<16xf32>,
      tpu.vector_store %arg8[%swap3A_237, %swap3A_238], %gather3A_233 {strides = array<i32>} : memref<32x2048xf32, #tpu.memory_space<vmem>>, vector<16xf32>,
      %broadcast_in_dim3A_240 = arith.constant 5 : i32
      %broadcast_in_dim3A_241 = vector.broadcast %broadcast_in_dim3A_240 : i32 to vector<16xi32>
      %gather3A_242 = tpu.vector_load_idx %arg6[%broadcast_in_dim3A_241, %get3A_195] : memref<32x512xf32, #tpu.memory_space<vmem>>[vector<16xi32>, vector<16xi32>], vector<16xf32>,
      %mul3A_243 = arith.constant 16 : i32
      %mul3A_244 = arith.muli %scan3A_190, %mul3A_243 : i32
      %swap3A_245 = arith.constant 5 : i32
      %swap3A_246 = arith.index_cast %swap3A_245 : i32 to index
      %swap3A_247 = arith.index_cast %mul3A_244 : i32 to index
      %swap3A_248 = tpu.vector_load %arg8[%swap3A_246, %swap3A_247] {strides = array<i32>} : memref<32x2048xf32, #tpu.memory_space<vmem>>, vector<16xf32>,
      tpu.vector_store %arg8[%swap3A_246, %swap3A_247], %gather3A_242 {strides = array<i32>} : memref<32x2048xf32, #tpu.memory_space<vmem>>, vector<16xf32>,
      %broadcast_in_dim3A_249 = arith.constant 6 : i32
      %broadcast_in_dim3A_250 = vector.broadcast %broadcast_in_dim3A_249 : i32 to vector<16xi32>
      %gather3A_251 = tpu.vector_load_idx %arg6[%broadcast_in_dim3A_250, %get3A_195] : memref<32x512xf32, #tpu.memory_space<vmem>>[vector<16xi32>, vector<16xi32>], vector<16xf32>,
      %mul3A_252 = arith.constant 16 : i32
      %mul3A_253 = arith.muli %scan3A_190, %mul3A_252 : i32
      %swap3A_254 = arith.constant 6 : i32
      %swap3A_255 = arith.index_cast %swap3A_254 : i32 to index
      %swap3A_256 = arith.index_cast %mul3A_253 : i32 to index
      %swap3A_257 = tpu.vector_load %arg8[%swap3A_255, %swap3A_256] {strides = array<i32>} : memref<32x2048xf32, #tpu.memory_space<vmem>>, vector<16xf32>,
      tpu.vector_store %arg8[%swap3A_255, %swap3A_256], %gather3A_251 {strides = array<i32>} : memref<32x2048xf32, #tpu.memory_space<vmem>>, vector<16xf32>,
      %broadcast_in_dim3A_258 = arith.constant 7 : i32
      %broadcast_in_dim3A_259 = vector.broadcast %broadcast_in_dim3A_258 : i32 to vector<16xi32>
      %gather3A_260 = tpu.vector_load_idx %arg6[%broadcast_in_dim3A_259, %get3A_195] : memref<32x512xf32, #tpu.memory_space<vmem>>[vector<16xi32>, vector<16xi32>], vector<16xf32>,
      %mul3A_261 = arith.constant 16 : i32
      %mul3A_262 = arith.muli %scan3A_190, %mul3A_261 : i32
      %swap3A_263 = arith.constant 7 : i32
      %swap3A_264 = arith.index_cast %swap3A_263 : i32 to index
      %swap3A_265 = arith.index_cast %mul3A_262 : i32 to index
      %swap3A_266 = tpu.vector_load %arg8[%swap3A_264, %swap3A_265] {strides = array<i32>} : memref<32x2048xf32, #tpu.memory_space<vmem>>, vector<16xf32>,
      tpu.vector_store %arg8[%swap3A_264, %swap3A_265], %gather3A_260 {strides = array<i32>} : memref<32x2048xf32, #tpu.memory_space<vmem>>, vector<16xf32>,
      %broadcast_in_dim3A_267 = arith.constant 8 : i32
      %broadcast_in_dim3A_268 = vector.broadcast %broadcast_in_dim3A_267 : i32 to vector<16xi32>
      %gather3A_269 = tpu.vector_load_idx %arg6[%broadcast_in_dim3A_268, %get3A_195] : memref<32x512xf32, #tpu.memory_space<vmem>>[vector<16xi32>, vector<16xi32>], vector<16xf32>,
      %mul3A_270 = arith.constant 16 : i32
      %mul3A_271 = arith.muli %scan3A_190, %mul3A_270 : i32
      %swap3A_272 = arith.constant 8 : i32
      %swap3A_273 = arith.index_cast %swap3A_272 : i32 to index
      %swap3A_274 = arith.index_cast %mul3A_271 : i32 to index
      %swap3A_275 = tpu.vector_load %arg8[%swap3A_273, %swap3A_274] {strides = array<i32>} : memref<32x2048xf32, #tpu.memory_space<vmem>>, vector<16xf32>,
      tpu.vector_store %arg8[%swap3A_273, %swap3A_274], %gather3A_269 {strides = array<i32>} : memref<32x2048xf32, #tpu.memory_space<vmem>>, vector<16xf32>,
      %broadcast_in_dim3A_276 = arith.constant 9 : i32
      %broadcast_in_dim3A_277 = vector.broadcast %broadcast_in_dim3A_276 : i32 to vector<16xi32>
      %gather3A_278 = tpu.vector_load_idx %arg6[%broadcast_in_dim3A_277, %get3A_195] : memref<32x512xf32, #tpu.memory_space<vmem>>[vector<16xi32>, vector<16xi32>], vector<16xf32>,
      %mul3A_279 = arith.constant 16 : i32
      %mul3A_280 = arith.muli %scan3A_190, %mul3A_279 : i32
      %swap3A_281 = arith.constant 9 : i32
      %swap3A_282 = arith.index_cast %swap3A_281 : i32 to index
      %swap3A_283 = arith.index_cast %mul3A_280 : i32 to index
      %swap3A_284 = tpu.vector_load %arg8[%swap3A_282, %swap3A_283] {strides = array<i32>} : memref<32x2048xf32, #tpu.memory_space<vmem>>, vector<16xf32>,
      tpu.vector_store %arg8[%swap3A_282, %swap3A_283], %gather3A_278 {strides = array<i32>} : memref<32x2048xf32, #tpu.memory_space<vmem>>, vector<16xf32>,
      %broadcast_in_dim3A_285 = arith.constant 10 : i32
      %broadcast_in_dim3A_286 = vector.broadcast %broadcast_in_dim3A_285 : i32 to vector<16xi32>
      %gather3A_287 = tpu.vector_load_idx %arg6[%broadcast_in_dim3A_286, %get3A_195] : memref<32x512xf32, #tpu.memory_space<vmem>>[vector<16xi32>, vector<16xi32>], vector<16xf32>,
      %mul3A_288 = arith.constant 16 : i32
      %mul3A_289 = arith.muli %scan3A_190, %mul3A_288 : i32
      %swap3A_290 = arith.constant 10 : i32
      %swap3A_291 = arith.index_cast %swap3A_290 : i32 to index
      %swap3A_292 = arith.index_cast %mul3A_289 : i32 to index
      %swap3A_293 = tpu.vector_load %arg8[%swap3A_291, %swap3A_292] {strides = array<i32>} : memref<32x2048xf32, #tpu.memory_space<vmem>>, vector<16xf32>,
      tpu.vector_store %arg8[%swap3A_291, %swap3A_292], %gather3A_287 {strides = array<i32>} : memref<32x2048xf32, #tpu.memory_space<vmem>>, vector<16xf32>,
      %broadcast_in_dim3A_294 = arith.constant 11 : i32
      %broadcast_in_dim3A_295 = vector.broadcast %broadcast_in_dim3A_294 : i32 to vector<16xi32>
      %gather3A_296 = tpu.vector_load_idx %arg6[%broadcast_in_dim3A_295, %get3A_195] : memref<32x512xf32, #tpu.memory_space<vmem>>[vector<16xi32>, vector<16xi32>], vector<16xf32>,
      %mul3A_297 = arith.constant 16 : i32
      %mul3A_298 = arith.muli %scan3A_190, %mul3A_297 : i32
      %swap3A_299 = arith.constant 11 : i32
      %swap3A_300 = arith.index_cast %swap3A_299 : i32 to index
      %swap3A_301 = arith.index_cast %mul3A_298 : i32 to index
      %swap3A_302 = tpu.vector_load %arg8[%swap3A_300, %swap3A_301] {strides = array<i32>} : memref<32x2048xf32, #tpu.memory_space<vmem>>, vector<16xf32>,
      tpu.vector_store %arg8[%swap3A_300, %swap3A_301], %gather3A_296 {strides = array<i32>} : memref<32x2048xf32, #tpu.memory_space<vmem>>, vector<16xf32>,
      %broadcast_in_dim3A_303 = arith.constant 12 : i32
      %broadcast_in_dim3A_304 = vector.broadcast %broadcast_in_dim3A_303 : i32 to vector<16xi32>
      %gather3A_305 = tpu.vector_load_idx %arg6[%broadcast_in_dim3A_304, %get3A_195] : memref<32x512xf32, #tpu.memory_space<vmem>>[vector<16xi32>, vector<16xi32>], vector<16xf32>,
      %mul3A_306 = arith.constant 16 : i32
      %mul3A_307 = arith.muli %scan3A_190, %mul3A_306 : i32
      %swap3A_308 = arith.constant 12 : i32
      %swap3A_309 = arith.index_cast %swap3A_308 : i32 to index
      %swap3A_310 = arith.index_cast %mul3A_307 : i32 to index
      %swap3A_311 = tpu.vector_load %arg8[%swap3A_309, %swap3A_310] {strides = array<i32>} : memref<32x2048xf32, #tpu.memory_space<vmem>>, vector<16xf32>,
      tpu.vector_store %arg8[%swap3A_309, %swap3A_310], %gather3A_305 {strides = array<i32>} : memref<32x2048xf32, #tpu.memory_space<vmem>>, vector<16xf32>,
      %broadcast_in_dim3A_312 = arith.constant 13 : i32
      %broadcast_in_dim3A_313 = vector.broadcast %broadcast_in_dim3A_312 : i32 to vector<16xi32>
      %gather3A_314 = tpu.vector_load_idx %arg6[%broadcast_in_dim3A_313, %get3A_195] : memref<32x512xf32, #tpu.memory_space<vmem>>[vector<16xi32>, vector<16xi32>], vector<16xf32>,
      %mul3A_315 = arith.constant 16 : i32
      %mul3A_316 = arith.muli %scan3A_190, %mul3A_315 : i32
      %swap3A_317 = arith.constant 13 : i32
      %swap3A_318 = arith.index_cast %swap3A_317 : i32 to index
      %swap3A_319 = arith.index_cast %mul3A_316 : i32 to index
      %swap3A_320 = tpu.vector_load %arg8[%swap3A_318, %swap3A_319] {strides = array<i32>} : memref<32x2048xf32, #tpu.memory_space<vmem>>, vector<16xf32>,
      tpu.vector_store %arg8[%swap3A_318, %swap3A_319], %gather3A_314 {strides = array<i32>} : memref<32x2048xf32, #tpu.memory_space<vmem>>, vector<16xf32>,
      %broadcast_in_dim3A_321 = arith.constant 14 : i32
      %broadcast_in_dim3A_322 = vector.broadcast %broadcast_in_dim3A_321 : i32 to vector<16xi32>
      %gather3A_323 = tpu.vector_load_idx %arg6[%broadcast_in_dim3A_322, %get3A_195] : memref<32x512xf32, #tpu.memory_space<vmem>>[vector<16xi32>, vector<16xi32>], vector<16xf32>,
      %mul3A_324 = arith.constant 16 : i32
      %mul3A_325 = arith.muli %scan3A_190, %mul3A_324 : i32
      %swap3A_326 = arith.constant 14 : i32
      %swap3A_327 = arith.index_cast %swap3A_326 : i32 to index
      %swap3A_328 = arith.index_cast %mul3A_325 : i32 to index
      %swap3A_329 = tpu.vector_load %arg8[%swap3A_327, %swap3A_328] {strides = array<i32>} : memref<32x2048xf32, #tpu.memory_space<vmem>>, vector<16xf32>,
      tpu.vector_store %arg8[%swap3A_327, %swap3A_328], %gather3A_323 {strides = array<i32>} : memref<32x2048xf32, #tpu.memory_space<vmem>>, vector<16xf32>,
      %broadcast_in_dim3A_330 = arith.constant 15 : i32
      %broadcast_in_dim3A_331 = vector.broadcast %broadcast_in_dim3A_330 : i32 to vector<16xi32>
      %gather3A_332 = tpu.vector_load_idx %arg6[%broadcast_in_dim3A_331, %get3A_195] : memref<32x512xf32, #tpu.memory_space<vmem>>[vector<16xi32>, vector<16xi32>], vector<16xf32>,
      %mul3A_333 = arith.constant 16 : i32
      %mul3A_334 = arith.muli %scan3A_190, %mul3A_333 : i32
      %swap3A_335 = arith.constant 15 : i32
      %swap3A_336 = arith.index_cast %swap3A_335 : i32 to index
      %swap3A_337 = arith.index_cast %mul3A_334 : i32 to index
      %swap3A_338 = tpu.vector_load %arg8[%swap3A_336, %swap3A_337] {strides = array<i32>} : memref<32x2048xf32, #tpu.memory_space<vmem>>, vector<16xf32>,
      tpu.vector_store %arg8[%swap3A_336, %swap3A_337], %gather3A_332 {strides = array<i32>} : memref<32x2048xf32, #tpu.memory_space<vmem>>, vector<16xf32>,
      %broadcast_in_dim3A_339 = arith.constant 16 : i32
      %broadcast_in_dim3A_340 = vector.broadcast %broadcast_in_dim3A_339 : i32 to vector<16xi32>
      %gather3A_341 = tpu.vector_load_idx %arg6[%broadcast_in_dim3A_340, %get3A_195] : memref<32x512xf32, #tpu.memory_space<vmem>>[vector<16xi32>, vector<16xi32>], vector<16xf32>,
      %mul3A_342 = arith.constant 16 : i32
      %mul3A_343 = arith.muli %scan3A_190, %mul3A_342 : i32
      %swap3A_344 = arith.constant 16 : i32
      %swap3A_345 = arith.index_cast %swap3A_344 : i32 to index
      %swap3A_346 = arith.index_cast %mul3A_343 : i32 to index
      %swap3A_347 = tpu.vector_load %arg8[%swap3A_345, %swap3A_346] {strides = array<i32>} : memref<32x2048xf32, #tpu.memory_space<vmem>>, vector<16xf32>,
      tpu.vector_store %arg8[%swap3A_345, %swap3A_346], %gather3A_341 {strides = array<i32>} : memref<32x2048xf32, #tpu.memory_space<vmem>>, vector<16xf32>,
      %broadcast_in_dim3A_348 = arith.constant 17 : i32
      %broadcast_in_dim3A_349 = vector.broadcast %broadcast_in_dim3A_348 : i32 to vector<16xi32>
      %gather3A_350 = tpu.vector_load_idx %arg6[%broadcast_in_dim3A_349, %get3A_195] : memref<32x512xf32, #tpu.memory_space<vmem>>[vector<16xi32>, vector<16xi32>], vector<16xf32>,
      %mul3A_351 = arith.constant 16 : i32
      %mul3A_352 = arith.muli %scan3A_190, %mul3A_351 : i32
      %swap3A_353 = arith.constant 17 : i32
      %swap3A_354 = arith.index_cast %swap3A_353 : i32 to index
      %swap3A_355 = arith.index_cast %mul3A_352 : i32 to index
      %swap3A_356 = tpu.vector_load %arg8[%swap3A_354, %swap3A_355] {strides = array<i32>} : memref<32x2048xf32, #tpu.memory_space<vmem>>, vector<16xf32>,
      tpu.vector_store %arg8[%swap3A_354, %swap3A_355], %gather3A_350 {strides = array<i32>} : memref<32x2048xf32, #tpu.memory_space<vmem>>, vector<16xf32>,
      %broadcast_in_dim3A_357 = arith.constant 18 : i32
      %broadcast_in_dim3A_358 = vector.broadcast %broadcast_in_dim3A_357 : i32 to vector<16xi32>
      %gather3A_359 = tpu.vector_load_idx %arg6[%broadcast_in_dim3A_358, %get3A_195] : memref<32x512xf32, #tpu.memory_space<vmem>>[vector<16xi32>, vector<16xi32>], vector<16xf32>,
      %mul3A_360 = arith.constant 16 : i32
      %mul3A_361 = arith.muli %scan3A_190, %mul3A_360 : i32
      %swap3A_362 = arith.constant 18 : i32
      %swap3A_363 = arith.index_cast %swap3A_362 : i32 to index
      %swap3A_364 = arith.index_cast %mul3A_361 : i32 to index
      %swap3A_365 = tpu.vector_load %arg8[%swap3A_363, %swap3A_364] {strides = array<i32>} : memref<32x2048xf32, #tpu.memory_space<vmem>>, vector<16xf32>,
      tpu.vector_store %arg8[%swap3A_363, %swap3A_364], %gather3A_359 {strides = array<i32>} : memref<32x2048xf32, #tpu.memory_space<vmem>>, vector<16xf32>,
      %broadcast_in_dim3A_366 = arith.constant 19 : i32
      %broadcast_in_dim3A_367 = vector.broadcast %broadcast_in_dim3A_366 : i32 to vector<16xi32>
      %gather3A_368 = tpu.vector_load_idx %arg6[%broadcast_in_dim3A_367, %get3A_195] : memref<32x512xf32, #tpu.memory_space<vmem>>[vector<16xi32>, vector<16xi32>], vector<16xf32>,
      %mul3A_369 = arith.constant 16 : i32
      %mul3A_370 = arith.muli %scan3A_190, %mul3A_369 : i32
      %swap3A_371 = arith.constant 19 : i32
      %swap3A_372 = arith.index_cast %swap3A_371 : i32 to index
      %swap3A_373 = arith.index_cast %mul3A_370 : i32 to index
      %swap3A_374 = tpu.vector_load %arg8[%swap3A_372, %swap3A_373] {strides = array<i32>} : memref<32x2048xf32, #tpu.memory_space<vmem>>, vector<16xf32>,
      tpu.vector_store %arg8[%swap3A_372, %swap3A_373], %gather3A_368 {strides = array<i32>} : memref<32x2048xf32, #tpu.memory_space<vmem>>, vector<16xf32>,
      %broadcast_in_dim3A_375 = arith.constant 20 : i32
      %broadcast_in_dim3A_376 = vector.broadcast %broadcast_in_dim3A_375 : i32 to vector<16xi32>
      %gather3A_377 = tpu.vector_load_idx %arg6[%broadcast_in_dim3A_376, %get3A_195] : memref<32x512xf32, #tpu.memory_space<vmem>>[vector<16xi32>, vector<16xi32>], vector<16xf32>,
      %mul3A_378 = arith.constant 16 : i32
      %mul3A_379 = arith.muli %scan3A_190, %mul3A_378 : i32
      %swap3A_380 = arith.constant 20 : i32
      %swap3A_381 = arith.index_cast %swap3A_380 : i32 to index
      %swap3A_382 = arith.index_cast %mul3A_379 : i32 to index
      %swap3A_383 = tpu.vector_load %arg8[%swap3A_381, %swap3A_382] {strides = array<i32>} : memref<32x2048xf32, #tpu.memory_space<vmem>>, vector<16xf32>,
      tpu.vector_store %arg8[%swap3A_381, %swap3A_382], %gather3A_377 {strides = array<i32>} : memref<32x2048xf32, #tpu.memory_space<vmem>>, vector<16xf32>,
      %broadcast_in_dim3A_384 = arith.constant 21 : i32
      %broadcast_in_dim3A_385 = vector.broadcast %broadcast_in_dim3A_384 : i32 to vector<16xi32>
      %gather3A_386 = tpu.vector_load_idx %arg6[%broadcast_in_dim3A_385, %get3A_195] : memref<32x512xf32, #tpu.memory_space<vmem>>[vector<16xi32>, vector<16xi32>], vector<16xf32>,
      %mul3A_387 = arith.constant 16 : i32
      %mul3A_388 = arith.muli %scan3A_190, %mul3A_387 : i32
      %swap3A_389 = arith.constant 21 : i32
      %swap3A_390 = arith.index_cast %swap3A_389 : i32 to index
      %swap3A_391 = arith.index_cast %mul3A_388 : i32 to index
      %swap3A_392 = tpu.vector_load %arg8[%swap3A_390, %swap3A_391] {strides = array<i32>} : memref<32x2048xf32, #tpu.memory_space<vmem>>, vector<16xf32>,
      tpu.vector_store %arg8[%swap3A_390, %swap3A_391], %gather3A_386 {strides = array<i32>} : memref<32x2048xf32, #tpu.memory_space<vmem>>, vector<16xf32>,
      %broadcast_in_dim3A_393 = arith.constant 22 : i32
      %broadcast_in_dim3A_394 = vector.broadcast %broadcast_in_dim3A_393 : i32 to vector<16xi32>
      %gather3A_395 = tpu.vector_load_idx %arg6[%broadcast_in_dim3A_394, %get3A_195] : memref<32x512xf32, #tpu.memory_space<vmem>>[vector<16xi32>, vector<16xi32>], vector<16xf32>,
      %mul3A_396 = arith.constant 16 : i32
      %mul3A_397 = arith.muli %scan3A_190, %mul3A_396 : i32
      %swap3A_398 = arith.constant 22 : i32
      %swap3A_399 = arith.index_cast %swap3A_398 : i32 to index
      %swap3A_400 = arith.index_cast %mul3A_397 : i32 to index
      %swap3A_401 = tpu.vector_load %arg8[%swap3A_399, %swap3A_400] {strides = array<i32>} : memref<32x2048xf32, #tpu.memory_space<vmem>>, vector<16xf32>,
      tpu.vector_store %arg8[%swap3A_399, %swap3A_400], %gather3A_395 {strides = array<i32>} : memref<32x2048xf32, #tpu.memory_space<vmem>>, vector<16xf32>,
      %broadcast_in_dim3A_402 = arith.constant 23 : i32
      %broadcast_in_dim3A_403 = vector.broadcast %broadcast_in_dim3A_402 : i32 to vector<16xi32>
      %gather3A_404 = tpu.vector_load_idx %arg6[%broadcast_in_dim3A_403, %get3A_195] : memref<32x512xf32, #tpu.memory_space<vmem>>[vector<16xi32>, vector<16xi32>], vector<16xf32>,
      %mul3A_405 = arith.constant 16 : i32
      %mul3A_406 = arith.muli %scan3A_190, %mul3A_405 : i32
      %swap3A_407 = arith.constant 23 : i32
      %swap3A_408 = arith.index_cast %swap3A_407 : i32 to index
      %swap3A_409 = arith.index_cast %mul3A_406 : i32 to index
      %swap3A_410 = tpu.vector_load %arg8[%swap3A_408, %swap3A_409] {strides = array<i32>} : memref<32x2048xf32, #tpu.memory_space<vmem>>, vector<16xf32>,
      tpu.vector_store %arg8[%swap3A_408, %swap3A_409], %gather3A_404 {strides = array<i32>} : memref<32x2048xf32, #tpu.memory_space<vmem>>, vector<16xf32>,
      %broadcast_in_dim3A_411 = arith.constant 24 : i32
      %broadcast_in_dim3A_412 = vector.broadcast %broadcast_in_dim3A_411 : i32 to vector<16xi32>
      %gather3A_413 = tpu.vector_load_idx %arg6[%broadcast_in_dim3A_412, %get3A_195] : memref<32x512xf32, #tpu.memory_space<vmem>>[vector<16xi32>, vector<16xi32>], vector<16xf32>,
      %mul3A_414 = arith.constant 16 : i32
      %mul3A_415 = arith.muli %scan3A_190, %mul3A_414 : i32
      %swap3A_416 = arith.constant 24 : i32
      %swap3A_417 = arith.index_cast %swap3A_416 : i32 to index
      %swap3A_418 = arith.index_cast %mul3A_415 : i32 to index
      %swap3A_419 = tpu.vector_load %arg8[%swap3A_417, %swap3A_418] {strides = array<i32>} : memref<32x2048xf32, #tpu.memory_space<vmem>>, vector<16xf32>,
      tpu.vector_store %arg8[%swap3A_417, %swap3A_418], %gather3A_413 {strides = array<i32>} : memref<32x2048xf32, #tpu.memory_space<vmem>>, vector<16xf32>,
      %broadcast_in_dim3A_420 = arith.constant 25 : i32
      %broadcast_in_dim3A_421 = vector.broadcast %broadcast_in_dim3A_420 : i32 to vector<16xi32>
      %gather3A_422 = tpu.vector_load_idx %arg6[%broadcast_in_dim3A_421, %get3A_195] : memref<32x512xf32, #tpu.memory_space<vmem>>[vector<16xi32>, vector<16xi32>], vector<16xf32>,
      %mul3A_423 = arith.constant 16 : i32
      %mul3A_424 = arith.muli %scan3A_190, %mul3A_423 : i32
      %swap3A_425 = arith.constant 25 : i32
      %swap3A_426 = arith.index_cast %swap3A_425 : i32 to index
      %swap3A_427 = arith.index_cast %mul3A_424 : i32 to index
      %swap3A_428 = tpu.vector_load %arg8[%swap3A_426, %swap3A_427] {strides = array<i32>} : memref<32x2048xf32, #tpu.memory_space<vmem>>, vector<16xf32>,
      tpu.vector_store %arg8[%swap3A_426, %swap3A_427], %gather3A_422 {strides = array<i32>} : memref<32x2048xf32, #tpu.memory_space<vmem>>, vector<16xf32>,
      %broadcast_in_dim3A_429 = arith.constant 26 : i32
      %broadcast_in_dim3A_430 = vector.broadcast %broadcast_in_dim3A_429 : i32 to vector<16xi32>
      %gather3A_431 = tpu.vector_load_idx %arg6[%broadcast_in_dim3A_430, %get3A_195] : memref<32x512xf32, #tpu.memory_space<vmem>>[vector<16xi32>, vector<16xi32>], vector<16xf32>,
      %mul3A_432 = arith.constant 16 : i32
      %mul3A_433 = arith.muli %scan3A_190, %mul3A_432 : i32
      %swap3A_434 = arith.constant 26 : i32
      %swap3A_435 = arith.index_cast %swap3A_434 : i32 to index
      %swap3A_436 = arith.index_cast %mul3A_433 : i32 to index
      %swap3A_437 = tpu.vector_load %arg8[%swap3A_435, %swap3A_436] {strides = array<i32>} : memref<32x2048xf32, #tpu.memory_space<vmem>>, vector<16xf32>,
      tpu.vector_store %arg8[%swap3A_435, %swap3A_436], %gather3A_431 {strides = array<i32>} : memref<32x2048xf32, #tpu.memory_space<vmem>>, vector<16xf32>,
      %broadcast_in_dim3A_438 = arith.constant 27 : i32
      %broadcast_in_dim3A_439 = vector.broadcast %broadcast_in_dim3A_438 : i32 to vector<16xi32>
      %gather3A_440 = tpu.vector_load_idx %arg6[%broadcast_in_dim3A_439, %get3A_195] : memref<32x512xf32, #tpu.memory_space<vmem>>[vector<16xi32>, vector<16xi32>], vector<16xf32>,
      %mul3A_441 = arith.constant 16 : i32
      %mul3A_442 = arith.muli %scan3A_190, %mul3A_441 : i32
      %swap3A_443 = arith.constant 27 : i32
      %swap3A_444 = arith.index_cast %swap3A_443 : i32 to index
      %swap3A_445 = arith.index_cast %mul3A_442 : i32 to index
      %swap3A_446 = tpu.vector_load %arg8[%swap3A_444, %swap3A_445] {strides = array<i32>} : memref<32x2048xf32, #tpu.memory_space<vmem>>, vector<16xf32>,
      tpu.vector_store %arg8[%swap3A_444, %swap3A_445], %gather3A_440 {strides = array<i32>} : memref<32x2048xf32, #tpu.memory_space<vmem>>, vector<16xf32>,
      %broadcast_in_dim3A_447 = arith.constant 28 : i32
      %broadcast_in_dim3A_448 = vector.broadcast %broadcast_in_dim3A_447 : i32 to vector<16xi32>
      %gather3A_449 = tpu.vector_load_idx %arg6[%broadcast_in_dim3A_448, %get3A_195] : memref<32x512xf32, #tpu.memory_space<vmem>>[vector<16xi32>, vector<16xi32>], vector<16xf32>,
      %mul3A_450 = arith.constant 16 : i32
      %mul3A_451 = arith.muli %scan3A_190, %mul3A_450 : i32
      %swap3A_452 = arith.constant 28 : i32
      %swap3A_453 = arith.index_cast %swap3A_452 : i32 to index
      %swap3A_454 = arith.index_cast %mul3A_451 : i32 to index
      %swap3A_455 = tpu.vector_load %arg8[%swap3A_453, %swap3A_454] {strides = array<i32>} : memref<32x2048xf32, #tpu.memory_space<vmem>>, vector<16xf32>,
      tpu.vector_store %arg8[%swap3A_453, %swap3A_454], %gather3A_449 {strides = array<i32>} : memref<32x2048xf32, #tpu.memory_space<vmem>>, vector<16xf32>,
      %broadcast_in_dim3A_456 = arith.constant 29 : i32
      %broadcast_in_dim3A_457 = vector.broadcast %broadcast_in_dim3A_456 : i32 to vector<16xi32>
      %gather3A_458 = tpu.vector_load_idx %arg6[%broadcast_in_dim3A_457, %get3A_195] : memref<32x512xf32, #tpu.memory_space<vmem>>[vector<16xi32>, vector<16xi32>], vector<16xf32>,
      %mul3A_459 = arith.constant 16 : i32
      %mul3A_460 = arith.muli %scan3A_190, %mul3A_459 : i32
      %swap3A_461 = arith.constant 29 : i32
      %swap3A_462 = arith.index_cast %swap3A_461 : i32 to index
      %swap3A_463 = arith.index_cast %mul3A_460 : i32 to index
      %swap3A_464 = tpu.vector_load %arg8[%swap3A_462, %swap3A_463] {strides = array<i32>} : memref<32x2048xf32, #tpu.memory_space<vmem>>, vector<16xf32>,
      tpu.vector_store %arg8[%swap3A_462, %swap3A_463], %gather3A_458 {strides = array<i32>} : memref<32x2048xf32, #tpu.memory_space<vmem>>, vector<16xf32>,
      %broadcast_in_dim3A_465 = arith.constant 30 : i32
      %broadcast_in_dim3A_466 = vector.broadcast %broadcast_in_dim3A_465 : i32 to vector<16xi32>
      %gather3A_467 = tpu.vector_load_idx %arg6[%broadcast_in_dim3A_466, %get3A_195] : memref<32x512xf32, #tpu.memory_space<vmem>>[vector<16xi32>, vector<16xi32>], vector<16xf32>,
      %mul3A_468 = arith.constant 16 : i32
      %mul3A_469 = arith.muli %scan3A_190, %mul3A_468 : i32
      %swap3A_470 = arith.constant 30 : i32
      %swap3A_471 = arith.index_cast %swap3A_470 : i32 to index
      %swap3A_472 = arith.index_cast %mul3A_469 : i32 to index
      %swap3A_473 = tpu.vector_load %arg8[%swap3A_471, %swap3A_472] {strides = array<i32>} : memref<32x2048xf32, #tpu.memory_space<vmem>>, vector<16xf32>,
      tpu.vector_store %arg8[%swap3A_471, %swap3A_472], %gather3A_467 {strides = array<i32>} : memref<32x2048xf32, #tpu.memory_space<vmem>>, vector<16xf32>,
      %broadcast_in_dim3A_474 = arith.constant 31 : i32
      %broadcast_in_dim3A_475 = vector.broadcast %broadcast_in_dim3A_474 : i32 to vector<16xi32>
      %gather3A_476 = tpu.vector_load_idx %arg6[%broadcast_in_dim3A_475, %get3A_195] : memref<32x512xf32, #tpu.memory_space<vmem>>[vector<16xi32>, vector<16xi32>], vector<16xf32>,
      %mul3A_477 = arith.constant 16 : i32
      %mul3A_478 = arith.muli %scan3A_190, %mul3A_477 : i32
      %swap3A_479 = arith.constant 31 : i32
      %swap3A_480 = arith.index_cast %swap3A_479 : i32 to index
      %swap3A_481 = arith.index_cast %mul3A_478 : i32 to index
      %swap3A_482 = tpu.vector_load %arg8[%swap3A_480, %swap3A_481] {strides = array<i32>} : memref<32x2048xf32, #tpu.memory_space<vmem>>, vector<16xf32>,
      tpu.vector_store %arg8[%swap3A_480, %swap3A_481], %gather3A_476 {strides = array<i32>} : memref<32x2048xf32, #tpu.memory_space<vmem>>, vector<16xf32>,
    }
    %scan3A_102 = arith.constant 128 : i32
    %mul3A_103 = arith.constant 32 : i32
    %mul3A_104 = arith.muli %select_n3A, %mul3A_103 : i32
    "tpu.region"() ({
      %run_scoped3A = tpu.sem_alloc : memref<!tpu.dma_semaphore, #tpu.memory_space<semaphore_mem>>
      %dma_start3A = arith.constant 2048 : i32
      %dma_start3A_190 = tpu.memref_slice %arg4[%sub3A_26, %mul3A_104, %dma_start3A] : memref<16x128x4096xf32, #tpu.memory_space<hbm>> -> memref<1x32x2048xf32, #tpu.memory_space<hbm>>
      %dma_start3A_191 = tpu.memref_squeeze %dma_start3A_190 : memref<1x32x2048xf32, #tpu.memory_space<hbm>> -> memref<32x2048xf32, #tpu.memory_space<hbm>>
      %dma_start3A_192 = arith.constant 2048 : i32
      %dma_start3A_193 = tpu.memref_slice %arg4[%sub3A_26, %mul3A_104, %dma_start3A_192] : memref<16x128x4096xf32, #tpu.memory_space<hbm>> -> memref<1x32x2048xf32, #tpu.memory_space<hbm>>
      %dma_start3A_194 = tpu.memref_squeeze %dma_start3A_193 : memref<1x32x2048xf32, #tpu.memory_space<hbm>> -> memref<32x2048xf32, #tpu.memory_space<hbm>>
      tpu.enqueue_dma source(%arg8 : memref<32x2048xf32, #tpu.memory_space<vmem>>) target(%dma_start3A_194 : memref<32x2048xf32, #tpu.memory_space<hbm>>) target_semaphore(%run_scoped3A : memref<!tpu.dma_semaphore, #tpu.memory_space<semaphore_mem>>)
      %dma_wait3A = arith.constant 2048 : i32
      %dma_wait3A_195 = tpu.memref_slice %arg4[%sub3A_26, %mul3A_104, %dma_wait3A] : memref<16x128x4096xf32, #tpu.memory_space<hbm>> -> memref<1x32x2048xf32, #tpu.memory_space<hbm>>
      %dma_wait3A_196 = tpu.memref_squeeze %dma_wait3A_195 : memref<1x32x2048xf32, #tpu.memory_space<hbm>> -> memref<32x2048xf32, #tpu.memory_space<hbm>>
      %dma_wait3A_197 = arith.constant 2048 : i32
      %dma_wait3A_198 = tpu.memref_slice %arg4[%sub3A_26, %mul3A_104, %dma_wait3A_197] : memref<16x128x4096xf32, #tpu.memory_space<hbm>> -> memref<1x32x2048xf32, #tpu.memory_space<hbm>>
      %dma_wait3A_199 = tpu.memref_squeeze %dma_wait3A_198 : memref<1x32x2048xf32, #tpu.memory_space<hbm>> -> memref<32x2048xf32, #tpu.memory_space<hbm>>
      tpu.wait_dma2 semaphore(%run_scoped3A : memref<!tpu.dma_semaphore, #tpu.memory_space<semaphore_mem>>) src(%arg8 : memref<32x2048xf32, #tpu.memory_space<vmem>>) dst(%dma_wait3A_199 : memref<32x2048xf32, #tpu.memory_space<hbm>>)
      tpu.yield
    }) : () -> ()
    "tpu.region"() ({
      %run_scoped3A = tpu.sem_alloc : memref<!tpu.dma_semaphore, #tpu.memory_space<semaphore_mem>>
      %dma_start3A = arith.constant 0 : i32
      %dma_start3A_190 = tpu.memref_slice %arg5[%add3A_23, %dma_start3A] : memref<64x512xf32, #tpu.memory_space<hbm>> -> memref<1x512xf32, #tpu.memory_space<hbm>>
      %dma_start3A_191 = tpu.memref_squeeze %dma_start3A_190 : memref<1x512xf32, #tpu.memory_space<hbm>> -> memref<512xf32, #tpu.memory_space<hbm>>
      %dma_start3A_192 = arith.constant 0 : i32
      %dma_start3A_193 = tpu.memref_slice %arg5[%add3A_23, %dma_start3A_192] : memref<64x512xf32, #tpu.memory_space<hbm>> -> memref<1x512xf32, #tpu.memory_space<hbm>>
      %dma_start3A_194 = tpu.memref_squeeze %dma_start3A_193 : memref<1x512xf32, #tpu.memory_space<hbm>> -> memref<512xf32, #tpu.memory_space<hbm>>
      tpu.enqueue_dma source(%arg9 : memref<512xf32, #tpu.memory_space<vmem>>) target(%dma_start3A_194 : memref<512xf32, #tpu.memory_space<hbm>>) target_semaphore(%run_scoped3A : memref<!tpu.dma_semaphore, #tpu.memory_space<semaphore_mem>>)
      %dma_wait3A = arith.constant 0 : i32
      %dma_wait3A_195 = tpu.memref_slice %arg5[%add3A_23, %dma_wait3A] : memref<64x512xf32, #tpu.memory_space<hbm>> -> memref<1x512xf32, #tpu.memory_space<hbm>>
      %dma_wait3A_196 = tpu.memref_squeeze %dma_wait3A_195 : memref<1x512xf32, #tpu.memory_space<hbm>> -> memref<512xf32, #tpu.memory_space<hbm>>
      %dma_wait3A_197 = arith.constant 0 : i32
      %dma_wait3A_198 = tpu.memref_slice %arg5[%add3A_23, %dma_wait3A_197] : memref<64x512xf32, #tpu.memory_space<hbm>> -> memref<1x512xf32, #tpu.memory_space<hbm>>
      %dma_wait3A_199 = tpu.memref_squeeze %dma_wait3A_198 : memref<1x512xf32, #tpu.memory_space<hbm>> -> memref<512xf32, #tpu.memory_space<hbm>>
      tpu.wait_dma2 semaphore(%run_scoped3A : memref<!tpu.dma_semaphore, #tpu.memory_space<semaphore_mem>>) src(%arg9 : memref<512xf32, #tpu.memory_space<vmem>>) dst(%dma_wait3A_199 : memref<512xf32, #tpu.memory_space<hbm>>)
      tpu.yield
    }) : () -> ()
    %add3A_105 = arith.constant 1 : i32
    %add3A_106 = arith.addi %mul3A_5, %add3A_105 : i32
    %mul3A_107 = arith.constant 16 : i32
    %mul3A_108 = arith.muli %select_n3A, %mul3A_107 : i32
    %sub3A_109 = arith.subi %add3A_106, %mul3A_108 : i32
    "tpu.region"() ({
      %run_scoped3A = tpu.sem_alloc : memref<!tpu.dma_semaphore, #tpu.memory_space<semaphore_mem>>
      %dma_start3A = arith.constant 0 : i32
      %dma_start3A_190 = tpu.memref_slice %arg3[%add3A_106, %dma_start3A] : memref<64x4096xi32, #tpu.memory_space<hbm>> -> memref<1x4096xi32, #tpu.memory_space<hbm>>
      %dma_start3A_191 = tpu.memref_squeeze %dma_start3A_190 : memref<1x4096xi32, #tpu.memory_space<hbm>> -> memref<4096xi32, #tpu.memory_space<hbm>>
      %dma_start3A_192 = arith.constant 0 : i32
      %dma_start3A_193 = tpu.memref_slice %arg3[%add3A_106, %dma_start3A_192] : memref<64x4096xi32, #tpu.memory_space<hbm>> -> memref<1x4096xi32, #tpu.memory_space<hbm>>
      %dma_start3A_194 = tpu.memref_squeeze %dma_start3A_193 : memref<1x4096xi32, #tpu.memory_space<hbm>> -> memref<4096xi32, #tpu.memory_space<hbm>>
      tpu.enqueue_dma source(%dma_start3A_194 : memref<4096xi32, #tpu.memory_space<hbm>>) target(%arg7 : memref<4096xi32, #tpu.memory_space<vmem>>) target_semaphore(%run_scoped3A : memref<!tpu.dma_semaphore, #tpu.memory_space<semaphore_mem>>)
      %dma_wait3A = arith.constant 0 : i32
      %dma_wait3A_195 = tpu.memref_slice %arg3[%add3A_106, %dma_wait3A] : memref<64x4096xi32, #tpu.memory_space<hbm>> -> memref<1x4096xi32, #tpu.memory_space<hbm>>
      %dma_wait3A_196 = tpu.memref_squeeze %dma_wait3A_195 : memref<1x4096xi32, #tpu.memory_space<hbm>> -> memref<4096xi32, #tpu.memory_space<hbm>>
      %dma_wait3A_197 = arith.constant 0 : i32
      %dma_wait3A_198 = tpu.memref_slice %arg3[%add3A_106, %dma_wait3A_197] : memref<64x4096xi32, #tpu.memory_space<hbm>> -> memref<1x4096xi32, #tpu.memory_space<hbm>>
      %dma_wait3A_199 = tpu.memref_squeeze %dma_wait3A_198 : memref<1x4096xi32, #tpu.memory_space<hbm>> -> memref<4096xi32, #tpu.memory_space<hbm>>
      tpu.wait_dma2 semaphore(%run_scoped3A : memref<!tpu.dma_semaphore, #tpu.memory_space<semaphore_mem>>) src(%dma_wait3A_199 : memref<4096xi32, #tpu.memory_space<hbm>>) dst(%arg7 : memref<4096xi32, #tpu.memory_space<vmem>>)
      tpu.yield
    }) : () -> ()
    %swap3A_110 = arith.constant 0 : index
    %swap3A_111 = tpu.vector_load %arg9[%swap3A_110] {strides = array<i32>} : memref<512xf32, #tpu.memory_space<vmem>>, vector<16xf32>,
    tpu.vector_store %arg9[%swap3A_110], %broadcast_in_dim3A_3 {strides = array<i32>} : memref<512xf32, #tpu.memory_space<vmem>>, vector<16xf32>,
    %swap3A_112 = arith.constant 16 : index
    %swap3A_113 = tpu.vector_load %arg9[%swap3A_112] {strides = array<i32>} : memref<512xf32, #tpu.memory_space<vmem>>, vector<16xf32>,
    tpu.vector_store %arg9[%swap3A_112], %broadcast_in_dim3A_3 {strides = array<i32>} : memref<512xf32, #tpu.memory_space<vmem>>, vector<16xf32>,
    %swap3A_114 = arith.constant 32 : index
    %swap3A_115 = tpu.vector_load %arg9[%swap3A_114] {strides = array<i32>} : memref<512xf32, #tpu.memory_space<vmem>>, vector<16xf32>,
    tpu.vector_store %arg9[%swap3A_114], %broadcast_in_dim3A_3 {strides = array<i32>} : memref<512xf32, #tpu.memory_space<vmem>>, vector<16xf32>,
    %swap3A_116 = arith.constant 48 : index
    %swap3A_117 = tpu.vector_load %arg9[%swap3A_116] {strides = array<i32>} : memref<512xf32, #tpu.memory_space<vmem>>, vector<16xf32>,
    tpu.vector_store %arg9[%swap3A_116], %broadcast_in_dim3A_3 {strides = array<i32>} : memref<512xf32, #tpu.memory_space<vmem>>, vector<16xf32>,
    %swap3A_118 = arith.constant 64 : index
    %swap3A_119 = tpu.vector_load %arg9[%swap3A_118] {strides = array<i32>} : memref<512xf32, #tpu.memory_space<vmem>>, vector<16xf32>,
    tpu.vector_store %arg9[%swap3A_118], %broadcast_in_dim3A_3 {strides = array<i32>} : memref<512xf32, #tpu.memory_space<vmem>>, vector<16xf32>,
    %swap3A_120 = arith.constant 80 : index
    %swap3A_121 = tpu.vector_load %arg9[%swap3A_120] {strides = array<i32>} : memref<512xf32, #tpu.memory_space<vmem>>, vector<16xf32>,
    tpu.vector_store %arg9[%swap3A_120], %broadcast_in_dim3A_3 {strides = array<i32>} : memref<512xf32, #tpu.memory_space<vmem>>, vector<16xf32>,
    %swap3A_122 = arith.constant 96 : index
    %swap3A_123 = tpu.vector_load %arg9[%swap3A_122] {strides = array<i32>} : memref<512xf32, #tpu.memory_space<vmem>>, vector<16xf32>,
    tpu.vector_store %arg9[%swap3A_122], %broadcast_in_dim3A_3 {strides = array<i32>} : memref<512xf32, #tpu.memory_space<vmem>>, vector<16xf32>,
    %swap3A_124 = arith.constant 112 : index
    %swap3A_125 = tpu.vector_load %arg9[%swap3A_124] {strides = array<i32>} : memref<512xf32, #tpu.memory_space<vmem>>, vector<16xf32>,
    tpu.vector_store %arg9[%swap3A_124], %broadcast_in_dim3A_3 {strides = array<i32>} : memref<512xf32, #tpu.memory_space<vmem>>, vector<16xf32>,
    %swap3A_126 = arith.constant 128 : index
    %swap3A_127 = tpu.vector_load %arg9[%swap3A_126] {strides = array<i32>} : memref<512xf32, #tpu.memory_space<vmem>>, vector<16xf32>,
    tpu.vector_store %arg9[%swap3A_126], %broadcast_in_dim3A_3 {strides = array<i32>} : memref<512xf32, #tpu.memory_space<vmem>>, vector<16xf32>,
    %swap3A_128 = arith.constant 144 : index
    %swap3A_129 = tpu.vector_load %arg9[%swap3A_128] {strides = array<i32>} : memref<512xf32, #tpu.memory_space<vmem>>, vector<16xf32>,
    tpu.vector_store %arg9[%swap3A_128], %broadcast_in_dim3A_3 {strides = array<i32>} : memref<512xf32, #tpu.memory_space<vmem>>, vector<16xf32>,
    %swap3A_130 = arith.constant 160 : index
    %swap3A_131 = tpu.vector_load %arg9[%swap3A_130] {strides = array<i32>} : memref<512xf32, #tpu.memory_space<vmem>>, vector<16xf32>,
    tpu.vector_store %arg9[%swap3A_130], %broadcast_in_dim3A_3 {strides = array<i32>} : memref<512xf32, #tpu.memory_space<vmem>>, vector<16xf32>,
    %swap3A_132 = arith.constant 176 : index
    %swap3A_133 = tpu.vector_load %arg9[%swap3A_132] {strides = array<i32>} : memref<512xf32, #tpu.memory_space<vmem>>, vector<16xf32>,
    tpu.vector_store %arg9[%swap3A_132], %broadcast_in_dim3A_3 {strides = array<i32>} : memref<512xf32, #tpu.memory_space<vmem>>, vector<16xf32>,
    %swap3A_134 = arith.constant 192 : index
    %swap3A_135 = tpu.vector_load %arg9[%swap3A_134] {strides = array<i32>} : memref<512xf32, #tpu.memory_space<vmem>>, vector<16xf32>,
    tpu.vector_store %arg9[%swap3A_134], %broadcast_in_dim3A_3 {strides = array<i32>} : memref<512xf32, #tpu.memory_space<vmem>>, vector<16xf32>,
    %swap3A_136 = arith.constant 208 : index
    %swap3A_137 = tpu.vector_load %arg9[%swap3A_136] {strides = array<i32>} : memref<512xf32, #tpu.memory_space<vmem>>, vector<16xf32>,
    tpu.vector_store %arg9[%swap3A_136], %broadcast_in_dim3A_3 {strides = array<i32>} : memref<512xf32, #tpu.memory_space<vmem>>, vector<16xf32>,
    %swap3A_138 = arith.constant 224 : index
    %swap3A_139 = tpu.vector_load %arg9[%swap3A_138] {strides = array<i32>} : memref<512xf32, #tpu.memory_space<vmem>>, vector<16xf32>,
    tpu.vector_store %arg9[%swap3A_138], %broadcast_in_dim3A_3 {strides = array<i32>} : memref<512xf32, #tpu.memory_space<vmem>>, vector<16xf32>,
    %swap3A_140 = arith.constant 240 : index
    %swap3A_141 = tpu.vector_load %arg9[%swap3A_140] {strides = array<i32>} : memref<512xf32, #tpu.memory_space<vmem>>, vector<16xf32>,
    tpu.vector_store %arg9[%swap3A_140], %broadcast_in_dim3A_3 {strides = array<i32>} : memref<512xf32, #tpu.memory_space<vmem>>, vector<16xf32>,
    %swap3A_142 = arith.constant 256 : index
    %swap3A_143 = tpu.vector_load %arg9[%swap3A_142] {strides = array<i32>} : memref<512xf32, #tpu.memory_space<vmem>>, vector<16xf32>,
    tpu.vector_store %arg9[%swap3A_142], %broadcast_in_dim3A_3 {strides = array<i32>} : memref<512xf32, #tpu.memory_space<vmem>>, vector<16xf32>,
    %swap3A_144 = arith.constant 272 : index
    %swap3A_145 = tpu.vector_load %arg9[%swap3A_144] {strides = array<i32>} : memref<512xf32, #tpu.memory_space<vmem>>, vector<16xf32>,
    tpu.vector_store %arg9[%swap3A_144], %broadcast_in_dim3A_3 {strides = array<i32>} : memref<512xf32, #tpu.memory_space<vmem>>, vector<16xf32>,
    %swap3A_146 = arith.constant 288 : index
    %swap3A_147 = tpu.vector_load %arg9[%swap3A_146] {strides = array<i32>} : memref<512xf32, #tpu.memory_space<vmem>>, vector<16xf32>,
    tpu.vector_store %arg9[%swap3A_146], %broadcast_in_dim3A_3 {strides = array<i32>} : memref<512xf32, #tpu.memory_space<vmem>>, vector<16xf32>,
    %swap3A_148 = arith.constant 304 : index
    %swap3A_149 = tpu.vector_load %arg9[%swap3A_148] {strides = array<i32>} : memref<512xf32, #tpu.memory_space<vmem>>, vector<16xf32>,
    tpu.vector_store %arg9[%swap3A_148], %broadcast_in_dim3A_3 {strides = array<i32>} : memref<512xf32, #tpu.memory_space<vmem>>, vector<16xf32>,
    %swap3A_150 = arith.constant 320 : index
    %swap3A_151 = tpu.vector_load %arg9[%swap3A_150] {strides = array<i32>} : memref<512xf32, #tpu.memory_space<vmem>>, vector<16xf32>,
    tpu.vector_store %arg9[%swap3A_150], %broadcast_in_dim3A_3 {strides = array<i32>} : memref<512xf32, #tpu.memory_space<vmem>>, vector<16xf32>,
    %swap3A_152 = arith.constant 336 : index
    %swap3A_153 = tpu.vector_load %arg9[%swap3A_152] {strides = array<i32>} : memref<512xf32, #tpu.memory_space<vmem>>, vector<16xf32>,
    tpu.vector_store %arg9[%swap3A_152], %broadcast_in_dim3A_3 {strides = array<i32>} : memref<512xf32, #tpu.memory_space<vmem>>, vector<16xf32>,
    %swap3A_154 = arith.constant 352 : index
    %swap3A_155 = tpu.vector_load %arg9[%swap3A_154] {strides = array<i32>} : memref<512xf32, #tpu.memory_space<vmem>>, vector<16xf32>,
    tpu.vector_store %arg9[%swap3A_154], %broadcast_in_dim3A_3 {strides = array<i32>} : memref<512xf32, #tpu.memory_space<vmem>>, vector<16xf32>,
    %swap3A_156 = arith.constant 368 : index
    %swap3A_157 = tpu.vector_load %arg9[%swap3A_156] {strides = array<i32>} : memref<512xf32, #tpu.memory_space<vmem>>, vector<16xf32>,
    tpu.vector_store %arg9[%swap3A_156], %broadcast_in_dim3A_3 {strides = array<i32>} : memref<512xf32, #tpu.memory_space<vmem>>, vector<16xf32>,
    %swap3A_158 = arith.constant 384 : index
    %swap3A_159 = tpu.vector_load %arg9[%swap3A_158] {strides = array<i32>} : memref<512xf32, #tpu.memory_space<vmem>>, vector<16xf32>,
    tpu.vector_store %arg9[%swap3A_158], %broadcast_in_dim3A_3 {strides = array<i32>} : memref<512xf32, #tpu.memory_space<vmem>>, vector<16xf32>,
    %swap3A_160 = arith.constant 400 : index
    %swap3A_161 = tpu.vector_load %arg9[%swap3A_160] {strides = array<i32>} : memref<512xf32, #tpu.memory_space<vmem>>, vector<16xf32>,
    tpu.vector_store %arg9[%swap3A_160], %broadcast_in_dim3A_3 {strides = array<i32>} : memref<512xf32, #tpu.memory_space<vmem>>, vector<16xf32>,
    %swap3A_162 = arith.constant 416 : index
    %swap3A_163 = tpu.vector_load %arg9[%swap3A_162] {strides = array<i32>} : memref<512xf32, #tpu.memory_space<vmem>>, vector<16xf32>,
    tpu.vector_store %arg9[%swap3A_162], %broadcast_in_dim3A_3 {strides = array<i32>} : memref<512xf32, #tpu.memory_space<vmem>>, vector<16xf32>,
    %swap3A_164 = arith.constant 432 : index
    %swap3A_165 = tpu.vector_load %arg9[%swap3A_164] {strides = array<i32>} : memref<512xf32, #tpu.memory_space<vmem>>, vector<16xf32>,
    tpu.vector_store %arg9[%swap3A_164], %broadcast_in_dim3A_3 {strides = array<i32>} : memref<512xf32, #tpu.memory_space<vmem>>, vector<16xf32>,
    %swap3A_166 = arith.constant 448 : index
    %swap3A_167 = tpu.vector_load %arg9[%swap3A_166] {strides = array<i32>} : memref<512xf32, #tpu.memory_space<vmem>>, vector<16xf32>,
    tpu.vector_store %arg9[%swap3A_166], %broadcast_in_dim3A_3 {strides = array<i32>} : memref<512xf32, #tpu.memory_space<vmem>>, vector<16xf32>,
    %swap3A_168 = arith.constant 464 : index
    %swap3A_169 = tpu.vector_load %arg9[%swap3A_168] {strides = array<i32>} : memref<512xf32, #tpu.memory_space<vmem>>, vector<16xf32>,
    tpu.vector_store %arg9[%swap3A_168], %broadcast_in_dim3A_3 {strides = array<i32>} : memref<512xf32, #tpu.memory_space<vmem>>, vector<16xf32>,
    %swap3A_170 = arith.constant 480 : index
    %swap3A_171 = tpu.vector_load %arg9[%swap3A_170] {strides = array<i32>} : memref<512xf32, #tpu.memory_space<vmem>>, vector<16xf32>,
    tpu.vector_store %arg9[%swap3A_170], %broadcast_in_dim3A_3 {strides = array<i32>} : memref<512xf32, #tpu.memory_space<vmem>>, vector<16xf32>,
    %swap3A_172 = arith.constant 496 : index
    %swap3A_173 = tpu.vector_load %arg9[%swap3A_172] {strides = array<i32>} : memref<512xf32, #tpu.memory_space<vmem>>, vector<16xf32>,
    tpu.vector_store %arg9[%swap3A_172], %broadcast_in_dim3A_3 {strides = array<i32>} : memref<512xf32, #tpu.memory_space<vmem>>, vector<16xf32>,
    %scan3A_174 = arith.constant 0 : i32
    %scan3A_175 = arith.constant 0 : i32
    %scan3A_176 = arith.constant 128 : i32
    %scan3A_177 = arith.addi %scan3A_175, %scan3A_176 : i32
    %scan3A_178 = arith.constant 1 : i32
    scf.for %scan3A_190 = %scan3A_175 to %scan3A_177 step %scan3A_178  : i32 {
      %mul3A_191 = arith.constant 16 : i32
      %mul3A_192 = arith.muli %scan3A_190, %mul3A_191 : i32
      %add3A_193 = arith.constant 0 : i32
      %add3A_194 = arith.addi %add3A_193, %mul3A_192 : i32
      %get3A = arith.index_cast %add3A_194 : i32 to index
      %get3A_195 = tpu.vector_load %arg7[%get3A] {strides = array<i32>} : memref<4096xi32, #tpu.memory_space<vmem>>, vector<16xi32>,
      tpu.vector_store_idx %arg9[%get3A_195], %broadcast_in_dim3A_1 {add = true} : memref<512xf32, #tpu.memory_space<vmem>>[vector<16xi32>], vector<16xf32>,
      %broadcast_in_dim3A_196 = arith.constant 0 : i32
      %broadcast_in_dim3A_197 = vector.broadcast %broadcast_in_dim3A_196 : i32 to vector<16xi32>
      %gather3A = tpu.vector_load_idx %arg6[%broadcast_in_dim3A_197, %get3A_195] : memref<32x512xf32, #tpu.memory_space<vmem>>[vector<16xi32>, vector<16xi32>], vector<16xf32>,
      %mul3A_198 = arith.constant 16 : i32
      %mul3A_199 = arith.muli %scan3A_190, %mul3A_198 : i32
      %swap3A_200 = arith.constant 0 : i32
      %swap3A_201 = arith.index_cast %swap3A_200 : i32 to index
      %swap3A_202 = arith.index_cast %mul3A_199 : i32 to index
      %swap3A_203 = tpu.vector_load %arg8[%swap3A_201, %swap3A_202] {strides = array<i32>} : memref<32x2048xf32, #tpu.memory_space<vmem>>, vector<16xf32>,
      tpu.vector_store %arg8[%swap3A_201, %swap3A_202], %gather3A {strides = array<i32>} : memref<32x2048xf32, #tpu.memory_space<vmem>>, vector<16xf32>,
      %broadcast_in_dim3A_204 = arith.constant 1 : i32
      %broadcast_in_dim3A_205 = vector.broadcast %broadcast_in_dim3A_204 : i32 to vector<16xi32>
      %gather3A_206 = tpu.vector_load_idx %arg6[%broadcast_in_dim3A_205, %get3A_195] : memref<32x512xf32, #tpu.memory_space<vmem>>[vector<16xi32>, vector<16xi32>], vector<16xf32>,
      %mul3A_207 = arith.constant 16 : i32
      %mul3A_208 = arith.muli %scan3A_190, %mul3A_207 : i32
      %swap3A_209 = arith.constant 1 : i32
      %swap3A_210 = arith.index_cast %swap3A_209 : i32 to index
      %swap3A_211 = arith.index_cast %mul3A_208 : i32 to index
      %swap3A_212 = tpu.vector_load %arg8[%swap3A_210, %swap3A_211] {strides = array<i32>} : memref<32x2048xf32, #tpu.memory_space<vmem>>, vector<16xf32>,
      tpu.vector_store %arg8[%swap3A_210, %swap3A_211], %gather3A_206 {strides = array<i32>} : memref<32x2048xf32, #tpu.memory_space<vmem>>, vector<16xf32>,
      %broadcast_in_dim3A_213 = arith.constant 2 : i32
      %broadcast_in_dim3A_214 = vector.broadcast %broadcast_in_dim3A_213 : i32 to vector<16xi32>
      %gather3A_215 = tpu.vector_load_idx %arg6[%broadcast_in_dim3A_214, %get3A_195] : memref<32x512xf32, #tpu.memory_space<vmem>>[vector<16xi32>, vector<16xi32>], vector<16xf32>,
      %mul3A_216 = arith.constant 16 : i32
      %mul3A_217 = arith.muli %scan3A_190, %mul3A_216 : i32
      %swap3A_218 = arith.constant 2 : i32
      %swap3A_219 = arith.index_cast %swap3A_218 : i32 to index
      %swap3A_220 = arith.index_cast %mul3A_217 : i32 to index
      %swap3A_221 = tpu.vector_load %arg8[%swap3A_219, %swap3A_220] {strides = array<i32>} : memref<32x2048xf32, #tpu.memory_space<vmem>>, vector<16xf32>,
      tpu.vector_store %arg8[%swap3A_219, %swap3A_220], %gather3A_215 {strides = array<i32>} : memref<32x2048xf32, #tpu.memory_space<vmem>>, vector<16xf32>,
      %broadcast_in_dim3A_222 = arith.constant 3 : i32
      %broadcast_in_dim3A_223 = vector.broadcast %broadcast_in_dim3A_222 : i32 to vector<16xi32>
      %gather3A_224 = tpu.vector_load_idx %arg6[%broadcast_in_dim3A_223, %get3A_195] : memref<32x512xf32, #tpu.memory_space<vmem>>[vector<16xi32>, vector<16xi32>], vector<16xf32>,
      %mul3A_225 = arith.constant 16 : i32
      %mul3A_226 = arith.muli %scan3A_190, %mul3A_225 : i32
      %swap3A_227 = arith.constant 3 : i32
      %swap3A_228 = arith.index_cast %swap3A_227 : i32 to index
      %swap3A_229 = arith.index_cast %mul3A_226 : i32 to index
      %swap3A_230 = tpu.vector_load %arg8[%swap3A_228, %swap3A_229] {strides = array<i32>} : memref<32x2048xf32, #tpu.memory_space<vmem>>, vector<16xf32>,
      tpu.vector_store %arg8[%swap3A_228, %swap3A_229], %gather3A_224 {strides = array<i32>} : memref<32x2048xf32, #tpu.memory_space<vmem>>, vector<16xf32>,
      %broadcast_in_dim3A_231 = arith.constant 4 : i32
      %broadcast_in_dim3A_232 = vector.broadcast %broadcast_in_dim3A_231 : i32 to vector<16xi32>
      %gather3A_233 = tpu.vector_load_idx %arg6[%broadcast_in_dim3A_232, %get3A_195] : memref<32x512xf32, #tpu.memory_space<vmem>>[vector<16xi32>, vector<16xi32>], vector<16xf32>,
      %mul3A_234 = arith.constant 16 : i32
      %mul3A_235 = arith.muli %scan3A_190, %mul3A_234 : i32
      %swap3A_236 = arith.constant 4 : i32
      %swap3A_237 = arith.index_cast %swap3A_236 : i32 to index
      %swap3A_238 = arith.index_cast %mul3A_235 : i32 to index
      %swap3A_239 = tpu.vector_load %arg8[%swap3A_237, %swap3A_238] {strides = array<i32>} : memref<32x2048xf32, #tpu.memory_space<vmem>>, vector<16xf32>,
      tpu.vector_store %arg8[%swap3A_237, %swap3A_238], %gather3A_233 {strides = array<i32>} : memref<32x2048xf32, #tpu.memory_space<vmem>>, vector<16xf32>,
      %broadcast_in_dim3A_240 = arith.constant 5 : i32
      %broadcast_in_dim3A_241 = vector.broadcast %broadcast_in_dim3A_240 : i32 to vector<16xi32>
      %gather3A_242 = tpu.vector_load_idx %arg6[%broadcast_in_dim3A_241, %get3A_195] : memref<32x512xf32, #tpu.memory_space<vmem>>[vector<16xi32>, vector<16xi32>], vector<16xf32>,
      %mul3A_243 = arith.constant 16 : i32
      %mul3A_244 = arith.muli %scan3A_190, %mul3A_243 : i32
      %swap3A_245 = arith.constant 5 : i32
      %swap3A_246 = arith.index_cast %swap3A_245 : i32 to index
      %swap3A_247 = arith.index_cast %mul3A_244 : i32 to index
      %swap3A_248 = tpu.vector_load %arg8[%swap3A_246, %swap3A_247] {strides = array<i32>} : memref<32x2048xf32, #tpu.memory_space<vmem>>, vector<16xf32>,
      tpu.vector_store %arg8[%swap3A_246, %swap3A_247], %gather3A_242 {strides = array<i32>} : memref<32x2048xf32, #tpu.memory_space<vmem>>, vector<16xf32>,
      %broadcast_in_dim3A_249 = arith.constant 6 : i32
      %broadcast_in_dim3A_250 = vector.broadcast %broadcast_in_dim3A_249 : i32 to vector<16xi32>
      %gather3A_251 = tpu.vector_load_idx %arg6[%broadcast_in_dim3A_250, %get3A_195] : memref<32x512xf32, #tpu.memory_space<vmem>>[vector<16xi32>, vector<16xi32>], vector<16xf32>,
      %mul3A_252 = arith.constant 16 : i32
      %mul3A_253 = arith.muli %scan3A_190, %mul3A_252 : i32
      %swap3A_254 = arith.constant 6 : i32
      %swap3A_255 = arith.index_cast %swap3A_254 : i32 to index
      %swap3A_256 = arith.index_cast %mul3A_253 : i32 to index
      %swap3A_257 = tpu.vector_load %arg8[%swap3A_255, %swap3A_256] {strides = array<i32>} : memref<32x2048xf32, #tpu.memory_space<vmem>>, vector<16xf32>,
      tpu.vector_store %arg8[%swap3A_255, %swap3A_256], %gather3A_251 {strides = array<i32>} : memref<32x2048xf32, #tpu.memory_space<vmem>>, vector<16xf32>,
      %broadcast_in_dim3A_258 = arith.constant 7 : i32
      %broadcast_in_dim3A_259 = vector.broadcast %broadcast_in_dim3A_258 : i32 to vector<16xi32>
      %gather3A_260 = tpu.vector_load_idx %arg6[%broadcast_in_dim3A_259, %get3A_195] : memref<32x512xf32, #tpu.memory_space<vmem>>[vector<16xi32>, vector<16xi32>], vector<16xf32>,
      %mul3A_261 = arith.constant 16 : i32
      %mul3A_262 = arith.muli %scan3A_190, %mul3A_261 : i32
      %swap3A_263 = arith.constant 7 : i32
      %swap3A_264 = arith.index_cast %swap3A_263 : i32 to index
      %swap3A_265 = arith.index_cast %mul3A_262 : i32 to index
      %swap3A_266 = tpu.vector_load %arg8[%swap3A_264, %swap3A_265] {strides = array<i32>} : memref<32x2048xf32, #tpu.memory_space<vmem>>, vector<16xf32>,
      tpu.vector_store %arg8[%swap3A_264, %swap3A_265], %gather3A_260 {strides = array<i32>} : memref<32x2048xf32, #tpu.memory_space<vmem>>, vector<16xf32>,
      %broadcast_in_dim3A_267 = arith.constant 8 : i32
      %broadcast_in_dim3A_268 = vector.broadcast %broadcast_in_dim3A_267 : i32 to vector<16xi32>
      %gather3A_269 = tpu.vector_load_idx %arg6[%broadcast_in_dim3A_268, %get3A_195] : memref<32x512xf32, #tpu.memory_space<vmem>>[vector<16xi32>, vector<16xi32>], vector<16xf32>,
      %mul3A_270 = arith.constant 16 : i32
      %mul3A_271 = arith.muli %scan3A_190, %mul3A_270 : i32
      %swap3A_272 = arith.constant 8 : i32
      %swap3A_273 = arith.index_cast %swap3A_272 : i32 to index
      %swap3A_274 = arith.index_cast %mul3A_271 : i32 to index
      %swap3A_275 = tpu.vector_load %arg8[%swap3A_273, %swap3A_274] {strides = array<i32>} : memref<32x2048xf32, #tpu.memory_space<vmem>>, vector<16xf32>,
      tpu.vector_store %arg8[%swap3A_273, %swap3A_274], %gather3A_269 {strides = array<i32>} : memref<32x2048xf32, #tpu.memory_space<vmem>>, vector<16xf32>,
      %broadcast_in_dim3A_276 = arith.constant 9 : i32
      %broadcast_in_dim3A_277 = vector.broadcast %broadcast_in_dim3A_276 : i32 to vector<16xi32>
      %gather3A_278 = tpu.vector_load_idx %arg6[%broadcast_in_dim3A_277, %get3A_195] : memref<32x512xf32, #tpu.memory_space<vmem>>[vector<16xi32>, vector<16xi32>], vector<16xf32>,
      %mul3A_279 = arith.constant 16 : i32
      %mul3A_280 = arith.muli %scan3A_190, %mul3A_279 : i32
      %swap3A_281 = arith.constant 9 : i32
      %swap3A_282 = arith.index_cast %swap3A_281 : i32 to index
      %swap3A_283 = arith.index_cast %mul3A_280 : i32 to index
      %swap3A_284 = tpu.vector_load %arg8[%swap3A_282, %swap3A_283] {strides = array<i32>} : memref<32x2048xf32, #tpu.memory_space<vmem>>, vector<16xf32>,
      tpu.vector_store %arg8[%swap3A_282, %swap3A_283], %gather3A_278 {strides = array<i32>} : memref<32x2048xf32, #tpu.memory_space<vmem>>, vector<16xf32>,
      %broadcast_in_dim3A_285 = arith.constant 10 : i32
      %broadcast_in_dim3A_286 = vector.broadcast %broadcast_in_dim3A_285 : i32 to vector<16xi32>
      %gather3A_287 = tpu.vector_load_idx %arg6[%broadcast_in_dim3A_286, %get3A_195] : memref<32x512xf32, #tpu.memory_space<vmem>>[vector<16xi32>, vector<16xi32>], vector<16xf32>,
      %mul3A_288 = arith.constant 16 : i32
      %mul3A_289 = arith.muli %scan3A_190, %mul3A_288 : i32
      %swap3A_290 = arith.constant 10 : i32
      %swap3A_291 = arith.index_cast %swap3A_290 : i32 to index
      %swap3A_292 = arith.index_cast %mul3A_289 : i32 to index
      %swap3A_293 = tpu.vector_load %arg8[%swap3A_291, %swap3A_292] {strides = array<i32>} : memref<32x2048xf32, #tpu.memory_space<vmem>>, vector<16xf32>,
      tpu.vector_store %arg8[%swap3A_291, %swap3A_292], %gather3A_287 {strides = array<i32>} : memref<32x2048xf32, #tpu.memory_space<vmem>>, vector<16xf32>,
      %broadcast_in_dim3A_294 = arith.constant 11 : i32
      %broadcast_in_dim3A_295 = vector.broadcast %broadcast_in_dim3A_294 : i32 to vector<16xi32>
      %gather3A_296 = tpu.vector_load_idx %arg6[%broadcast_in_dim3A_295, %get3A_195] : memref<32x512xf32, #tpu.memory_space<vmem>>[vector<16xi32>, vector<16xi32>], vector<16xf32>,
      %mul3A_297 = arith.constant 16 : i32
      %mul3A_298 = arith.muli %scan3A_190, %mul3A_297 : i32
      %swap3A_299 = arith.constant 11 : i32
      %swap3A_300 = arith.index_cast %swap3A_299 : i32 to index
      %swap3A_301 = arith.index_cast %mul3A_298 : i32 to index
      %swap3A_302 = tpu.vector_load %arg8[%swap3A_300, %swap3A_301] {strides = array<i32>} : memref<32x2048xf32, #tpu.memory_space<vmem>>, vector<16xf32>,
      tpu.vector_store %arg8[%swap3A_300, %swap3A_301], %gather3A_296 {strides = array<i32>} : memref<32x2048xf32, #tpu.memory_space<vmem>>, vector<16xf32>,
      %broadcast_in_dim3A_303 = arith.constant 12 : i32
      %broadcast_in_dim3A_304 = vector.broadcast %broadcast_in_dim3A_303 : i32 to vector<16xi32>
      %gather3A_305 = tpu.vector_load_idx %arg6[%broadcast_in_dim3A_304, %get3A_195] : memref<32x512xf32, #tpu.memory_space<vmem>>[vector<16xi32>, vector<16xi32>], vector<16xf32>,
      %mul3A_306 = arith.constant 16 : i32
      %mul3A_307 = arith.muli %scan3A_190, %mul3A_306 : i32
      %swap3A_308 = arith.constant 12 : i32
      %swap3A_309 = arith.index_cast %swap3A_308 : i32 to index
      %swap3A_310 = arith.index_cast %mul3A_307 : i32 to index
      %swap3A_311 = tpu.vector_load %arg8[%swap3A_309, %swap3A_310] {strides = array<i32>} : memref<32x2048xf32, #tpu.memory_space<vmem>>, vector<16xf32>,
      tpu.vector_store %arg8[%swap3A_309, %swap3A_310], %gather3A_305 {strides = array<i32>} : memref<32x2048xf32, #tpu.memory_space<vmem>>, vector<16xf32>,
      %broadcast_in_dim3A_312 = arith.constant 13 : i32
      %broadcast_in_dim3A_313 = vector.broadcast %broadcast_in_dim3A_312 : i32 to vector<16xi32>
      %gather3A_314 = tpu.vector_load_idx %arg6[%broadcast_in_dim3A_313, %get3A_195] : memref<32x512xf32, #tpu.memory_space<vmem>>[vector<16xi32>, vector<16xi32>], vector<16xf32>,
      %mul3A_315 = arith.constant 16 : i32
      %mul3A_316 = arith.muli %scan3A_190, %mul3A_315 : i32
      %swap3A_317 = arith.constant 13 : i32
      %swap3A_318 = arith.index_cast %swap3A_317 : i32 to index
      %swap3A_319 = arith.index_cast %mul3A_316 : i32 to index
      %swap3A_320 = tpu.vector_load %arg8[%swap3A_318, %swap3A_319] {strides = array<i32>} : memref<32x2048xf32, #tpu.memory_space<vmem>>, vector<16xf32>,
      tpu.vector_store %arg8[%swap3A_318, %swap3A_319], %gather3A_314 {strides = array<i32>} : memref<32x2048xf32, #tpu.memory_space<vmem>>, vector<16xf32>,
      %broadcast_in_dim3A_321 = arith.constant 14 : i32
      %broadcast_in_dim3A_322 = vector.broadcast %broadcast_in_dim3A_321 : i32 to vector<16xi32>
      %gather3A_323 = tpu.vector_load_idx %arg6[%broadcast_in_dim3A_322, %get3A_195] : memref<32x512xf32, #tpu.memory_space<vmem>>[vector<16xi32>, vector<16xi32>], vector<16xf32>,
      %mul3A_324 = arith.constant 16 : i32
      %mul3A_325 = arith.muli %scan3A_190, %mul3A_324 : i32
      %swap3A_326 = arith.constant 14 : i32
      %swap3A_327 = arith.index_cast %swap3A_326 : i32 to index
      %swap3A_328 = arith.index_cast %mul3A_325 : i32 to index
      %swap3A_329 = tpu.vector_load %arg8[%swap3A_327, %swap3A_328] {strides = array<i32>} : memref<32x2048xf32, #tpu.memory_space<vmem>>, vector<16xf32>,
      tpu.vector_store %arg8[%swap3A_327, %swap3A_328], %gather3A_323 {strides = array<i32>} : memref<32x2048xf32, #tpu.memory_space<vmem>>, vector<16xf32>,
      %broadcast_in_dim3A_330 = arith.constant 15 : i32
      %broadcast_in_dim3A_331 = vector.broadcast %broadcast_in_dim3A_330 : i32 to vector<16xi32>
      %gather3A_332 = tpu.vector_load_idx %arg6[%broadcast_in_dim3A_331, %get3A_195] : memref<32x512xf32, #tpu.memory_space<vmem>>[vector<16xi32>, vector<16xi32>], vector<16xf32>,
      %mul3A_333 = arith.constant 16 : i32
      %mul3A_334 = arith.muli %scan3A_190, %mul3A_333 : i32
      %swap3A_335 = arith.constant 15 : i32
      %swap3A_336 = arith.index_cast %swap3A_335 : i32 to index
      %swap3A_337 = arith.index_cast %mul3A_334 : i32 to index
      %swap3A_338 = tpu.vector_load %arg8[%swap3A_336, %swap3A_337] {strides = array<i32>} : memref<32x2048xf32, #tpu.memory_space<vmem>>, vector<16xf32>,
      tpu.vector_store %arg8[%swap3A_336, %swap3A_337], %gather3A_332 {strides = array<i32>} : memref<32x2048xf32, #tpu.memory_space<vmem>>, vector<16xf32>,
      %broadcast_in_dim3A_339 = arith.constant 16 : i32
      %broadcast_in_dim3A_340 = vector.broadcast %broadcast_in_dim3A_339 : i32 to vector<16xi32>
      %gather3A_341 = tpu.vector_load_idx %arg6[%broadcast_in_dim3A_340, %get3A_195] : memref<32x512xf32, #tpu.memory_space<vmem>>[vector<16xi32>, vector<16xi32>], vector<16xf32>,
      %mul3A_342 = arith.constant 16 : i32
      %mul3A_343 = arith.muli %scan3A_190, %mul3A_342 : i32
      %swap3A_344 = arith.constant 16 : i32
      %swap3A_345 = arith.index_cast %swap3A_344 : i32 to index
      %swap3A_346 = arith.index_cast %mul3A_343 : i32 to index
      %swap3A_347 = tpu.vector_load %arg8[%swap3A_345, %swap3A_346] {strides = array<i32>} : memref<32x2048xf32, #tpu.memory_space<vmem>>, vector<16xf32>,
      tpu.vector_store %arg8[%swap3A_345, %swap3A_346], %gather3A_341 {strides = array<i32>} : memref<32x2048xf32, #tpu.memory_space<vmem>>, vector<16xf32>,
      %broadcast_in_dim3A_348 = arith.constant 17 : i32
      %broadcast_in_dim3A_349 = vector.broadcast %broadcast_in_dim3A_348 : i32 to vector<16xi32>
      %gather3A_350 = tpu.vector_load_idx %arg6[%broadcast_in_dim3A_349, %get3A_195] : memref<32x512xf32, #tpu.memory_space<vmem>>[vector<16xi32>, vector<16xi32>], vector<16xf32>,
      %mul3A_351 = arith.constant 16 : i32
      %mul3A_352 = arith.muli %scan3A_190, %mul3A_351 : i32
      %swap3A_353 = arith.constant 17 : i32
      %swap3A_354 = arith.index_cast %swap3A_353 : i32 to index
      %swap3A_355 = arith.index_cast %mul3A_352 : i32 to index
      %swap3A_356 = tpu.vector_load %arg8[%swap3A_354, %swap3A_355] {strides = array<i32>} : memref<32x2048xf32, #tpu.memory_space<vmem>>, vector<16xf32>,
      tpu.vector_store %arg8[%swap3A_354, %swap3A_355], %gather3A_350 {strides = array<i32>} : memref<32x2048xf32, #tpu.memory_space<vmem>>, vector<16xf32>,
      %broadcast_in_dim3A_357 = arith.constant 18 : i32
      %broadcast_in_dim3A_358 = vector.broadcast %broadcast_in_dim3A_357 : i32 to vector<16xi32>
      %gather3A_359 = tpu.vector_load_idx %arg6[%broadcast_in_dim3A_358, %get3A_195] : memref<32x512xf32, #tpu.memory_space<vmem>>[vector<16xi32>, vector<16xi32>], vector<16xf32>,
      %mul3A_360 = arith.constant 16 : i32
      %mul3A_361 = arith.muli %scan3A_190, %mul3A_360 : i32
      %swap3A_362 = arith.constant 18 : i32
      %swap3A_363 = arith.index_cast %swap3A_362 : i32 to index
      %swap3A_364 = arith.index_cast %mul3A_361 : i32 to index
      %swap3A_365 = tpu.vector_load %arg8[%swap3A_363, %swap3A_364] {strides = array<i32>} : memref<32x2048xf32, #tpu.memory_space<vmem>>, vector<16xf32>,
      tpu.vector_store %arg8[%swap3A_363, %swap3A_364], %gather3A_359 {strides = array<i32>} : memref<32x2048xf32, #tpu.memory_space<vmem>>, vector<16xf32>,
      %broadcast_in_dim3A_366 = arith.constant 19 : i32
      %broadcast_in_dim3A_367 = vector.broadcast %broadcast_in_dim3A_366 : i32 to vector<16xi32>
      %gather3A_368 = tpu.vector_load_idx %arg6[%broadcast_in_dim3A_367, %get3A_195] : memref<32x512xf32, #tpu.memory_space<vmem>>[vector<16xi32>, vector<16xi32>], vector<16xf32>,
      %mul3A_369 = arith.constant 16 : i32
      %mul3A_370 = arith.muli %scan3A_190, %mul3A_369 : i32
      %swap3A_371 = arith.constant 19 : i32
      %swap3A_372 = arith.index_cast %swap3A_371 : i32 to index
      %swap3A_373 = arith.index_cast %mul3A_370 : i32 to index
      %swap3A_374 = tpu.vector_load %arg8[%swap3A_372, %swap3A_373] {strides = array<i32>} : memref<32x2048xf32, #tpu.memory_space<vmem>>, vector<16xf32>,
      tpu.vector_store %arg8[%swap3A_372, %swap3A_373], %gather3A_368 {strides = array<i32>} : memref<32x2048xf32, #tpu.memory_space<vmem>>, vector<16xf32>,
      %broadcast_in_dim3A_375 = arith.constant 20 : i32
      %broadcast_in_dim3A_376 = vector.broadcast %broadcast_in_dim3A_375 : i32 to vector<16xi32>
      %gather3A_377 = tpu.vector_load_idx %arg6[%broadcast_in_dim3A_376, %get3A_195] : memref<32x512xf32, #tpu.memory_space<vmem>>[vector<16xi32>, vector<16xi32>], vector<16xf32>,
      %mul3A_378 = arith.constant 16 : i32
      %mul3A_379 = arith.muli %scan3A_190, %mul3A_378 : i32
      %swap3A_380 = arith.constant 20 : i32
      %swap3A_381 = arith.index_cast %swap3A_380 : i32 to index
      %swap3A_382 = arith.index_cast %mul3A_379 : i32 to index
      %swap3A_383 = tpu.vector_load %arg8[%swap3A_381, %swap3A_382] {strides = array<i32>} : memref<32x2048xf32, #tpu.memory_space<vmem>>, vector<16xf32>,
      tpu.vector_store %arg8[%swap3A_381, %swap3A_382], %gather3A_377 {strides = array<i32>} : memref<32x2048xf32, #tpu.memory_space<vmem>>, vector<16xf32>,
      %broadcast_in_dim3A_384 = arith.constant 21 : i32
      %broadcast_in_dim3A_385 = vector.broadcast %broadcast_in_dim3A_384 : i32 to vector<16xi32>
      %gather3A_386 = tpu.vector_load_idx %arg6[%broadcast_in_dim3A_385, %get3A_195] : memref<32x512xf32, #tpu.memory_space<vmem>>[vector<16xi32>, vector<16xi32>], vector<16xf32>,
      %mul3A_387 = arith.constant 16 : i32
      %mul3A_388 = arith.muli %scan3A_190, %mul3A_387 : i32
      %swap3A_389 = arith.constant 21 : i32
      %swap3A_390 = arith.index_cast %swap3A_389 : i32 to index
      %swap3A_391 = arith.index_cast %mul3A_388 : i32 to index
      %swap3A_392 = tpu.vector_load %arg8[%swap3A_390, %swap3A_391] {strides = array<i32>} : memref<32x2048xf32, #tpu.memory_space<vmem>>, vector<16xf32>,
      tpu.vector_store %arg8[%swap3A_390, %swap3A_391], %gather3A_386 {strides = array<i32>} : memref<32x2048xf32, #tpu.memory_space<vmem>>, vector<16xf32>,
      %broadcast_in_dim3A_393 = arith.constant 22 : i32
      %broadcast_in_dim3A_394 = vector.broadcast %broadcast_in_dim3A_393 : i32 to vector<16xi32>
      %gather3A_395 = tpu.vector_load_idx %arg6[%broadcast_in_dim3A_394, %get3A_195] : memref<32x512xf32, #tpu.memory_space<vmem>>[vector<16xi32>, vector<16xi32>], vector<16xf32>,
      %mul3A_396 = arith.constant 16 : i32
      %mul3A_397 = arith.muli %scan3A_190, %mul3A_396 : i32
      %swap3A_398 = arith.constant 22 : i32
      %swap3A_399 = arith.index_cast %swap3A_398 : i32 to index
      %swap3A_400 = arith.index_cast %mul3A_397 : i32 to index
      %swap3A_401 = tpu.vector_load %arg8[%swap3A_399, %swap3A_400] {strides = array<i32>} : memref<32x2048xf32, #tpu.memory_space<vmem>>, vector<16xf32>,
      tpu.vector_store %arg8[%swap3A_399, %swap3A_400], %gather3A_395 {strides = array<i32>} : memref<32x2048xf32, #tpu.memory_space<vmem>>, vector<16xf32>,
      %broadcast_in_dim3A_402 = arith.constant 23 : i32
      %broadcast_in_dim3A_403 = vector.broadcast %broadcast_in_dim3A_402 : i32 to vector<16xi32>
      %gather3A_404 = tpu.vector_load_idx %arg6[%broadcast_in_dim3A_403, %get3A_195] : memref<32x512xf32, #tpu.memory_space<vmem>>[vector<16xi32>, vector<16xi32>], vector<16xf32>,
      %mul3A_405 = arith.constant 16 : i32
      %mul3A_406 = arith.muli %scan3A_190, %mul3A_405 : i32
      %swap3A_407 = arith.constant 23 : i32
      %swap3A_408 = arith.index_cast %swap3A_407 : i32 to index
      %swap3A_409 = arith.index_cast %mul3A_406 : i32 to index
      %swap3A_410 = tpu.vector_load %arg8[%swap3A_408, %swap3A_409] {strides = array<i32>} : memref<32x2048xf32, #tpu.memory_space<vmem>>, vector<16xf32>,
      tpu.vector_store %arg8[%swap3A_408, %swap3A_409], %gather3A_404 {strides = array<i32>} : memref<32x2048xf32, #tpu.memory_space<vmem>>, vector<16xf32>,
      %broadcast_in_dim3A_411 = arith.constant 24 : i32
      %broadcast_in_dim3A_412 = vector.broadcast %broadcast_in_dim3A_411 : i32 to vector<16xi32>
      %gather3A_413 = tpu.vector_load_idx %arg6[%broadcast_in_dim3A_412, %get3A_195] : memref<32x512xf32, #tpu.memory_space<vmem>>[vector<16xi32>, vector<16xi32>], vector<16xf32>,
      %mul3A_414 = arith.constant 16 : i32
      %mul3A_415 = arith.muli %scan3A_190, %mul3A_414 : i32
      %swap3A_416 = arith.constant 24 : i32
      %swap3A_417 = arith.index_cast %swap3A_416 : i32 to index
      %swap3A_418 = arith.index_cast %mul3A_415 : i32 to index
      %swap3A_419 = tpu.vector_load %arg8[%swap3A_417, %swap3A_418] {strides = array<i32>} : memref<32x2048xf32, #tpu.memory_space<vmem>>, vector<16xf32>,
      tpu.vector_store %arg8[%swap3A_417, %swap3A_418], %gather3A_413 {strides = array<i32>} : memref<32x2048xf32, #tpu.memory_space<vmem>>, vector<16xf32>,
      %broadcast_in_dim3A_420 = arith.constant 25 : i32
      %broadcast_in_dim3A_421 = vector.broadcast %broadcast_in_dim3A_420 : i32 to vector<16xi32>
      %gather3A_422 = tpu.vector_load_idx %arg6[%broadcast_in_dim3A_421, %get3A_195] : memref<32x512xf32, #tpu.memory_space<vmem>>[vector<16xi32>, vector<16xi32>], vector<16xf32>,
      %mul3A_423 = arith.constant 16 : i32
      %mul3A_424 = arith.muli %scan3A_190, %mul3A_423 : i32
      %swap3A_425 = arith.constant 25 : i32
      %swap3A_426 = arith.index_cast %swap3A_425 : i32 to index
      %swap3A_427 = arith.index_cast %mul3A_424 : i32 to index
      %swap3A_428 = tpu.vector_load %arg8[%swap3A_426, %swap3A_427] {strides = array<i32>} : memref<32x2048xf32, #tpu.memory_space<vmem>>, vector<16xf32>,
      tpu.vector_store %arg8[%swap3A_426, %swap3A_427], %gather3A_422 {strides = array<i32>} : memref<32x2048xf32, #tpu.memory_space<vmem>>, vector<16xf32>,
      %broadcast_in_dim3A_429 = arith.constant 26 : i32
      %broadcast_in_dim3A_430 = vector.broadcast %broadcast_in_dim3A_429 : i32 to vector<16xi32>
      %gather3A_431 = tpu.vector_load_idx %arg6[%broadcast_in_dim3A_430, %get3A_195] : memref<32x512xf32, #tpu.memory_space<vmem>>[vector<16xi32>, vector<16xi32>], vector<16xf32>,
      %mul3A_432 = arith.constant 16 : i32
      %mul3A_433 = arith.muli %scan3A_190, %mul3A_432 : i32
      %swap3A_434 = arith.constant 26 : i32
      %swap3A_435 = arith.index_cast %swap3A_434 : i32 to index
      %swap3A_436 = arith.index_cast %mul3A_433 : i32 to index
      %swap3A_437 = tpu.vector_load %arg8[%swap3A_435, %swap3A_436] {strides = array<i32>} : memref<32x2048xf32, #tpu.memory_space<vmem>>, vector<16xf32>,
      tpu.vector_store %arg8[%swap3A_435, %swap3A_436], %gather3A_431 {strides = array<i32>} : memref<32x2048xf32, #tpu.memory_space<vmem>>, vector<16xf32>,
      %broadcast_in_dim3A_438 = arith.constant 27 : i32
      %broadcast_in_dim3A_439 = vector.broadcast %broadcast_in_dim3A_438 : i32 to vector<16xi32>
      %gather3A_440 = tpu.vector_load_idx %arg6[%broadcast_in_dim3A_439, %get3A_195] : memref<32x512xf32, #tpu.memory_space<vmem>>[vector<16xi32>, vector<16xi32>], vector<16xf32>,
      %mul3A_441 = arith.constant 16 : i32
      %mul3A_442 = arith.muli %scan3A_190, %mul3A_441 : i32
      %swap3A_443 = arith.constant 27 : i32
      %swap3A_444 = arith.index_cast %swap3A_443 : i32 to index
      %swap3A_445 = arith.index_cast %mul3A_442 : i32 to index
      %swap3A_446 = tpu.vector_load %arg8[%swap3A_444, %swap3A_445] {strides = array<i32>} : memref<32x2048xf32, #tpu.memory_space<vmem>>, vector<16xf32>,
      tpu.vector_store %arg8[%swap3A_444, %swap3A_445], %gather3A_440 {strides = array<i32>} : memref<32x2048xf32, #tpu.memory_space<vmem>>, vector<16xf32>,
      %broadcast_in_dim3A_447 = arith.constant 28 : i32
      %broadcast_in_dim3A_448 = vector.broadcast %broadcast_in_dim3A_447 : i32 to vector<16xi32>
      %gather3A_449 = tpu.vector_load_idx %arg6[%broadcast_in_dim3A_448, %get3A_195] : memref<32x512xf32, #tpu.memory_space<vmem>>[vector<16xi32>, vector<16xi32>], vector<16xf32>,
      %mul3A_450 = arith.constant 16 : i32
      %mul3A_451 = arith.muli %scan3A_190, %mul3A_450 : i32
      %swap3A_452 = arith.constant 28 : i32
      %swap3A_453 = arith.index_cast %swap3A_452 : i32 to index
      %swap3A_454 = arith.index_cast %mul3A_451 : i32 to index
      %swap3A_455 = tpu.vector_load %arg8[%swap3A_453, %swap3A_454] {strides = array<i32>} : memref<32x2048xf32, #tpu.memory_space<vmem>>, vector<16xf32>,
      tpu.vector_store %arg8[%swap3A_453, %swap3A_454], %gather3A_449 {strides = array<i32>} : memref<32x2048xf32, #tpu.memory_space<vmem>>, vector<16xf32>,
      %broadcast_in_dim3A_456 = arith.constant 29 : i32
      %broadcast_in_dim3A_457 = vector.broadcast %broadcast_in_dim3A_456 : i32 to vector<16xi32>
      %gather3A_458 = tpu.vector_load_idx %arg6[%broadcast_in_dim3A_457, %get3A_195] : memref<32x512xf32, #tpu.memory_space<vmem>>[vector<16xi32>, vector<16xi32>], vector<16xf32>,
      %mul3A_459 = arith.constant 16 : i32
      %mul3A_460 = arith.muli %scan3A_190, %mul3A_459 : i32
      %swap3A_461 = arith.constant 29 : i32
      %swap3A_462 = arith.index_cast %swap3A_461 : i32 to index
      %swap3A_463 = arith.index_cast %mul3A_460 : i32 to index
      %swap3A_464 = tpu.vector_load %arg8[%swap3A_462, %swap3A_463] {strides = array<i32>} : memref<32x2048xf32, #tpu.memory_space<vmem>>, vector<16xf32>,
      tpu.vector_store %arg8[%swap3A_462, %swap3A_463], %gather3A_458 {strides = array<i32>} : memref<32x2048xf32, #tpu.memory_space<vmem>>, vector<16xf32>,
      %broadcast_in_dim3A_465 = arith.constant 30 : i32
      %broadcast_in_dim3A_466 = vector.broadcast %broadcast_in_dim3A_465 : i32 to vector<16xi32>
      %gather3A_467 = tpu.vector_load_idx %arg6[%broadcast_in_dim3A_466, %get3A_195] : memref<32x512xf32, #tpu.memory_space<vmem>>[vector<16xi32>, vector<16xi32>], vector<16xf32>,
      %mul3A_468 = arith.constant 16 : i32
      %mul3A_469 = arith.muli %scan3A_190, %mul3A_468 : i32
      %swap3A_470 = arith.constant 30 : i32
      %swap3A_471 = arith.index_cast %swap3A_470 : i32 to index
      %swap3A_472 = arith.index_cast %mul3A_469 : i32 to index
      %swap3A_473 = tpu.vector_load %arg8[%swap3A_471, %swap3A_472] {strides = array<i32>} : memref<32x2048xf32, #tpu.memory_space<vmem>>, vector<16xf32>,
      tpu.vector_store %arg8[%swap3A_471, %swap3A_472], %gather3A_467 {strides = array<i32>} : memref<32x2048xf32, #tpu.memory_space<vmem>>, vector<16xf32>,
      %broadcast_in_dim3A_474 = arith.constant 31 : i32
      %broadcast_in_dim3A_475 = vector.broadcast %broadcast_in_dim3A_474 : i32 to vector<16xi32>
      %gather3A_476 = tpu.vector_load_idx %arg6[%broadcast_in_dim3A_475, %get3A_195] : memref<32x512xf32, #tpu.memory_space<vmem>>[vector<16xi32>, vector<16xi32>], vector<16xf32>,
      %mul3A_477 = arith.constant 16 : i32
      %mul3A_478 = arith.muli %scan3A_190, %mul3A_477 : i32
      %swap3A_479 = arith.constant 31 : i32
      %swap3A_480 = arith.index_cast %swap3A_479 : i32 to index
      %swap3A_481 = arith.index_cast %mul3A_478 : i32 to index
      %swap3A_482 = tpu.vector_load %arg8[%swap3A_480, %swap3A_481] {strides = array<i32>} : memref<32x2048xf32, #tpu.memory_space<vmem>>, vector<16xf32>,
      tpu.vector_store %arg8[%swap3A_480, %swap3A_481], %gather3A_476 {strides = array<i32>} : memref<32x2048xf32, #tpu.memory_space<vmem>>, vector<16xf32>,
    }
    %scan3A_179 = arith.constant 128 : i32
    %mul3A_180 = arith.constant 32 : i32
    %mul3A_181 = arith.muli %select_n3A, %mul3A_180 : i32
    "tpu.region"() ({
      %run_scoped3A = tpu.sem_alloc : memref<!tpu.dma_semaphore, #tpu.memory_space<semaphore_mem>>
      %dma_start3A = arith.constant 0 : i32
      %dma_start3A_190 = tpu.memref_slice %arg4[%sub3A_109, %mul3A_181, %dma_start3A] : memref<16x128x4096xf32, #tpu.memory_space<hbm>> -> memref<1x32x2048xf32, #tpu.memory_space<hbm>>
      %dma_start3A_191 = tpu.memref_squeeze %dma_start3A_190 : memref<1x32x2048xf32, #tpu.memory_space<hbm>> -> memref<32x2048xf32, #tpu.memory_space<hbm>>
      %dma_start3A_192 = arith.constant 0 : i32
      %dma_start3A_193 = tpu.memref_slice %arg4[%sub3A_109, %mul3A_181, %dma_start3A_192] : memref<16x128x4096xf32, #tpu.memory_space<hbm>> -> memref<1x32x2048xf32, #tpu.memory_space<hbm>>
      %dma_start3A_194 = tpu.memref_squeeze %dma_start3A_193 : memref<1x32x2048xf32, #tpu.memory_space<hbm>> -> memref<32x2048xf32, #tpu.memory_space<hbm>>
      tpu.enqueue_dma source(%arg8 : memref<32x2048xf32, #tpu.memory_space<vmem>>) target(%dma_start3A_194 : memref<32x2048xf32, #tpu.memory_space<hbm>>) target_semaphore(%run_scoped3A : memref<!tpu.dma_semaphore, #tpu.memory_space<semaphore_mem>>)
      %dma_wait3A = arith.constant 0 : i32
      %dma_wait3A_195 = tpu.memref_slice %arg4[%sub3A_109, %mul3A_181, %dma_wait3A] : memref<16x128x4096xf32, #tpu.memory_space<hbm>> -> memref<1x32x2048xf32, #tpu.memory_space<hbm>>
      %dma_wait3A_196 = tpu.memref_squeeze %dma_wait3A_195 : memref<1x32x2048xf32, #tpu.memory_space<hbm>> -> memref<32x2048xf32, #tpu.memory_space<hbm>>
      %dma_wait3A_197 = arith.constant 0 : i32
      %dma_wait3A_198 = tpu.memref_slice %arg4[%sub3A_109, %mul3A_181, %dma_wait3A_197] : memref<16x128x4096xf32, #tpu.memory_space<hbm>> -> memref<1x32x2048xf32, #tpu.memory_space<hbm>>
      %dma_wait3A_199 = tpu.memref_squeeze %dma_wait3A_198 : memref<1x32x2048xf32, #tpu.memory_space<hbm>> -> memref<32x2048xf32, #tpu.memory_space<hbm>>
      tpu.wait_dma2 semaphore(%run_scoped3A : memref<!tpu.dma_semaphore, #tpu.memory_space<semaphore_mem>>) src(%arg8 : memref<32x2048xf32, #tpu.memory_space<vmem>>) dst(%dma_wait3A_199 : memref<32x2048xf32, #tpu.memory_space<hbm>>)
      tpu.yield
    }) : () -> ()
    %scan3A_182 = arith.constant 0 : i32
    %scan3A_183 = arith.constant 0 : i32
    %scan3A_184 = arith.constant 128 : i32
    %scan3A_185 = arith.addi %scan3A_183, %scan3A_184 : i32
    %scan3A_186 = arith.constant 1 : i32
    scf.for %scan3A_190 = %scan3A_183 to %scan3A_185 step %scan3A_186  : i32 {
      %mul3A_191 = arith.constant 16 : i32
      %mul3A_192 = arith.muli %scan3A_190, %mul3A_191 : i32
      %add3A_193 = arith.constant 2048 : i32
      %add3A_194 = arith.addi %add3A_193, %mul3A_192 : i32
      %get3A = arith.index_cast %add3A_194 : i32 to index
      %get3A_195 = tpu.vector_load %arg7[%get3A] {strides = array<i32>} : memref<4096xi32, #tpu.memory_space<vmem>>, vector<16xi32>,
      tpu.vector_store_idx %arg9[%get3A_195], %broadcast_in_dim3A_1 {add = true} : memref<512xf32, #tpu.memory_space<vmem>>[vector<16xi32>], vector<16xf32>,
      %broadcast_in_dim3A_196 = arith.constant 0 : i32
      %broadcast_in_dim3A_197 = vector.broadcast %broadcast_in_dim3A_196 : i32 to vector<16xi32>
      %gather3A = tpu.vector_load_idx %arg6[%broadcast_in_dim3A_197, %get3A_195] : memref<32x512xf32, #tpu.memory_space<vmem>>[vector<16xi32>, vector<16xi32>], vector<16xf32>,
      %mul3A_198 = arith.constant 16 : i32
      %mul3A_199 = arith.muli %scan3A_190, %mul3A_198 : i32
      %swap3A_200 = arith.constant 0 : i32
      %swap3A_201 = arith.index_cast %swap3A_200 : i32 to index
      %swap3A_202 = arith.index_cast %mul3A_199 : i32 to index
      %swap3A_203 = tpu.vector_load %arg8[%swap3A_201, %swap3A_202] {strides = array<i32>} : memref<32x2048xf32, #tpu.memory_space<vmem>>, vector<16xf32>,
      tpu.vector_store %arg8[%swap3A_201, %swap3A_202], %gather3A {strides = array<i32>} : memref<32x2048xf32, #tpu.memory_space<vmem>>, vector<16xf32>,
      %broadcast_in_dim3A_204 = arith.constant 1 : i32
      %broadcast_in_dim3A_205 = vector.broadcast %broadcast_in_dim3A_204 : i32 to vector<16xi32>
      %gather3A_206 = tpu.vector_load_idx %arg6[%broadcast_in_dim3A_205, %get3A_195] : memref<32x512xf32, #tpu.memory_space<vmem>>[vector<16xi32>, vector<16xi32>], vector<16xf32>,
      %mul3A_207 = arith.constant 16 : i32
      %mul3A_208 = arith.muli %scan3A_190, %mul3A_207 : i32
      %swap3A_209 = arith.constant 1 : i32
      %swap3A_210 = arith.index_cast %swap3A_209 : i32 to index
      %swap3A_211 = arith.index_cast %mul3A_208 : i32 to index
      %swap3A_212 = tpu.vector_load %arg8[%swap3A_210, %swap3A_211] {strides = array<i32>} : memref<32x2048xf32, #tpu.memory_space<vmem>>, vector<16xf32>,
      tpu.vector_store %arg8[%swap3A_210, %swap3A_211], %gather3A_206 {strides = array<i32>} : memref<32x2048xf32, #tpu.memory_space<vmem>>, vector<16xf32>,
      %broadcast_in_dim3A_213 = arith.constant 2 : i32
      %broadcast_in_dim3A_214 = vector.broadcast %broadcast_in_dim3A_213 : i32 to vector<16xi32>
      %gather3A_215 = tpu.vector_load_idx %arg6[%broadcast_in_dim3A_214, %get3A_195] : memref<32x512xf32, #tpu.memory_space<vmem>>[vector<16xi32>, vector<16xi32>], vector<16xf32>,
      %mul3A_216 = arith.constant 16 : i32
      %mul3A_217 = arith.muli %scan3A_190, %mul3A_216 : i32
      %swap3A_218 = arith.constant 2 : i32
      %swap3A_219 = arith.index_cast %swap3A_218 : i32 to index
      %swap3A_220 = arith.index_cast %mul3A_217 : i32 to index
      %swap3A_221 = tpu.vector_load %arg8[%swap3A_219, %swap3A_220] {strides = array<i32>} : memref<32x2048xf32, #tpu.memory_space<vmem>>, vector<16xf32>,
      tpu.vector_store %arg8[%swap3A_219, %swap3A_220], %gather3A_215 {strides = array<i32>} : memref<32x2048xf32, #tpu.memory_space<vmem>>, vector<16xf32>,
      %broadcast_in_dim3A_222 = arith.constant 3 : i32
      %broadcast_in_dim3A_223 = vector.broadcast %broadcast_in_dim3A_222 : i32 to vector<16xi32>
      %gather3A_224 = tpu.vector_load_idx %arg6[%broadcast_in_dim3A_223, %get3A_195] : memref<32x512xf32, #tpu.memory_space<vmem>>[vector<16xi32>, vector<16xi32>], vector<16xf32>,
      %mul3A_225 = arith.constant 16 : i32
      %mul3A_226 = arith.muli %scan3A_190, %mul3A_225 : i32
      %swap3A_227 = arith.constant 3 : i32
      %swap3A_228 = arith.index_cast %swap3A_227 : i32 to index
      %swap3A_229 = arith.index_cast %mul3A_226 : i32 to index
      %swap3A_230 = tpu.vector_load %arg8[%swap3A_228, %swap3A_229] {strides = array<i32>} : memref<32x2048xf32, #tpu.memory_space<vmem>>, vector<16xf32>,
      tpu.vector_store %arg8[%swap3A_228, %swap3A_229], %gather3A_224 {strides = array<i32>} : memref<32x2048xf32, #tpu.memory_space<vmem>>, vector<16xf32>,
      %broadcast_in_dim3A_231 = arith.constant 4 : i32
      %broadcast_in_dim3A_232 = vector.broadcast %broadcast_in_dim3A_231 : i32 to vector<16xi32>
      %gather3A_233 = tpu.vector_load_idx %arg6[%broadcast_in_dim3A_232, %get3A_195] : memref<32x512xf32, #tpu.memory_space<vmem>>[vector<16xi32>, vector<16xi32>], vector<16xf32>,
      %mul3A_234 = arith.constant 16 : i32
      %mul3A_235 = arith.muli %scan3A_190, %mul3A_234 : i32
      %swap3A_236 = arith.constant 4 : i32
      %swap3A_237 = arith.index_cast %swap3A_236 : i32 to index
      %swap3A_238 = arith.index_cast %mul3A_235 : i32 to index
      %swap3A_239 = tpu.vector_load %arg8[%swap3A_237, %swap3A_238] {strides = array<i32>} : memref<32x2048xf32, #tpu.memory_space<vmem>>, vector<16xf32>,
      tpu.vector_store %arg8[%swap3A_237, %swap3A_238], %gather3A_233 {strides = array<i32>} : memref<32x2048xf32, #tpu.memory_space<vmem>>, vector<16xf32>,
      %broadcast_in_dim3A_240 = arith.constant 5 : i32
      %broadcast_in_dim3A_241 = vector.broadcast %broadcast_in_dim3A_240 : i32 to vector<16xi32>
      %gather3A_242 = tpu.vector_load_idx %arg6[%broadcast_in_dim3A_241, %get3A_195] : memref<32x512xf32, #tpu.memory_space<vmem>>[vector<16xi32>, vector<16xi32>], vector<16xf32>,
      %mul3A_243 = arith.constant 16 : i32
      %mul3A_244 = arith.muli %scan3A_190, %mul3A_243 : i32
      %swap3A_245 = arith.constant 5 : i32
      %swap3A_246 = arith.index_cast %swap3A_245 : i32 to index
      %swap3A_247 = arith.index_cast %mul3A_244 : i32 to index
      %swap3A_248 = tpu.vector_load %arg8[%swap3A_246, %swap3A_247] {strides = array<i32>} : memref<32x2048xf32, #tpu.memory_space<vmem>>, vector<16xf32>,
      tpu.vector_store %arg8[%swap3A_246, %swap3A_247], %gather3A_242 {strides = array<i32>} : memref<32x2048xf32, #tpu.memory_space<vmem>>, vector<16xf32>,
      %broadcast_in_dim3A_249 = arith.constant 6 : i32
      %broadcast_in_dim3A_250 = vector.broadcast %broadcast_in_dim3A_249 : i32 to vector<16xi32>
      %gather3A_251 = tpu.vector_load_idx %arg6[%broadcast_in_dim3A_250, %get3A_195] : memref<32x512xf32, #tpu.memory_space<vmem>>[vector<16xi32>, vector<16xi32>], vector<16xf32>,
      %mul3A_252 = arith.constant 16 : i32
      %mul3A_253 = arith.muli %scan3A_190, %mul3A_252 : i32
      %swap3A_254 = arith.constant 6 : i32
      %swap3A_255 = arith.index_cast %swap3A_254 : i32 to index
      %swap3A_256 = arith.index_cast %mul3A_253 : i32 to index
      %swap3A_257 = tpu.vector_load %arg8[%swap3A_255, %swap3A_256] {strides = array<i32>} : memref<32x2048xf32, #tpu.memory_space<vmem>>, vector<16xf32>,
      tpu.vector_store %arg8[%swap3A_255, %swap3A_256], %gather3A_251 {strides = array<i32>} : memref<32x2048xf32, #tpu.memory_space<vmem>>, vector<16xf32>,
      %broadcast_in_dim3A_258 = arith.constant 7 : i32
      %broadcast_in_dim3A_259 = vector.broadcast %broadcast_in_dim3A_258 : i32 to vector<16xi32>
      %gather3A_260 = tpu.vector_load_idx %arg6[%broadcast_in_dim3A_259, %get3A_195] : memref<32x512xf32, #tpu.memory_space<vmem>>[vector<16xi32>, vector<16xi32>], vector<16xf32>,
      %mul3A_261 = arith.constant 16 : i32
      %mul3A_262 = arith.muli %scan3A_190, %mul3A_261 : i32
      %swap3A_263 = arith.constant 7 : i32
      %swap3A_264 = arith.index_cast %swap3A_263 : i32 to index
      %swap3A_265 = arith.index_cast %mul3A_262 : i32 to index
      %swap3A_266 = tpu.vector_load %arg8[%swap3A_264, %swap3A_265] {strides = array<i32>} : memref<32x2048xf32, #tpu.memory_space<vmem>>, vector<16xf32>,
      tpu.vector_store %arg8[%swap3A_264, %swap3A_265], %gather3A_260 {strides = array<i32>} : memref<32x2048xf32, #tpu.memory_space<vmem>>, vector<16xf32>,
      %broadcast_in_dim3A_267 = arith.constant 8 : i32
      %broadcast_in_dim3A_268 = vector.broadcast %broadcast_in_dim3A_267 : i32 to vector<16xi32>
      %gather3A_269 = tpu.vector_load_idx %arg6[%broadcast_in_dim3A_268, %get3A_195] : memref<32x512xf32, #tpu.memory_space<vmem>>[vector<16xi32>, vector<16xi32>], vector<16xf32>,
      %mul3A_270 = arith.constant 16 : i32
      %mul3A_271 = arith.muli %scan3A_190, %mul3A_270 : i32
      %swap3A_272 = arith.constant 8 : i32
      %swap3A_273 = arith.index_cast %swap3A_272 : i32 to index
      %swap3A_274 = arith.index_cast %mul3A_271 : i32 to index
      %swap3A_275 = tpu.vector_load %arg8[%swap3A_273, %swap3A_274] {strides = array<i32>} : memref<32x2048xf32, #tpu.memory_space<vmem>>, vector<16xf32>,
      tpu.vector_store %arg8[%swap3A_273, %swap3A_274], %gather3A_269 {strides = array<i32>} : memref<32x2048xf32, #tpu.memory_space<vmem>>, vector<16xf32>,
      %broadcast_in_dim3A_276 = arith.constant 9 : i32
      %broadcast_in_dim3A_277 = vector.broadcast %broadcast_in_dim3A_276 : i32 to vector<16xi32>
      %gather3A_278 = tpu.vector_load_idx %arg6[%broadcast_in_dim3A_277, %get3A_195] : memref<32x512xf32, #tpu.memory_space<vmem>>[vector<16xi32>, vector<16xi32>], vector<16xf32>,
      %mul3A_279 = arith.constant 16 : i32
      %mul3A_280 = arith.muli %scan3A_190, %mul3A_279 : i32
      %swap3A_281 = arith.constant 9 : i32
      %swap3A_282 = arith.index_cast %swap3A_281 : i32 to index
      %swap3A_283 = arith.index_cast %mul3A_280 : i32 to index
      %swap3A_284 = tpu.vector_load %arg8[%swap3A_282, %swap3A_283] {strides = array<i32>} : memref<32x2048xf32, #tpu.memory_space<vmem>>, vector<16xf32>,
      tpu.vector_store %arg8[%swap3A_282, %swap3A_283], %gather3A_278 {strides = array<i32>} : memref<32x2048xf32, #tpu.memory_space<vmem>>, vector<16xf32>,
      %broadcast_in_dim3A_285 = arith.constant 10 : i32
      %broadcast_in_dim3A_286 = vector.broadcast %broadcast_in_dim3A_285 : i32 to vector<16xi32>
      %gather3A_287 = tpu.vector_load_idx %arg6[%broadcast_in_dim3A_286, %get3A_195] : memref<32x512xf32, #tpu.memory_space<vmem>>[vector<16xi32>, vector<16xi32>], vector<16xf32>,
      %mul3A_288 = arith.constant 16 : i32
      %mul3A_289 = arith.muli %scan3A_190, %mul3A_288 : i32
      %swap3A_290 = arith.constant 10 : i32
      %swap3A_291 = arith.index_cast %swap3A_290 : i32 to index
      %swap3A_292 = arith.index_cast %mul3A_289 : i32 to index
      %swap3A_293 = tpu.vector_load %arg8[%swap3A_291, %swap3A_292] {strides = array<i32>} : memref<32x2048xf32, #tpu.memory_space<vmem>>, vector<16xf32>,
      tpu.vector_store %arg8[%swap3A_291, %swap3A_292], %gather3A_287 {strides = array<i32>} : memref<32x2048xf32, #tpu.memory_space<vmem>>, vector<16xf32>,
      %broadcast_in_dim3A_294 = arith.constant 11 : i32
      %broadcast_in_dim3A_295 = vector.broadcast %broadcast_in_dim3A_294 : i32 to vector<16xi32>
      %gather3A_296 = tpu.vector_load_idx %arg6[%broadcast_in_dim3A_295, %get3A_195] : memref<32x512xf32, #tpu.memory_space<vmem>>[vector<16xi32>, vector<16xi32>], vector<16xf32>,
      %mul3A_297 = arith.constant 16 : i32
      %mul3A_298 = arith.muli %scan3A_190, %mul3A_297 : i32
      %swap3A_299 = arith.constant 11 : i32
      %swap3A_300 = arith.index_cast %swap3A_299 : i32 to index
      %swap3A_301 = arith.index_cast %mul3A_298 : i32 to index
      %swap3A_302 = tpu.vector_load %arg8[%swap3A_300, %swap3A_301] {strides = array<i32>} : memref<32x2048xf32, #tpu.memory_space<vmem>>, vector<16xf32>,
      tpu.vector_store %arg8[%swap3A_300, %swap3A_301], %gather3A_296 {strides = array<i32>} : memref<32x2048xf32, #tpu.memory_space<vmem>>, vector<16xf32>,
      %broadcast_in_dim3A_303 = arith.constant 12 : i32
      %broadcast_in_dim3A_304 = vector.broadcast %broadcast_in_dim3A_303 : i32 to vector<16xi32>
      %gather3A_305 = tpu.vector_load_idx %arg6[%broadcast_in_dim3A_304, %get3A_195] : memref<32x512xf32, #tpu.memory_space<vmem>>[vector<16xi32>, vector<16xi32>], vector<16xf32>,
      %mul3A_306 = arith.constant 16 : i32
      %mul3A_307 = arith.muli %scan3A_190, %mul3A_306 : i32
      %swap3A_308 = arith.constant 12 : i32
      %swap3A_309 = arith.index_cast %swap3A_308 : i32 to index
      %swap3A_310 = arith.index_cast %mul3A_307 : i32 to index
      %swap3A_311 = tpu.vector_load %arg8[%swap3A_309, %swap3A_310] {strides = array<i32>} : memref<32x2048xf32, #tpu.memory_space<vmem>>, vector<16xf32>,
      tpu.vector_store %arg8[%swap3A_309, %swap3A_310], %gather3A_305 {strides = array<i32>} : memref<32x2048xf32, #tpu.memory_space<vmem>>, vector<16xf32>,
      %broadcast_in_dim3A_312 = arith.constant 13 : i32
      %broadcast_in_dim3A_313 = vector.broadcast %broadcast_in_dim3A_312 : i32 to vector<16xi32>
      %gather3A_314 = tpu.vector_load_idx %arg6[%broadcast_in_dim3A_313, %get3A_195] : memref<32x512xf32, #tpu.memory_space<vmem>>[vector<16xi32>, vector<16xi32>], vector<16xf32>,
      %mul3A_315 = arith.constant 16 : i32
      %mul3A_316 = arith.muli %scan3A_190, %mul3A_315 : i32
      %swap3A_317 = arith.constant 13 : i32
      %swap3A_318 = arith.index_cast %swap3A_317 : i32 to index
      %swap3A_319 = arith.index_cast %mul3A_316 : i32 to index
      %swap3A_320 = tpu.vector_load %arg8[%swap3A_318, %swap3A_319] {strides = array<i32>} : memref<32x2048xf32, #tpu.memory_space<vmem>>, vector<16xf32>,
      tpu.vector_store %arg8[%swap3A_318, %swap3A_319], %gather3A_314 {strides = array<i32>} : memref<32x2048xf32, #tpu.memory_space<vmem>>, vector<16xf32>,
      %broadcast_in_dim3A_321 = arith.constant 14 : i32
      %broadcast_in_dim3A_322 = vector.broadcast %broadcast_in_dim3A_321 : i32 to vector<16xi32>
      %gather3A_323 = tpu.vector_load_idx %arg6[%broadcast_in_dim3A_322, %get3A_195] : memref<32x512xf32, #tpu.memory_space<vmem>>[vector<16xi32>, vector<16xi32>], vector<16xf32>,
      %mul3A_324 = arith.constant 16 : i32
      %mul3A_325 = arith.muli %scan3A_190, %mul3A_324 : i32
      %swap3A_326 = arith.constant 14 : i32
      %swap3A_327 = arith.index_cast %swap3A_326 : i32 to index
      %swap3A_328 = arith.index_cast %mul3A_325 : i32 to index
      %swap3A_329 = tpu.vector_load %arg8[%swap3A_327, %swap3A_328] {strides = array<i32>} : memref<32x2048xf32, #tpu.memory_space<vmem>>, vector<16xf32>,
      tpu.vector_store %arg8[%swap3A_327, %swap3A_328], %gather3A_323 {strides = array<i32>} : memref<32x2048xf32, #tpu.memory_space<vmem>>, vector<16xf32>,
      %broadcast_in_dim3A_330 = arith.constant 15 : i32
      %broadcast_in_dim3A_331 = vector.broadcast %broadcast_in_dim3A_330 : i32 to vector<16xi32>
      %gather3A_332 = tpu.vector_load_idx %arg6[%broadcast_in_dim3A_331, %get3A_195] : memref<32x512xf32, #tpu.memory_space<vmem>>[vector<16xi32>, vector<16xi32>], vector<16xf32>,
      %mul3A_333 = arith.constant 16 : i32
      %mul3A_334 = arith.muli %scan3A_190, %mul3A_333 : i32
      %swap3A_335 = arith.constant 15 : i32
      %swap3A_336 = arith.index_cast %swap3A_335 : i32 to index
      %swap3A_337 = arith.index_cast %mul3A_334 : i32 to index
      %swap3A_338 = tpu.vector_load %arg8[%swap3A_336, %swap3A_337] {strides = array<i32>} : memref<32x2048xf32, #tpu.memory_space<vmem>>, vector<16xf32>,
      tpu.vector_store %arg8[%swap3A_336, %swap3A_337], %gather3A_332 {strides = array<i32>} : memref<32x2048xf32, #tpu.memory_space<vmem>>, vector<16xf32>,
      %broadcast_in_dim3A_339 = arith.constant 16 : i32
      %broadcast_in_dim3A_340 = vector.broadcast %broadcast_in_dim3A_339 : i32 to vector<16xi32>
      %gather3A_341 = tpu.vector_load_idx %arg6[%broadcast_in_dim3A_340, %get3A_195] : memref<32x512xf32, #tpu.memory_space<vmem>>[vector<16xi32>, vector<16xi32>], vector<16xf32>,
      %mul3A_342 = arith.constant 16 : i32
      %mul3A_343 = arith.muli %scan3A_190, %mul3A_342 : i32
      %swap3A_344 = arith.constant 16 : i32
      %swap3A_345 = arith.index_cast %swap3A_344 : i32 to index
      %swap3A_346 = arith.index_cast %mul3A_343 : i32 to index
      %swap3A_347 = tpu.vector_load %arg8[%swap3A_345, %swap3A_346] {strides = array<i32>} : memref<32x2048xf32, #tpu.memory_space<vmem>>, vector<16xf32>,
      tpu.vector_store %arg8[%swap3A_345, %swap3A_346], %gather3A_341 {strides = array<i32>} : memref<32x2048xf32, #tpu.memory_space<vmem>>, vector<16xf32>,
      %broadcast_in_dim3A_348 = arith.constant 17 : i32
      %broadcast_in_dim3A_349 = vector.broadcast %broadcast_in_dim3A_348 : i32 to vector<16xi32>
      %gather3A_350 = tpu.vector_load_idx %arg6[%broadcast_in_dim3A_349, %get3A_195] : memref<32x512xf32, #tpu.memory_space<vmem>>[vector<16xi32>, vector<16xi32>], vector<16xf32>,
      %mul3A_351 = arith.constant 16 : i32
      %mul3A_352 = arith.muli %scan3A_190, %mul3A_351 : i32
      %swap3A_353 = arith.constant 17 : i32
      %swap3A_354 = arith.index_cast %swap3A_353 : i32 to index
      %swap3A_355 = arith.index_cast %mul3A_352 : i32 to index
      %swap3A_356 = tpu.vector_load %arg8[%swap3A_354, %swap3A_355] {strides = array<i32>} : memref<32x2048xf32, #tpu.memory_space<vmem>>, vector<16xf32>,
      tpu.vector_store %arg8[%swap3A_354, %swap3A_355], %gather3A_350 {strides = array<i32>} : memref<32x2048xf32, #tpu.memory_space<vmem>>, vector<16xf32>,
      %broadcast_in_dim3A_357 = arith.constant 18 : i32
      %broadcast_in_dim3A_358 = vector.broadcast %broadcast_in_dim3A_357 : i32 to vector<16xi32>
      %gather3A_359 = tpu.vector_load_idx %arg6[%broadcast_in_dim3A_358, %get3A_195] : memref<32x512xf32, #tpu.memory_space<vmem>>[vector<16xi32>, vector<16xi32>], vector<16xf32>,
      %mul3A_360 = arith.constant 16 : i32
      %mul3A_361 = arith.muli %scan3A_190, %mul3A_360 : i32
      %swap3A_362 = arith.constant 18 : i32
      %swap3A_363 = arith.index_cast %swap3A_362 : i32 to index
      %swap3A_364 = arith.index_cast %mul3A_361 : i32 to index
      %swap3A_365 = tpu.vector_load %arg8[%swap3A_363, %swap3A_364] {strides = array<i32>} : memref<32x2048xf32, #tpu.memory_space<vmem>>, vector<16xf32>,
      tpu.vector_store %arg8[%swap3A_363, %swap3A_364], %gather3A_359 {strides = array<i32>} : memref<32x2048xf32, #tpu.memory_space<vmem>>, vector<16xf32>,
      %broadcast_in_dim3A_366 = arith.constant 19 : i32
      %broadcast_in_dim3A_367 = vector.broadcast %broadcast_in_dim3A_366 : i32 to vector<16xi32>
      %gather3A_368 = tpu.vector_load_idx %arg6[%broadcast_in_dim3A_367, %get3A_195] : memref<32x512xf32, #tpu.memory_space<vmem>>[vector<16xi32>, vector<16xi32>], vector<16xf32>,
      %mul3A_369 = arith.constant 16 : i32
      %mul3A_370 = arith.muli %scan3A_190, %mul3A_369 : i32
      %swap3A_371 = arith.constant 19 : i32
      %swap3A_372 = arith.index_cast %swap3A_371 : i32 to index
      %swap3A_373 = arith.index_cast %mul3A_370 : i32 to index
      %swap3A_374 = tpu.vector_load %arg8[%swap3A_372, %swap3A_373] {strides = array<i32>} : memref<32x2048xf32, #tpu.memory_space<vmem>>, vector<16xf32>,
      tpu.vector_store %arg8[%swap3A_372, %swap3A_373], %gather3A_368 {strides = array<i32>} : memref<32x2048xf32, #tpu.memory_space<vmem>>, vector<16xf32>,
      %broadcast_in_dim3A_375 = arith.constant 20 : i32
      %broadcast_in_dim3A_376 = vector.broadcast %broadcast_in_dim3A_375 : i32 to vector<16xi32>
      %gather3A_377 = tpu.vector_load_idx %arg6[%broadcast_in_dim3A_376, %get3A_195] : memref<32x512xf32, #tpu.memory_space<vmem>>[vector<16xi32>, vector<16xi32>], vector<16xf32>,
      %mul3A_378 = arith.constant 16 : i32
      %mul3A_379 = arith.muli %scan3A_190, %mul3A_378 : i32
      %swap3A_380 = arith.constant 20 : i32
      %swap3A_381 = arith.index_cast %swap3A_380 : i32 to index
      %swap3A_382 = arith.index_cast %mul3A_379 : i32 to index
      %swap3A_383 = tpu.vector_load %arg8[%swap3A_381, %swap3A_382] {strides = array<i32>} : memref<32x2048xf32, #tpu.memory_space<vmem>>, vector<16xf32>,
      tpu.vector_store %arg8[%swap3A_381, %swap3A_382], %gather3A_377 {strides = array<i32>} : memref<32x2048xf32, #tpu.memory_space<vmem>>, vector<16xf32>,
      %broadcast_in_dim3A_384 = arith.constant 21 : i32
      %broadcast_in_dim3A_385 = vector.broadcast %broadcast_in_dim3A_384 : i32 to vector<16xi32>
      %gather3A_386 = tpu.vector_load_idx %arg6[%broadcast_in_dim3A_385, %get3A_195] : memref<32x512xf32, #tpu.memory_space<vmem>>[vector<16xi32>, vector<16xi32>], vector<16xf32>,
      %mul3A_387 = arith.constant 16 : i32
      %mul3A_388 = arith.muli %scan3A_190, %mul3A_387 : i32
      %swap3A_389 = arith.constant 21 : i32
      %swap3A_390 = arith.index_cast %swap3A_389 : i32 to index
      %swap3A_391 = arith.index_cast %mul3A_388 : i32 to index
      %swap3A_392 = tpu.vector_load %arg8[%swap3A_390, %swap3A_391] {strides = array<i32>} : memref<32x2048xf32, #tpu.memory_space<vmem>>, vector<16xf32>,
      tpu.vector_store %arg8[%swap3A_390, %swap3A_391], %gather3A_386 {strides = array<i32>} : memref<32x2048xf32, #tpu.memory_space<vmem>>, vector<16xf32>,
      %broadcast_in_dim3A_393 = arith.constant 22 : i32
      %broadcast_in_dim3A_394 = vector.broadcast %broadcast_in_dim3A_393 : i32 to vector<16xi32>
      %gather3A_395 = tpu.vector_load_idx %arg6[%broadcast_in_dim3A_394, %get3A_195] : memref<32x512xf32, #tpu.memory_space<vmem>>[vector<16xi32>, vector<16xi32>], vector<16xf32>,
      %mul3A_396 = arith.constant 16 : i32
      %mul3A_397 = arith.muli %scan3A_190, %mul3A_396 : i32
      %swap3A_398 = arith.constant 22 : i32
      %swap3A_399 = arith.index_cast %swap3A_398 : i32 to index
      %swap3A_400 = arith.index_cast %mul3A_397 : i32 to index
      %swap3A_401 = tpu.vector_load %arg8[%swap3A_399, %swap3A_400] {strides = array<i32>} : memref<32x2048xf32, #tpu.memory_space<vmem>>, vector<16xf32>,
      tpu.vector_store %arg8[%swap3A_399, %swap3A_400], %gather3A_395 {strides = array<i32>} : memref<32x2048xf32, #tpu.memory_space<vmem>>, vector<16xf32>,
      %broadcast_in_dim3A_402 = arith.constant 23 : i32
      %broadcast_in_dim3A_403 = vector.broadcast %broadcast_in_dim3A_402 : i32 to vector<16xi32>
      %gather3A_404 = tpu.vector_load_idx %arg6[%broadcast_in_dim3A_403, %get3A_195] : memref<32x512xf32, #tpu.memory_space<vmem>>[vector<16xi32>, vector<16xi32>], vector<16xf32>,
      %mul3A_405 = arith.constant 16 : i32
      %mul3A_406 = arith.muli %scan3A_190, %mul3A_405 : i32
      %swap3A_407 = arith.constant 23 : i32
      %swap3A_408 = arith.index_cast %swap3A_407 : i32 to index
      %swap3A_409 = arith.index_cast %mul3A_406 : i32 to index
      %swap3A_410 = tpu.vector_load %arg8[%swap3A_408, %swap3A_409] {strides = array<i32>} : memref<32x2048xf32, #tpu.memory_space<vmem>>, vector<16xf32>,
      tpu.vector_store %arg8[%swap3A_408, %swap3A_409], %gather3A_404 {strides = array<i32>} : memref<32x2048xf32, #tpu.memory_space<vmem>>, vector<16xf32>,
      %broadcast_in_dim3A_411 = arith.constant 24 : i32
      %broadcast_in_dim3A_412 = vector.broadcast %broadcast_in_dim3A_411 : i32 to vector<16xi32>
      %gather3A_413 = tpu.vector_load_idx %arg6[%broadcast_in_dim3A_412, %get3A_195] : memref<32x512xf32, #tpu.memory_space<vmem>>[vector<16xi32>, vector<16xi32>], vector<16xf32>,
      %mul3A_414 = arith.constant 16 : i32
      %mul3A_415 = arith.muli %scan3A_190, %mul3A_414 : i32
      %swap3A_416 = arith.constant 24 : i32
      %swap3A_417 = arith.index_cast %swap3A_416 : i32 to index
      %swap3A_418 = arith.index_cast %mul3A_415 : i32 to index
      %swap3A_419 = tpu.vector_load %arg8[%swap3A_417, %swap3A_418] {strides = array<i32>} : memref<32x2048xf32, #tpu.memory_space<vmem>>, vector<16xf32>,
      tpu.vector_store %arg8[%swap3A_417, %swap3A_418], %gather3A_413 {strides = array<i32>} : memref<32x2048xf32, #tpu.memory_space<vmem>>, vector<16xf32>,
      %broadcast_in_dim3A_420 = arith.constant 25 : i32
      %broadcast_in_dim3A_421 = vector.broadcast %broadcast_in_dim3A_420 : i32 to vector<16xi32>
      %gather3A_422 = tpu.vector_load_idx %arg6[%broadcast_in_dim3A_421, %get3A_195] : memref<32x512xf32, #tpu.memory_space<vmem>>[vector<16xi32>, vector<16xi32>], vector<16xf32>,
      %mul3A_423 = arith.constant 16 : i32
      %mul3A_424 = arith.muli %scan3A_190, %mul3A_423 : i32
      %swap3A_425 = arith.constant 25 : i32
      %swap3A_426 = arith.index_cast %swap3A_425 : i32 to index
      %swap3A_427 = arith.index_cast %mul3A_424 : i32 to index
      %swap3A_428 = tpu.vector_load %arg8[%swap3A_426, %swap3A_427] {strides = array<i32>} : memref<32x2048xf32, #tpu.memory_space<vmem>>, vector<16xf32>,
      tpu.vector_store %arg8[%swap3A_426, %swap3A_427], %gather3A_422 {strides = array<i32>} : memref<32x2048xf32, #tpu.memory_space<vmem>>, vector<16xf32>,
      %broadcast_in_dim3A_429 = arith.constant 26 : i32
      %broadcast_in_dim3A_430 = vector.broadcast %broadcast_in_dim3A_429 : i32 to vector<16xi32>
      %gather3A_431 = tpu.vector_load_idx %arg6[%broadcast_in_dim3A_430, %get3A_195] : memref<32x512xf32, #tpu.memory_space<vmem>>[vector<16xi32>, vector<16xi32>], vector<16xf32>,
      %mul3A_432 = arith.constant 16 : i32
      %mul3A_433 = arith.muli %scan3A_190, %mul3A_432 : i32
      %swap3A_434 = arith.constant 26 : i32
      %swap3A_435 = arith.index_cast %swap3A_434 : i32 to index
      %swap3A_436 = arith.index_cast %mul3A_433 : i32 to index
      %swap3A_437 = tpu.vector_load %arg8[%swap3A_435, %swap3A_436] {strides = array<i32>} : memref<32x2048xf32, #tpu.memory_space<vmem>>, vector<16xf32>,
      tpu.vector_store %arg8[%swap3A_435, %swap3A_436], %gather3A_431 {strides = array<i32>} : memref<32x2048xf32, #tpu.memory_space<vmem>>, vector<16xf32>,
      %broadcast_in_dim3A_438 = arith.constant 27 : i32
      %broadcast_in_dim3A_439 = vector.broadcast %broadcast_in_dim3A_438 : i32 to vector<16xi32>
      %gather3A_440 = tpu.vector_load_idx %arg6[%broadcast_in_dim3A_439, %get3A_195] : memref<32x512xf32, #tpu.memory_space<vmem>>[vector<16xi32>, vector<16xi32>], vector<16xf32>,
      %mul3A_441 = arith.constant 16 : i32
      %mul3A_442 = arith.muli %scan3A_190, %mul3A_441 : i32
      %swap3A_443 = arith.constant 27 : i32
      %swap3A_444 = arith.index_cast %swap3A_443 : i32 to index
      %swap3A_445 = arith.index_cast %mul3A_442 : i32 to index
      %swap3A_446 = tpu.vector_load %arg8[%swap3A_444, %swap3A_445] {strides = array<i32>} : memref<32x2048xf32, #tpu.memory_space<vmem>>, vector<16xf32>,
      tpu.vector_store %arg8[%swap3A_444, %swap3A_445], %gather3A_440 {strides = array<i32>} : memref<32x2048xf32, #tpu.memory_space<vmem>>, vector<16xf32>,
      %broadcast_in_dim3A_447 = arith.constant 28 : i32
      %broadcast_in_dim3A_448 = vector.broadcast %broadcast_in_dim3A_447 : i32 to vector<16xi32>
      %gather3A_449 = tpu.vector_load_idx %arg6[%broadcast_in_dim3A_448, %get3A_195] : memref<32x512xf32, #tpu.memory_space<vmem>>[vector<16xi32>, vector<16xi32>], vector<16xf32>,
      %mul3A_450 = arith.constant 16 : i32
      %mul3A_451 = arith.muli %scan3A_190, %mul3A_450 : i32
      %swap3A_452 = arith.constant 28 : i32
      %swap3A_453 = arith.index_cast %swap3A_452 : i32 to index
      %swap3A_454 = arith.index_cast %mul3A_451 : i32 to index
      %swap3A_455 = tpu.vector_load %arg8[%swap3A_453, %swap3A_454] {strides = array<i32>} : memref<32x2048xf32, #tpu.memory_space<vmem>>, vector<16xf32>,
      tpu.vector_store %arg8[%swap3A_453, %swap3A_454], %gather3A_449 {strides = array<i32>} : memref<32x2048xf32, #tpu.memory_space<vmem>>, vector<16xf32>,
      %broadcast_in_dim3A_456 = arith.constant 29 : i32
      %broadcast_in_dim3A_457 = vector.broadcast %broadcast_in_dim3A_456 : i32 to vector<16xi32>
      %gather3A_458 = tpu.vector_load_idx %arg6[%broadcast_in_dim3A_457, %get3A_195] : memref<32x512xf32, #tpu.memory_space<vmem>>[vector<16xi32>, vector<16xi32>], vector<16xf32>,
      %mul3A_459 = arith.constant 16 : i32
      %mul3A_460 = arith.muli %scan3A_190, %mul3A_459 : i32
      %swap3A_461 = arith.constant 29 : i32
      %swap3A_462 = arith.index_cast %swap3A_461 : i32 to index
      %swap3A_463 = arith.index_cast %mul3A_460 : i32 to index
      %swap3A_464 = tpu.vector_load %arg8[%swap3A_462, %swap3A_463] {strides = array<i32>} : memref<32x2048xf32, #tpu.memory_space<vmem>>, vector<16xf32>,
      tpu.vector_store %arg8[%swap3A_462, %swap3A_463], %gather3A_458 {strides = array<i32>} : memref<32x2048xf32, #tpu.memory_space<vmem>>, vector<16xf32>,
      %broadcast_in_dim3A_465 = arith.constant 30 : i32
      %broadcast_in_dim3A_466 = vector.broadcast %broadcast_in_dim3A_465 : i32 to vector<16xi32>
      %gather3A_467 = tpu.vector_load_idx %arg6[%broadcast_in_dim3A_466, %get3A_195] : memref<32x512xf32, #tpu.memory_space<vmem>>[vector<16xi32>, vector<16xi32>], vector<16xf32>,
      %mul3A_468 = arith.constant 16 : i32
      %mul3A_469 = arith.muli %scan3A_190, %mul3A_468 : i32
      %swap3A_470 = arith.constant 30 : i32
      %swap3A_471 = arith.index_cast %swap3A_470 : i32 to index
      %swap3A_472 = arith.index_cast %mul3A_469 : i32 to index
      %swap3A_473 = tpu.vector_load %arg8[%swap3A_471, %swap3A_472] {strides = array<i32>} : memref<32x2048xf32, #tpu.memory_space<vmem>>, vector<16xf32>,
      tpu.vector_store %arg8[%swap3A_471, %swap3A_472], %gather3A_467 {strides = array<i32>} : memref<32x2048xf32, #tpu.memory_space<vmem>>, vector<16xf32>,
      %broadcast_in_dim3A_474 = arith.constant 31 : i32
      %broadcast_in_dim3A_475 = vector.broadcast %broadcast_in_dim3A_474 : i32 to vector<16xi32>
      %gather3A_476 = tpu.vector_load_idx %arg6[%broadcast_in_dim3A_475, %get3A_195] : memref<32x512xf32, #tpu.memory_space<vmem>>[vector<16xi32>, vector<16xi32>], vector<16xf32>,
      %mul3A_477 = arith.constant 16 : i32
      %mul3A_478 = arith.muli %scan3A_190, %mul3A_477 : i32
      %swap3A_479 = arith.constant 31 : i32
      %swap3A_480 = arith.index_cast %swap3A_479 : i32 to index
      %swap3A_481 = arith.index_cast %mul3A_478 : i32 to index
      %swap3A_482 = tpu.vector_load %arg8[%swap3A_480, %swap3A_481] {strides = array<i32>} : memref<32x2048xf32, #tpu.memory_space<vmem>>, vector<16xf32>,
      tpu.vector_store %arg8[%swap3A_480, %swap3A_481], %gather3A_476 {strides = array<i32>} : memref<32x2048xf32, #tpu.memory_space<vmem>>, vector<16xf32>,
    }
    %scan3A_187 = arith.constant 128 : i32
    %mul3A_188 = arith.constant 32 : i32
    %mul3A_189 = arith.muli %select_n3A, %mul3A_188 : i32
    "tpu.region"() ({
      %run_scoped3A = tpu.sem_alloc : memref<!tpu.dma_semaphore, #tpu.memory_space<semaphore_mem>>
      %dma_start3A = arith.constant 2048 : i32
      %dma_start3A_190 = tpu.memref_slice %arg4[%sub3A_109, %mul3A_189, %dma_start3A] : memref<16x128x4096xf32, #tpu.memory_space<hbm>> -> memref<1x32x2048xf32, #tpu.memory_space<hbm>>
      %dma_start3A_191 = tpu.memref_squeeze %dma_start3A_190 : memref<1x32x2048xf32, #tpu.memory_space<hbm>> -> memref<32x2048xf32, #tpu.memory_space<hbm>>
      %dma_start3A_192 = arith.constant 2048 : i32
      %dma_start3A_193 = tpu.memref_slice %arg4[%sub3A_109, %mul3A_189, %dma_start3A_192] : memref<16x128x4096xf32, #tpu.memory_space<hbm>> -> memref<1x32x2048xf32, #tpu.memory_space<hbm>>
      %dma_start3A_194 = tpu.memref_squeeze %dma_start3A_193 : memref<1x32x2048xf32, #tpu.memory_space<hbm>> -> memref<32x2048xf32, #tpu.memory_space<hbm>>
      tpu.enqueue_dma source(%arg8 : memref<32x2048xf32, #tpu.memory_space<vmem>>) target(%dma_start3A_194 : memref<32x2048xf32, #tpu.memory_space<hbm>>) target_semaphore(%run_scoped3A : memref<!tpu.dma_semaphore, #tpu.memory_space<semaphore_mem>>)
      %dma_wait3A = arith.constant 2048 : i32
      %dma_wait3A_195 = tpu.memref_slice %arg4[%sub3A_109, %mul3A_189, %dma_wait3A] : memref<16x128x4096xf32, #tpu.memory_space<hbm>> -> memref<1x32x2048xf32, #tpu.memory_space<hbm>>
      %dma_wait3A_196 = tpu.memref_squeeze %dma_wait3A_195 : memref<1x32x2048xf32, #tpu.memory_space<hbm>> -> memref<32x2048xf32, #tpu.memory_space<hbm>>
      %dma_wait3A_197 = arith.constant 2048 : i32
      %dma_wait3A_198 = tpu.memref_slice %arg4[%sub3A_109, %mul3A_189, %dma_wait3A_197] : memref<16x128x4096xf32, #tpu.memory_space<hbm>> -> memref<1x32x2048xf32, #tpu.memory_space<hbm>>
      %dma_wait3A_199 = tpu.memref_squeeze %dma_wait3A_198 : memref<1x32x2048xf32, #tpu.memory_space<hbm>> -> memref<32x2048xf32, #tpu.memory_space<hbm>>
      tpu.wait_dma2 semaphore(%run_scoped3A : memref<!tpu.dma_semaphore, #tpu.memory_space<semaphore_mem>>) src(%arg8 : memref<32x2048xf32, #tpu.memory_space<vmem>>) dst(%dma_wait3A_199 : memref<32x2048xf32, #tpu.memory_space<hbm>>)
      tpu.yield
    }) : () -> ()
    "tpu.region"() ({
      %run_scoped3A = tpu.sem_alloc : memref<!tpu.dma_semaphore, #tpu.memory_space<semaphore_mem>>
      %dma_start3A = arith.constant 0 : i32
      %dma_start3A_190 = tpu.memref_slice %arg5[%add3A_106, %dma_start3A] : memref<64x512xf32, #tpu.memory_space<hbm>> -> memref<1x512xf32, #tpu.memory_space<hbm>>
      %dma_start3A_191 = tpu.memref_squeeze %dma_start3A_190 : memref<1x512xf32, #tpu.memory_space<hbm>> -> memref<512xf32, #tpu.memory_space<hbm>>
      %dma_start3A_192 = arith.constant 0 : i32
      %dma_start3A_193 = tpu.memref_slice %arg5[%add3A_106, %dma_start3A_192] : memref<64x512xf32, #tpu.memory_space<hbm>> -> memref<1x512xf32, #tpu.memory_space<hbm>>
      %dma_start3A_194 = tpu.memref_squeeze %dma_start3A_193 : memref<1x512xf32, #tpu.memory_space<hbm>> -> memref<512xf32, #tpu.memory_space<hbm>>
      tpu.enqueue_dma source(%arg9 : memref<512xf32, #tpu.memory_space<vmem>>) target(%dma_start3A_194 : memref<512xf32, #tpu.memory_space<hbm>>) target_semaphore(%run_scoped3A : memref<!tpu.dma_semaphore, #tpu.memory_space<semaphore_mem>>)
      %dma_wait3A = arith.constant 0 : i32
      %dma_wait3A_195 = tpu.memref_slice %arg5[%add3A_106, %dma_wait3A] : memref<64x512xf32, #tpu.memory_space<hbm>> -> memref<1x512xf32, #tpu.memory_space<hbm>>
      %dma_wait3A_196 = tpu.memref_squeeze %dma_wait3A_195 : memref<1x512xf32, #tpu.memory_space<hbm>> -> memref<512xf32, #tpu.memory_space<hbm>>
      %dma_wait3A_197 = arith.constant 0 : i32
      %dma_wait3A_198 = tpu.memref_slice %arg5[%add3A_106, %dma_wait3A_197] : memref<64x512xf32, #tpu.memory_space<hbm>> -> memref<1x512xf32, #tpu.memory_space<hbm>>
      %dma_wait3A_199 = tpu.memref_squeeze %dma_wait3A_198 : memref<1x512xf32, #tpu.memory_space<hbm>> -> memref<512xf32, #tpu.memory_space<hbm>>
      tpu.wait_dma2 semaphore(%run_scoped3A : memref<!tpu.dma_semaphore, #tpu.memory_space<semaphore_mem>>) src(%arg9 : memref<512xf32, #tpu.memory_space<vmem>>) dst(%dma_wait3A_199 : memref<512xf32, #tpu.memory_space<hbm>>)
      tpu.yield
    }) : () -> ()
    return
  }
}

module attributes {stable_mosaic.version = 14 : i64} {
  func.func @_score_body(%arg0: i32, %arg1: i32, %arg2: i32, %arg3: memref<1x32x4096xf32, #tpu.memory_space<vmem>>, %arg4: memref<1x512x32xf32, #tpu.memory_space<vmem>>, %arg5: memref<1x1x1x4096xi32, #tpu.memory_space<vmem>>, %arg6: memref<1x1xf32, #tpu.memory_space<vmem>>, %arg7: memref<1xf32, #tpu.memory_space<smem>>) attributes {dimension_semantics = [#tpu.dimension_semantics<arbitrary>, #tpu.dimension_semantics<arbitrary>, #tpu.dimension_semantics<arbitrary>], iteration_bounds = array<i64: 4, 16, 1>, scalar_prefetch = 0 : i64, scratch_operands = 1 : i64, tpu.core_type = #tpu.core_type<tc>, window_params = [{transform_indices = @transform_0, window_bounds = array<i64: 1, 32, 4096>}, {transform_indices = @transform_1, window_bounds = array<i64: 1, 512, 32>}, {transform_indices = @transform_2, window_bounds = array<i64: 1, 1, 1, 4096>}, {pipeline_mode = #tpu.pipeline_mode<synchronous>, transform_indices = @transform_3, window_bounds = array<i64: 1, 1>}]} {
    %eq3A = arith.constant 0 : i32
    %eq3A_0 = arith.cmpi eq, %arg0, %eq3A : i32
    %eq3A_1 = arith.constant 0 : i32
    %eq3A_2 = arith.cmpi eq, %arg1, %eq3A_1 : i32
    %and3A = arith.andi %eq3A_0, %eq3A_2 : i1
    %eq3A_3 = arith.constant 0 : i32
    %eq3A_4 = arith.cmpi eq, %arg2, %eq3A_3 : i32
    %and3A_5 = arith.andi %and3A, %eq3A_4 : i1
    %convert_element_type3A = arith.extui %and3A_5 : i1 to i32
    %cond3A = arith.constant 0 : i32
    %cond3A_6 = arith.cmpi ne, %convert_element_type3A, %cond3A : i32
    scf.if %cond3A_6 {
      %swap3A_54 = arith.constant 0.000000e+00 : f32
      %swap3A_55 = arith.constant 0 : index
      %swap3A_56 = memref.load %arg7[%swap3A_55] : memref<1xf32, #tpu.memory_space<smem>>
      memref.store %swap3A_54, %arg7[%swap3A_55] : memref<1xf32, #tpu.memory_space<smem>>
    } else {
    }
    %get3A = arith.constant 0 : index
    %get3A_7 = arith.constant 0 : index
    %get3A_8 = arith.constant 0 : index
    %get3A_9 = vector.load %arg3[%get3A, %get3A_7, %get3A_8] : memref<1x32x4096xf32, #tpu.memory_space<vmem>>, vector<1x32x4096xf32>
    %get3A_10 = vector.shape_cast %get3A_9 : vector<1x32x4096xf32> to vector<32x4096xf32>
    %get3A_11 = arith.constant 0 : index
    %get3A_12 = arith.constant 0 : index
    %get3A_13 = arith.constant 0 : index
    %get3A_14 = vector.load %arg4[%get3A_11, %get3A_12, %get3A_13] : memref<1x512x32xf32, #tpu.memory_space<vmem>>, vector<1x512x32xf32>
    %get3A_15 = vector.shape_cast %get3A_14 : vector<1x512x32xf32> to vector<512x32xf32>
    %mul3A = arith.mulf %get3A_15, %get3A_15 : vector<512x32xf32>
    %reduce_sum3A = arith.constant dense<0.000000e+00> : vector<512xf32>
    %reduce_sum3A_16 = vector.multi_reduction <add>, %mul3A, %reduce_sum3A [1] : vector<512x32xf32> to vector<512xf32>
    %broadcast_in_dim3A = vector.shape_cast %reduce_sum3A_16 : vector<512xf32> to vector<512x1xf32>
    %mul3A_17 = arith.constant -2.000000e+00 : f32
    %mul3A_18 = vector.broadcast %mul3A_17 : f32 to vector<512x32xf32>
    %mul3A_19 = arith.mulf %get3A_15, %mul3A_18 : vector<512x32xf32>
    %dot_general3A = arith.constant dense<0.000000e+00> : vector<512x4096xf32>
    %dot_general3A_20 = tpu.matmul %mul3A_19, %get3A_10, %dot_general3A {dimension_numbers = #tpu.dot_dimension_numbers<[1], [0], [0], [1], [0, 0, 1, 1], [], []>, transpose_lhs_hint = false} : vector<512x32xf32>, vector<32x4096xf32>, vector<512x4096xf32> -> vector<512x4096xf32>
    %add3A = vector.broadcast %broadcast_in_dim3A : vector<512x1xf32> to vector<512x4096xf32>
    %add3A_21 = arith.addf %dot_general3A_20, %add3A : vector<512x4096xf32>
    %argmin3A = tpu.reduce_index %add3A_21 {axis = 0 : i32, kind = #tpu.reduction_kind<arg_min>} : vector<512x4096xf32> -> vector<4096xi32>
    %swap3A = arith.constant 0 : index
    %swap3A_22 = arith.constant 0 : index
    %swap3A_23 = arith.constant 0 : index
    %swap3A_24 = arith.constant 0 : index
    %swap3A_25 = vector.load %arg5[%swap3A, %swap3A_22, %swap3A_23, %swap3A_24] : memref<1x1x1x4096xi32, #tpu.memory_space<vmem>>, vector<1x1x1x4096xi32>
    %swap3A_26 = vector.shape_cast %swap3A_25 : vector<1x1x1x4096xi32> to vector<4096xi32>
    %swap3A_27 = vector.shape_cast %argmin3A : vector<4096xi32> to vector<1x1x1x4096xi32>
    tpu.vector_store %arg5[%swap3A, %swap3A_22, %swap3A_23, %swap3A_24], %swap3A_27 {strides = array<i32>} : memref<1x1x1x4096xi32, #tpu.memory_space<vmem>>, vector<1x1x1x4096xi32>,
    %reduce_min3A = arith.constant dense<0x7F800000> : vector<4096xf32>
    %reduce_min3A_28 = vector.multi_reduction <minimumf>, %add3A_21, %reduce_min3A [0] : vector<512x4096xf32> to vector<4096xf32>
    %mul3A_29 = arith.mulf %get3A_10, %get3A_10 : vector<32x4096xf32>
    %reduce_sum3A_30 = arith.constant dense<0.000000e+00> : vector<4096xf32>
    %reduce_sum3A_31 = vector.multi_reduction <add>, %mul3A_29, %reduce_sum3A_30 [0] : vector<32x4096xf32> to vector<4096xf32>
    %get3A_32 = arith.constant 0 : index
    %get3A_33 = memref.load %arg7[%get3A_32] : memref<1xf32, #tpu.memory_space<smem>>
    %add3A_34 = arith.addf %reduce_min3A_28, %reduce_sum3A_31 : vector<4096xf32>
    %reduce_sum3A_35 = vector.shape_cast %add3A_34 : vector<4096xf32> to vector<1x4096xf32>
    %reduce_sum3A_36 = arith.constant dense<0.000000e+00> : vector<1xf32>
    %reduce_sum3A_37 = vector.multi_reduction <add>, %reduce_sum3A_35, %reduce_sum3A_36 [1] : vector<1x4096xf32> to vector<1xf32>
    %reduce_sum3A_38 = vector.shape_cast %reduce_sum3A_37 : vector<1xf32> to vector<1x1xf32>
    %reduce_sum3A_39 = vector.extract %reduce_sum3A_38[0, 0] : f32 from vector<1x1xf32>
    %add3A_40 = arith.addf %get3A_33, %reduce_sum3A_39 : f32
    %swap3A_41 = arith.constant 0 : index
    %swap3A_42 = memref.load %arg7[%swap3A_41] : memref<1xf32, #tpu.memory_space<smem>>
    memref.store %add3A_40, %arg7[%swap3A_41] : memref<1xf32, #tpu.memory_space<smem>>
    %eq3A_43 = arith.constant 3 : i32
    %eq3A_44 = arith.cmpi eq, %arg0, %eq3A_43 : i32
    %eq3A_45 = arith.constant 15 : i32
    %eq3A_46 = arith.cmpi eq, %arg1, %eq3A_45 : i32
    %and3A_47 = arith.andi %eq3A_44, %eq3A_46 : i1
    %eq3A_48 = arith.constant 0 : i32
    %eq3A_49 = arith.cmpi eq, %arg2, %eq3A_48 : i32
    %and3A_50 = arith.andi %and3A_47, %eq3A_49 : i1
    %convert_element_type3A_51 = arith.extui %and3A_50 : i1 to i32
    %cond3A_52 = arith.constant 0 : i32
    %cond3A_53 = arith.cmpi ne, %convert_element_type3A_51, %cond3A_52 : i32
    scf.if %cond3A_53 {
      %get3A_54 = arith.constant 0 : index
      %get3A_55 = memref.load %arg7[%get3A_54] : memref<1xf32, #tpu.memory_space<smem>>
      %mul3A_56 = arith.constant 1.250000e+00 : f32
      %mul3A_57 = arith.mulf %mul3A_56, %get3A_55 : f32
      %div3A = arith.constant 0x4A000000 : f32
      %div3A_58 = arith.divf %mul3A_57, %div3A : f32
      %broadcast_in_dim3A_59 = vector.broadcast %div3A_58 : f32 to vector<1x1xf32>
      %swap3A_60 = arith.constant 0 : index
      %swap3A_61 = arith.constant 0 : index
      %swap3A_62 = vector.load %arg6[%swap3A_60, %swap3A_61] : memref<1x1xf32, #tpu.memory_space<vmem>>, vector<1x1xf32>
      tpu.vector_store %arg6[%swap3A_60, %swap3A_61], %broadcast_in_dim3A_59 {strides = array<i32>} : memref<1x1xf32, #tpu.memory_space<vmem>>, vector<1x1xf32>,
    } else {
    }
    return
  }
  func.func @transform_0(%arg0: i32, %arg1: i32, %arg2: i32) -> (i32, i32, i32) {
    %c0_i32 = arith.constant 0 : i32
    return %arg1, %arg0, %arg2 : i32, i32, i32
  }
  func.func @transform_1(%arg0: i32, %arg1: i32, %arg2: i32) -> (i32, i32, i32) {
    %c0_i32 = arith.constant 0 : i32
    %c0_i32_0 = arith.constant 0 : i32
    %c0_i32_1 = arith.constant 0 : i32
    return %arg0, %c0_i32, %c0_i32_0 : i32, i32, i32
  }
  func.func @transform_2(%arg0: i32, %arg1: i32, %arg2: i32) -> (i32, i32, i32, i32) {
    %c0_i32 = arith.constant 0 : i32
    %c0_i32_0 = arith.constant 0 : i32
    return %arg0, %arg1, %c0_i32, %arg2 : i32, i32, i32, i32
  }
  func.func @transform_3(%arg0: i32, %arg1: i32, %arg2: i32) -> (i32, i32) {
    %c0_i32 = arith.constant 0 : i32
    %c0_i32_0 = arith.constant 0 : i32
    %c0_i32_1 = arith.constant 0 : i32
    return %c0_i32, %c0_i32_0 : i32, i32
  }
}

module attributes {stable_mosaic.version = 14 : i64} {
  func.func @_perp_body(%arg0: memref<4x16x512xf32, #tpu.memory_space<vmem>>, %arg1: memref<4x1xf32, #tpu.memory_space<vmem>>) attributes {dimension_semantics = [], scalar_prefetch = 0 : i64, scratch_operands = 0 : i64, tpu.core_type = #tpu.core_type<tc>} {
    %get3A = arith.constant 0 : index
    %get3A_0 = arith.constant 0 : index
    %get3A_1 = arith.constant 0 : index
    %get3A_2 = vector.load %arg0[%get3A, %get3A_0, %get3A_1] : memref<4x16x512xf32, #tpu.memory_space<vmem>>, vector<4x16x512xf32>
    %reduce_sum3A = arith.constant dense<0.000000e+00> : vector<4x512xf32>
    %reduce_sum3A_3 = vector.multi_reduction <add>, %get3A_2, %reduce_sum3A [1] : vector<4x16x512xf32> to vector<4x512xf32>
    %mul3A = arith.constant 1.52587891E-5 : f32
    %mul3A_4 = vector.broadcast %mul3A : f32 to vector<4x512xf32>
    %mul3A_5 = arith.mulf %reduce_sum3A_3, %mul3A_4 : vector<4x512xf32>
    %add3A = arith.constant 1.000000e-10 : f32
    %add3A_6 = vector.broadcast %add3A : f32 to vector<4x512xf32>
    %add3A_7 = arith.addf %mul3A_5, %add3A_6 : vector<4x512xf32>
    %log3A = math.log %add3A_7 : vector<4x512xf32>
    %mul3A_8 = arith.mulf %mul3A_5, %log3A : vector<4x512xf32>
    %reduce_sum3A_9 = arith.constant dense<0.000000e+00> : vector<4xf32>
    %reduce_sum3A_10 = vector.multi_reduction <add>, %mul3A_8, %reduce_sum3A_9 [1] : vector<4x512xf32> to vector<4xf32>
    %broadcast_in_dim3A = vector.shape_cast %reduce_sum3A_10 : vector<4xf32> to vector<4x1xf32>
    %neg3A = arith.constant 0.000000e+00 : f32
    %neg3A_11 = vector.broadcast %neg3A : f32 to vector<4x1xf32>
    %neg3A_12 = arith.subf %neg3A_11, %broadcast_in_dim3A : vector<4x1xf32>
    %exp3A = math.exp %neg3A_12 : vector<4x1xf32>
    %swap3A = arith.constant 0 : index
    %swap3A_13 = arith.constant 0 : index
    %swap3A_14 = vector.load %arg1[%swap3A, %swap3A_13] : memref<4x1xf32, #tpu.memory_space<vmem>>, vector<4x1xf32>
    tpu.vector_store %arg1[%swap3A, %swap3A_13], %exp3A {strides = array<i32>} : memref<4x1xf32, #tpu.memory_space<vmem>>, vector<4x1xf32>,
    return
  }
}

</mosaic_0001>

<sc_bundles>
// kernel: kernel.5.cloned.1.call-start
scs
__scs_entry_jumppad:
0x0: {  	(pc) =	sbr.rel $0x88, $3  }
0x1: {  	(tag) =	ssettag $0x0;
	lr =	simm.s32 $0x1  }
0x2: {  	[smem:$0x3F9F] =	sst lr;
	_ =	strace $0xD0000000  }
0x3: {  	_ = 	snop  }
0x4: {  	_ = 	snop  }
0x5: {  	_ = 	snop  }
0x6: {  	_ = 	snop  }
0x7: {  	_ = 	snop  }
__scs_overlays_trampoline_lowered:
0x8: {  	[smem:$0x3FAE] =	sst s0  }
0x9: {  	[smem:$0x3FAF] =	sst s1  }
0xa: {  	[smem:$0x3FB0] =	sst s2  }
0xb: {  	[smem:$0x3FB1] =	sst s3  }
0xc: {  	[smem:$0x3FB2] =	sst s4  }
0xd: {  	[smem:$0x3FB3] =	sst s5  }
0xe: {  	[smem:$0x3FB4] =	sst s6  }
0xf: {  	[smem:$0x3FB5] =	sst s7  }
0x10: {  	[smem:$0x3FB6] =	sst s8  }
0x11: {  	[smem:$0x3FB7] =	sst s9;
	s0 =	simm.s32 @!p0 $0x0  }
0x12: {  	s1 =	sld [smem:$0x3F9D];
	s0 =	simm.s32 @p0 $0x1  }
0x13: {  	[smem:$0x3FB8] =	sst s0;
	s0 =	simm.s32 @!p1 $0x0  }
0x14: {  	s2 =	sld [smem:$0x3F9C];
	s0 =	simm.s32 @p1 $0x1  }
0x15: {  	[smem:$0x3FB9] =	sst s0;
	s0 =	simm.s32 @!p2 $0x0  }
0x16: {  	s3 =	sld [smem:$0x3FDB];
	s0 =	simm.s32 @p2 $0x1  }
0x17: {  	s4 =	simm.s32 $0x1BF5;
	[smem:$0x3FBB] =	sst s0  }
0x18: {  	s0 =	sld [smem:$0x3F9E];
	_ =	swait.ge [sflag:s4], $0x0  }
0x19: {  	s7 =	sld [smem:$0x3F9F]  }
0x1a: {  	s8 =	sadd.s32 $0xFFFFE003, lr  }
0x1b: {  	s9 =	sadd.s32 $0xFFFFFEF7, lr;
	s5 =	simm.s32 $0xFFFFFFFF;
	p2 =	slt.u32 s8, $0xFFFFF086  }
0x1c: {  	p1 =	slt.u32 s9, $0xF7A;
	s5 =	simm.s32 @!p2 $0x0  }
0x1d: {  	s5 =	simm.s32 @p1 $0x1;
	p0 =	seq.s32 s7, s2  }
0x1e: {  	s7 =	smul.u32 @!p0 $0xF7A, s2;
	p2 =	seq.s32 @!p0 s5, $0x0  }
0x1f: {  	s9 =	smul.u32 $0xF7A, s1;
	s8 =	simm.s32 @!p0 $0x1BF5;
	p2 =	por !p2, p0  }
0x20: {  	[sflag:s8] =	ssyncset.s32 @!p0 $0xFFFFF086;
	s6 =	sadd.s32 @!p0 s3, s7;
	s7 =	simm.s32 @!p0 $0x108  }
0x21: {  	s3 =	sadd.s32 s3, s9;
	s6 =	sadd.s32 @!p0 $0x88, s6;
	s7 =	simm.s32 @p2 $0x1082  }
0x22: {  	[simem:s7], [sflag:s8] =	dma.local @!p0 [hbm:s6], $0xF7A  }
0x23: {  	s9 =	sor.u32 $0xD0000000, s2;
	s6 =	simm.s32 $0x108;
	_ =	swait.ge @!p0 [sflag:s8], $0x0  }
0x24: {  	s3 =	sadd.s32 $0x88, s3;
	s6 =	simm.s32 @!p1 $0x1082;
	[sflag:s4] =	ssyncset.s32 $0xFFFFF086  }
0x25: {  	[simem:s6], [sflag:s4] =	dma.local [hbm:s3], $0xF7A  }
0x26: {  	[smem:$0x3F9F] =	sst s1;
	(tag) =	ssettag s2;
	_ =	strace s9  }
0x27: {  	s1 =	sld [smem:$0x3FAF]  }
0x28: {  	s2 =	sld [smem:$0x3FB0]  }
0x29: {  	s4 =	sld [smem:$0x3FB2]  }
0x2a: {  	p0 =	seq.s32 s5, $0x0;
	s5 =	sld [smem:$0x3FB3]  }
0x2b: {  	s6 =	sld [smem:$0x3FB4]  }
0x2c: {  	s7 =	sld [smem:$0x3FB5]  }
0x2d: {  	s3 =	simm.s32 $0x108;
	s8 =	sld [smem:$0x3FB6]  }
0x2e: {  	s3 =	simm.s32 @!p0 $0x1082;
	s9 =	sld [smem:$0x3FB7]  }
0x2f: {  	lr =	sadd.s32 s0, s3;
	s0 =	sld [smem:$0x3FAE]  }
0x30: {  	s3 =	sld [smem:$0x3FB1]  }
0x31: {  	[smem:$0x3FBA] =	sst s10  }
0x32: {  	s10 =	sld [smem:$0x3FB8];
	_ =	sdelay $0x3  }
0x33: {  	p0 =	seq.s32 s10, $0x1;
	s10 =	sld [smem:$0x3FBA];
	_ =	sdelay $0x3  }
0x34: {  	[smem:$0x3FBA] =	sst s10  }
0x35: {  	s10 =	sld [smem:$0x3FB9];
	_ =	sdelay $0x3  }
0x36: {  	p1 =	seq.s32 s10, $0x1;
	s10 =	sld [smem:$0x3FBA];
	_ =	sdelay $0x3  }
0x37: {  	[smem:$0x3FBA] =	sst s10  }
0x38: {  	s10 =	sld [smem:$0x3FBB]  }
0x39: {  	_ = 	snop;
	(pc) =	sbr.ind lr, $3  }
0x3a: {  	_ = 	snop  }
0x3b: {  	_ = 	snop  }
0x3c: {  	p2 =	seq.s32 s10, $0x1;
	s10 =	sld [smem:$0x3FBA]  }
0x3d: {  	_ =	shalt  }
0x3e: {  	_ =	shalt  }
0x3f: {  	_ =	shalt  }
0x40: {  	_ =	shalt  }
0x41: {  	_ =	shalt  }
0x42: {  	_ =	shalt  }
0x43: {  	_ =	shalt  }
0x44: {  	_ =	shalt  }
0x45: {  	_ =	shalt  }
0x46: {  	_ =	shalt  }
0x47: {  	_ =	shalt  }
0x48: {  	_ =	shalt  }
0x49: {  	_ =	shalt  }
0x4a: {  	_ =	shalt  }
0x4b: {  	_ =	shalt  }
0x4c: {  	_ =	shalt  }
0x4d: {  	_ =	shalt  }
0x4e: {  	_ =	shalt  }
0x4f: {  	_ =	shalt  }
0x50: {  	_ =	shalt  }
0x51: {  	_ =	shalt  }
0x52: {  	_ =	shalt  }
0x53: {  	_ =	shalt  }
0x54: {  	_ =	shalt  }
0x55: {  	_ =	shalt  }
0x56: {  	_ =	shalt  }
0x57: {  	_ =	shalt  }
0x58: {  	_ =	shalt  }
0x59: {  	_ =	shalt  }
0x5a: {  	_ =	shalt  }
0x5b: {  	_ =	shalt  }
0x5c: {  	_ =	shalt  }
0x5d: {  	_ =	shalt  }
0x5e: {  	_ =	shalt  }
0x5f: {  	_ =	shalt  }
0x60: {  	_ =	shalt  }
0x61: {  	_ =	shalt  }
0x62: {  	_ =	shalt  }
0x63: {  	_ =	shalt  }
0x64: {  	_ =	shalt  }
0x65: {  	_ =	shalt  }
0x66: {  	_ =	shalt  }
0x67: {  	_ =	shalt  }
0x68: {  	_ =	shalt  }
0x69: {  	_ =	shalt  }
0x6a: {  	_ =	shalt  }
0x6b: {  	_ =	shalt  }
0x6c: {  	_ =	shalt  }
0x6d: {  	_ =	shalt  }
0x6e: {  	_ =	shalt  }
0x6f: {  	_ =	shalt  }
0x70: {  	_ =	shalt  }
0x71: {  	_ =	shalt  }
0x72: {  	_ =	shalt  }
0x73: {  	_ =	shalt  }
0x74: {  	_ =	shalt  }
0x75: {  	_ =	shalt  }
0x76: {  	_ =	shalt  }
0x77: {  	_ =	shalt  }
0x78: {  	_ =	shalt  }
0x79: {  	_ =	shalt  }
0x7a: {  	_ =	shalt  }
0x7b: {  	_ =	shalt  }
0x7c: {  	_ =	shalt  }
0x7d: {  	_ =	shalt  }
0x7e: {  	_ =	shalt  }
0x7f: {  	_ =	shalt  }
0x80: {  	_ =	shalt  }
0x81: {  	_ =	shalt  }
0x82: {  	_ =	shalt  }
0x83: {  	_ =	shalt  }
0x84: {  	_ =	shalt  }
0x85: {  	_ =	shalt  }
0x86: {  	_ =	shalt  }
0x87: {  	_ =	shalt  }
.Lfunc_end0:
.L_simem_size_0:
called_computation_lowered:
.L_overlay_start_0:
0x88: {  	s2 =	sld [smem:$0x3FD9]  }
0x89: {  	s3 =	sld [smem:$0x3FFE];
	_ =	sdelay $0x1  }
0x8a: {  	s1 =	srdreg.scid  }
0x8b: {  	s0 =	sand.u32 $0x1, s1  }
0x8c: {  	s14 =	sshll.u32 s0, $0xA;
	s2 =	sadd.s32 s3, s2  }
0x8d: {  	s2 =	sadd.s32 s2, s14  }
0x8e: {  	[smem:$0x3FC6] =	sst s2  }
0x8f: {  	_ = 	snop  }
0x90: {  	s2 =	sld [smem:$0x3FD0];
	_ =	sdelay $0x2  }
0x91: {  	s4 =	simm.s32 $0xA;
	s5 =	simm.s32 $0x10;
	s15 =	sld [smem:$0x3FC8]  }
0x92: {  	[smem:s5], [sflag:s4] =	dma.local [hbm:s2], $0x1  }
0x93: {  	_ =	swait.eq [sflag:s4], $0x1  }
0x94: {  	[sflag:s4] =	ssyncset.done $0x0  }
0x95: {  	[sflag:s4] =	ssyncadd.s32 $0xFFFFFFFF  }
0x96: {  	s16 =	sld [smem:$0x13];
	(tm) =	ssettm $0x1  }
0x97: {  	s17 =	sld [smem:$0x3FFB];
	_ =	sdelay $0x3  }
0x98: {  	_ =	strace s17  }
0x99: {  	s4 =	sld [smem:$0x3FFC];
	_ =	sdelay $0x3  }
0x9a: {  	_ =	strace s4  }
0x9b: {  	s4 =	sld [smem:$0x3FFD];
	_ =	sdelay $0x3  }
0x9c: {  	_ =	strace s4  }
0x9d: {  	_ =	strace $0x8FFFFFFF  }
0x9e: {  	s18 =	sld [smem:$0x3FDB];
	_ =	sdelay $0x1  }
0x9f: {  	s19 =	simm.s32 $_scs_section_size  }
0xa0: {  	s6 =	simm.s32 $_size__tile_overlayer_lowered;
	s7 =	simm.s32 $_tile_overlayer_lowered  }
0xa1: {  	s22 =	simm.s32 $0x1BFF;
	s21 =	sshll.u32 s7, $0x1;
	s4 =	sadd.s32 s19, s18  }
0xa2: {  	s8 =	simm.s32 $0x0;
	s20 =	sshll.u32 s6, $0x1;
	s6 =	sadd.s32 s21, s4  }
0xa3: {  	[timem:s8], [sflag:s22] =	dma.local [hbm:s6], s20  }
0xa4: {  	_ =	swait.ge [sflag:s22], s20  }
0xa5: {  	s5 =	ssub.s32 $0x0, s20;
	[sflag:s22] =	ssyncset.done $0x0  }
0xa6: {  	[sflag:s22] =	ssyncadd.s32 s5;
	_ =	sdelay $0x1  }
0xa7: {  	s23 =	simm.s32 $0x1B8B  }
0xa8: {  	_ =	swait.ge [sflag:s23], $0x1  }
0xa9: {  	[sflag:s23] =	ssyncset.done $0x0  }
0xaa: {  	s25 =	simm.s32 $0x1B8E;
	s24 =	sld [smem:$0x3FFE];
	[sflag:s23] =	ssyncadd.s32 $0xFFFFFFFF  }
0xab: {  	s26 =	simm.s32 $execute0_lowered;
	[smem:$0x3FD2] =	sst s25  }
0xac: {  	s6 =	sshll.u32 s26, $0x1;
	_ =	strace $0x80000046;
	[dreg:$0x1] =	wrdreg $0xFFFFFFFF  }
0xad: {  	s28 =	simm.s32 $_size_execute0_lowered;
	s4 =	sadd.s32 s4, s6;
	[dreg:$0x0] =	wrdreg $0x0  }
0xae: {  	s6 =	sshll.u32 s28, $0x1;
	[dreg:$0x2] =	wrdreg s4  }
0xaf: {  	[dreg:$0x3] =	wrdreg s6  }
0xb0: {  	[dreg:$0x4] =	wrdreg $0xC0  }
0xb1: {  	_ =	task [dreg:s8], $0x5FFFF  }
0xb2: {  	[dreg:$0x1] =	wrdreg $0xFFFFFFFF  }
0xb3: {  	[dreg:$0x0] =	wrdreg $0x60  }
0xb4: {  	[dreg:$0x2] =	wrdreg s15  }
0xb5: {  	[dreg:$0x3] =	wrdreg s16  }
0xb6: {  	[dreg:$0x4] =	wrdreg s24  }
0xb7: {  	[dreg:$0x5] =	wrdreg $0x9  }
0xb8: {  	_ =	task.clear_ibuf [dreg:s8], $0x6FFFF;
	_ =	strace $0x90000046  }
0xb9: {  	s29 =	simm.s32 $0x9;
	_ =	strace $0x80000048  }
0xba: {  	_ =	swait.ge [sflag:s29], $0x1  }
0xbb: {  	[sflag:s29] =	ssyncadd.s32 $0xFFFFFFFF  }
0xbc: {  	_ =	strace $0x90000048  }
0xbd: {  	_ =	sfence  }
0xbe: {  	s30 =	sld [smem:$0x0];
	_ =	sdelay $0x2  }
0xbf: {  	s31 =	sshll.u32 s1, $0xD;
	s1 =	sshrl.u32 s1, $0x2  }
0xc0: {  	s3 =	sand.u32 $0x4000, s31;
	s1 =	sadd.s32 s1, s30  }
0xc1: {  	s0 =	sor.u32 s3, s0;
	s1 =	sshll.u32 s1, $0x11  }
0xc2: {  	s0 =	sor.u32 s1, s0  }
0xc3: {  	s0 =	sadd.s32 $0x8F2B, s0  }
0xc4: {  	[sflag:s0] =	ssyncadd.remote.s32 $0x1  }
0xc5: {  	_ =	sfence.sel $0xFFFF  }
0xc6: {  	[dreg:$0x0] =	wrdreg $0xFFFFFFFF;
	(pc) =	sbr.abs _section_cstart, $3  }
0xc7: {  	[dreg:$0x1] =	wrdreg $0xFFFFFFFF  }
0xc8: {  	_ =	task.clear_ibuf [dreg:s8], $0x2FFFF;
	_ =	strace $0x9FFFFFFF  }
0xc9: {  	(tm) =	ssettm $0x7FFFFFFF  }
tec
execute0_lowered:
.L_overlay_start_1:
0x0: {  	(tag) =	ssettag $0x1  }
0x1: {  	s3 =	rddreg [dreg:$0x0]  }
0x2: {  	s8 =	rddreg [dreg:$0x1]  }
0x3: {  	s6 =	rddreg [dreg:$0x2]  }
0x4: {  	s0 =	rddreg [dreg:$0x3];
	s1 =	simm.s32 $0x0  }
0x5: {  	s4 =	srdreg.scid;
	s2 =	stileid.u32;
	s19 =	simm.s32 $0x5000  }
0x6: {  	s20 =	simm.s32 $0x0;
	[smem:$0x7FF] =	sst s1;
	s9 =	sadd.s32 $0x800, s6  }
0x7: {  	s4 =	sand.u32 $0x1, s4;
	s7 =	sshll.u32 s2, $0x2;
	s11 =	sadd.s32 $0x100800, s6  }
0x8: {  	s22 =	sshrl.u32 s2, $0x2;
	s24 =	sshrl.u32 s2, $0x1;
	s18 =	sadd.s32 $0x1000, s6  }
0x9: {  	_ =	strace $0x80000047;
	s5 =	ssub.s32 $0x2, s4;
	s4 =	sshll.u32 s4, $0x1  }
0xa: {  	s15 =	sshll.u32 s24, $0xF;
	s16 =	sshll.u32 s22, $0x11;
	s10 =	sshrl.u32 s5, $0x1  }
0xb: {  	s12 =	sor.u32 s4, s7;
	s4 =	sshll.u32 s22, $0xB;
	s7 =	sand.u32 $0x30, s7  }
0xc: {  	s13 =	ssub.s32 s5, s10;
	s23 =	sshll.u32 s12, $0x7;
	s25 =	sshll.u32 s12, $0x13  }
0xd: {  	s3 =	sadd.s32 s3, s4;
	s10 =	sshll.u32 s24, $0xC;
	s12 =	sor.u32 $0x1, s12  }
0xe: {  	s14 =	sand.u32 $0x300, s23;
	s5 =	sand.u32 $0x700000, s25;
	s29 =	sshll.u32 s12, $0x7  }
0xf: {  	s12 =	ssub.s32 s12, s7;
	s17 =	sor.u32 s15, s14;
	s5 =	sor.u32 s16, s5  }
0x10: {  	s14 =	sor.u32 s10, s14;
	s12 =	sshll.u32 s12, $0x13;
	s26 =	sshrl.u32 s17, $0x3  }
0x11: {  	s28 =	sshrl.u32 s5, $0x3;
	s14 =	sshrl.u32 s14, $0x3;
	s17 =	sand.u32 $0x380, s29  }
0x12: {  	s12 =	sor.u32 s16, s12;
	s16 =	simm.s32 $0x15000;
	s4 =	sadd.s32 s8, s26  }
0x13: {  	s5 =	sadd.s32 s9, s28;
	s6 =	sadd.s32 s28, s18;
	s7 =	sadd.s32 s11, s14  }
0x14: {  	s30 =	sor.u32 s15, s17;
	s10 =	sor.u32 s10, s17;
	s12 =	sshrl.u32 s12, $0x3  }
0x15: {  	s15 =	simm.s32 $0x400;
	s17 =	simm.s32 $0x4000;
	s14 =	sshrl.u32 s30, $0x3  }
0x16: {  	s31 =	sshrl.u32 s10, $0x3;
	s9 =	sadd.s32 s9, s12;
	s10 =	sadd.s32 s12, s18  }
0x17: {  	s12 =	smax.u32 s13, $0x1;
	s13 =	simm.s32 $0x1;
	s18 =	simm.s32 $0x8000  }
0x18: {  	v0 =	vimm.f32 $0.0e+00;
	v1 =	vimm.f32 $1.000000000e+00;
	s8 =	sadd.s32 s8, s14;
	s11 =	sadd.s32 s11, s31;
	s14 =	simm.s32 $0x80  }
.LBB2_1:
0x19: {  	[tilespmem:s1], [sflag:$0x1] =	stream.linear.gather [hbm4b:s3+s1], $0x4000, $0x38;
	[tilespmem:$0x15200] =	vst v63  }
0x1a: {  	_ =	swait.ge [sflag:s13], $0x4000  }
0x1b: {  	[sflag:s13] =	ssyncset.done $0x0  }
0x1c: {  	[sflag:s13] =	ssyncadd.s32 $0xFFFFC000  }
0x1d: {  	[tilespmem:s17], [sflag:$0x1] =	stream.strided.gather [hbm4b:s4+s14], $0x1000, s15, s14, $0x38;
	[tilespmem:$0x15200] =	vst v63  }
0x1e: {  	_ =	swait.ge [sflag:s13], $0x1000  }
0x1f: {  	[sflag:s13] =	ssyncset.done $0x0  }
0x20: {  	[sflag:s13] =	ssyncadd.s32 $0xFFFFF000  }
0x21: {  	[tilespmem:$0x15000] =	vst v0  }
0x22: {  	[tilespmem:$0x15010] =	vst v0  }
0x23: {  	[tilespmem:$0x15020] =	vst v0  }
0x24: {  	[tilespmem:$0x15030] =	vst v0  }
0x25: {  	[tilespmem:$0x15040] =	vst v0  }
0x26: {  	[tilespmem:$0x15050] =	vst v0  }
0x27: {  	[tilespmem:$0x15060] =	vst v0  }
0x28: {  	[tilespmem:$0x15070] =	vst v0  }
0x29: {  	[tilespmem:$0x15080] =	vst v0  }
0x2a: {  	[tilespmem:$0x15090] =	vst v0  }
0x2b: {  	[tilespmem:$0x150A0] =	vst v0  }
0x2c: {  	[tilespmem:$0x150B0] =	vst v0  }
0x2d: {  	[tilespmem:$0x150C0] =	vst v0  }
0x2e: {  	[tilespmem:$0x150D0] =	vst v0  }
0x2f: {  	[tilespmem:$0x150E0] =	vst v0  }
0x30: {  	[tilespmem:$0x150F0] =	vst v0  }
0x31: {  	[tilespmem:$0x15100] =	vst v0  }
0x32: {  	[tilespmem:$0x15110] =	vst v0  }
0x33: {  	[tilespmem:$0x15120] =	vst v0  }
0x34: {  	[tilespmem:$0x15130] =	vst v0  }
0x35: {  	[tilespmem:$0x15140] =	vst v0  }
0x36: {  	[tilespmem:$0x15150] =	vst v0  }
0x37: {  	[tilespmem:$0x15160] =	vst v0  }
0x38: {  	[tilespmem:$0x15170] =	vst v0  }
0x39: {  	[tilespmem:$0x15180] =	vst v0  }
0x3a: {  	[tilespmem:$0x15190] =	vst v0  }
0x3b: {  	[tilespmem:$0x151A0] =	vst v0  }
0x3c: {  	[tilespmem:$0x151B0] =	vst v0  }
0x3d: {  	[tilespmem:$0x151C0] =	vst v0  }
0x3e: {  	[tilespmem:$0x151D0] =	vst v0  }
0x3f: {  	[tilespmem:$0x151E0] =	vst v0  }
0x40: {  	[tilespmem:$0x151F0] =	vst v0  }
0x41: {  	v2 =	vld [tilespmem:s17+$0x0];
	_ =	sdelay $0x4  }
0x42: {  	v3 =	vshll.u32 v2, $0x3  }
0x43: {  	v4 =	vand.u32 $0x7F, v2;
	v3 =	vand.u32 $0xFFFFFC00, v3  }
0x44: {  	v3 =	vor.u32 v4, v3;
	_ =	sdelay $0x3  }
0x45: {  	[tilespmem:v2+s16+$0x0] =	vst.idx.add.f32.msk $0xffff, v1  }
0x46: {  	v2 =	vld.idx.msk [tilespmem:v3+s1+$0x0], $0xffff  }
0x47: {  	v4 =	vor.u32 $0x80, v3;
	_ =	sdelay $0x1  }
0x48: {  	s21 =	sand.u32 $0x70, s1;
	s22 =	sand.u32 $0x3C00, s1  }
0x49: {  	s21 =	sor.u32 s21, s22  }
0x4a: {  	[tilespmem:s21+$0x5000] =	vst v2  }
0x4b: {  	v2 =	vld.idx.msk [tilespmem:v4+s1+$0x0], $0xffff  }
0x4c: {  	v35 =	vor.u32 $0x100, v3;
	_ =	sdelay $0x3  }
0x4d: {  	[tilespmem:s21+$0x5080] =	vst v2  }
0x4e: {  	v2 =	vld.idx.msk [tilespmem:v35+s1+$0x0], $0xffff  }
0x4f: {  	v36 =	vor.u32 $0x180, v3;
	_ =	sdelay $0x3  }
0x50: {  	[tilespmem:s21+$0x5100] =	vst v2  }
0x51: {  	v2 =	vld.idx.msk [tilespmem:v36+s1+$0x0], $0xffff  }
0x52: {  	v37 =	vor.u32 $0x200, v3;
	_ =	sdelay $0x3  }
0x53: {  	[tilespmem:s21+$0x5180] =	vst v2  }
0x54: {  	v2 =	vld.idx.msk [tilespmem:v37+s1+$0x0], $0xffff  }
0x55: {  	v38 =	vor.u32 $0x280, v3;
	_ =	sdelay $0x3  }
0x56: {  	[tilespmem:s21+$0x5200] =	vst v2  }
0x57: {  	v2 =	vld.idx.msk [tilespmem:v38+s1+$0x0], $0xffff  }
0x58: {  	v39 =	vor.u32 $0x300, v3;
	_ =	sdelay $0x3  }
0x59: {  	[tilespmem:s21+$0x5280] =	vst v2  }
0x5a: {  	v2 =	vld.idx.msk [tilespmem:v39+s1+$0x0], $0xffff  }
0x5b: {  	v40 =	vor.u32 $0x380, v3;
	_ =	sdelay $0x3  }
0x5c: {  	[tilespmem:s21+$0x5300] =	vst v2  }
0x5d: {  	v2 =	vld.idx.msk [tilespmem:v40+s1+$0x0], $0xffff  }
0x5e: {  	s31 =	sand.u32 $0x7, s1;
	v41 =	vadd.s32 $0x1000, v3  }
0x5f: {  	s22 =	sshll.u32 s31, $0x4  }
0x60: {  	s22 =	sadd.s32 $0x0, s22  }
0x61: {  	s22 =	sor.u32 $0x380, s22  }
0x62: {  	[tilespmem:s22+$0x5000] =	vst v2  }
0x63: {  	v2 =	vld.idx.msk [tilespmem:v41+s1+$0x0], $0xffff  }
0x64: {  	v42 =	vadd.s32 $0x1080, v3;
	_ =	sdelay $0x3  }
0x65: {  	[tilespmem:s21+$0x9000] =	vst v2  }
0x66: {  	v2 =	vld.idx.msk [tilespmem:v42+s1+$0x0], $0xffff  }
0x67: {  	v43 =	vadd.s32 $0x1100, v3;
	_ =	sdelay $0x3  }
0x68: {  	[tilespmem:s21+$0x9080] =	vst v2  }
0x69: {  	v2 =	vld.idx.msk [tilespmem:v43+s1+$0x0], $0xffff  }
0x6a: {  	v44 =	vadd.s32 $0x1180, v3;
	_ =	sdelay $0x3  }
0x6b: {  	[tilespmem:s21+$0x9100] =	vst v2  }
0x6c: {  	v2 =	vld.idx.msk [tilespmem:v44+s1+$0x0], $0xffff  }
0x6d: {  	v45 =	vadd.s32 $0x1200, v3;
	_ =	sdelay $0x3  }
0x6e: {  	[tilespmem:s21+$0x9180] =	vst v2  }
0x6f: {  	v2 =	vld.idx.msk [tilespmem:v45+s1+$0x0], $0xffff  }
0x70: {  	v46 =	vadd.s32 $0x1280, v3;
	_ =	sdelay $0x3  }
0x71: {  	[tilespmem:s21+$0x9200] =	vst v2  }
0x72: {  	v2 =	vld.idx.msk [tilespmem:v46+s1+$0x0], $0xffff  }
0x73: {  	v47 =	vadd.s32 $0x1300, v3;
	_ =	sdelay $0x3  }
0x74: {  	[tilespmem:s21+$0x9280] =	vst v2  }
0x75: {  	v2 =	vld.idx.msk [tilespmem:v47+s1+$0x0], $0xffff  }
0x76: {  	v48 =	vadd.s32 $0x1380, v3;
	_ =	sdelay $0x3  }
0x77: {  	[tilespmem:s21+$0x9300] =	vst v2  }
0x78: {  	v2 =	vld.idx.msk [tilespmem:v48+s1+$0x0], $0xffff  }
0x79: {  	v49 =	vadd.s32 $0x2000, v3;
	_ =	sdelay $0x3  }
0x7a: {  	[tilespmem:s21+$0x9380] =	vst v2  }
0x7b: {  	v2 =	vld.idx.msk [tilespmem:v49+s1+$0x0], $0xffff  }
0x7c: {  	v50 =	vadd.s32 $0x2080, v3;
	_ =	sdelay $0x3  }
0x7d: {  	[tilespmem:s21+$0xD000] =	vst v2  }
0x7e: {  	v2 =	vld.idx.msk [tilespmem:v50+s1+$0x0], $0xffff  }
0x7f: {  	v51 =	vadd.s32 $0x2100, v3;
	_ =	sdelay $0x3  }
0x80: {  	[tilespmem:s21+$0xD080] =	vst v2  }
0x81: {  	v2 =	vld.idx.msk [tilespmem:v51+s1+$0x0], $0xffff  }
0x82: {  	v52 =	vadd.s32 $0x2180, v3;
	_ =	sdelay $0x3  }
0x83: {  	[tilespmem:s21+$0xD100] =	vst v2  }
0x84: {  	v2 =	vld.idx.msk [tilespmem:v52+s1+$0x0], $0xffff  }
0x85: {  	v53 =	vadd.s32 $0x2200, v3;
	_ =	sdelay $0x3  }
0x86: {  	[tilespmem:s21+$0xD180] =	vst v2  }
0x87: {  	v2 =	vld.idx.msk [tilespmem:v53+s1+$0x0], $0xffff  }
0x88: {  	v54 =	vadd.s32 $0x2280, v3;
	_ =	sdelay $0x3  }
0x89: {  	[tilespmem:s21+$0xD200] =	vst v2  }
0x8a: {  	v2 =	vld.idx.msk [tilespmem:v54+s1+$0x0], $0xffff  }
0x8b: {  	v55 =	vadd.s32 $0x2300, v3;
	_ =	sdelay $0x3  }
0x8c: {  	[tilespmem:s21+$0xD280] =	vst v2  }
0x8d: {  	v2 =	vld.idx.msk [tilespmem:v55+s1+$0x0], $0xffff  }
0x8e: {  	v56 =	vadd.s32 $0x2380, v3;
	_ =	sdelay $0x3  }
0x8f: {  	[tilespmem:s21+$0xD300] =	vst v2  }
0x90: {  	v2 =	vld.idx.msk [tilespmem:v56+s1+$0x0], $0xffff  }
0x91: {  	v57 =	vadd.s32 $0x3000, v3;
	_ =	sdelay $0x3  }
0x92: {  	[tilespmem:s21+$0xD380] =	vst v2  }
0x93: {  	v2 =	vld.idx.msk [tilespmem:v57+s1+$0x0], $0xffff  }
0x94: {  	v58 =	vadd.s32 $0x3080, v3;
	_ =	sdelay $0x3  }
0x95: {  	[tilespmem:s21+$0x11000] =	vst v2  }
0x96: {  	v2 =	vld.idx.msk [tilespmem:v58+s1+$0x0], $0xffff  }
0x97: {  	v59 =	vadd.s32 $0x3100, v3;
	_ =	sdelay $0x3  }
0x98: {  	[tilespmem:s21+$0x11080] =	vst v2  }
0x99: {  	v2 =	vld.idx.msk [tilespmem:v59+s1+$0x0], $0xffff  }
0x9a: {  	v60 =	vadd.s32 $0x3180, v3;
	_ =	sdelay $0x3  }
0x9b: {  	[tilespmem:s21+$0x11100] =	vst v2  }
0x9c: {  	v2 =	vld.idx.msk [tilespmem:v60+s1+$0x0], $0xffff  }
0x9d: {  	v61 =	vadd.s32 $0x3200, v3;
	_ =	sdelay $0x3  }
0x9e: {  	[tilespmem:s21+$0x11180] =	vst v2  }
0x9f: {  	v2 =	vld.idx.msk [tilespmem:v61+s1+$0x0], $0xffff  }
0xa0: {  	v62 =	vadd.s32 $0x3280, v3;
	_ =	sdelay $0x3  }
0xa1: {  	[tilespmem:s21+$0x11200] =	vst v2  }
0xa2: {  	v2 =	vld.idx.msk [tilespmem:v62+s1+$0x0], $0xffff  }
0xa3: {  	v63 =	vadd.s32 $0x3300, v3;
	_ =	sdelay $0x3  }
0xa4: {  	[tilespmem:s21+$0x11280] =	vst v2  }
0xa5: {  	v2 =	vld.idx.msk [tilespmem:v63+s1+$0x0], $0xffff  }
0xa6: {  	v3 =	vadd.s32 $0x3380, v3;
	_ =	sdelay $0x3  }
0xa7: {  	s23 =	simm.s32 $0x0;
	[tilespmem:s21+$0x11300] =	vst v2  }
0xa8: {  	s24 =	simm.s32 $0x0;
	s25 =	simm.s32 $0x4000;
	s22 =	simm.s32 $0x10;
	v2 =	vld.idx.msk [tilespmem:v3+s1+$0x0], $0xffff  }
.LBB2_2:
0xa9: {  	_ =	sdelay $0x3  }
0xaa: {  	s23 =	sadd.s32 $0x80, s23;
	s24 =	sadd.s32 $0x1, s24;
	s25 =	sadd.s32 $0x10, s25;
	[tilespmem:s21+$0x11380] =	vst v2  }
0xab: {  	p0 =	sne.s32 s22, $0x7F0;
	s21 =	smov.u32 s22;
	s22 =	sadd.s32 $0x10, s22;
	v3 =	vld [tilespmem:s25+$0x0]  }
0xac: {  	_ =	sdelay $0x3  }
0xad: {  	v2 =	vshll.u32 v3, $0x3  }
0xae: {  	v4 =	vand.u32 $0x7F, v3;
	v2 =	vand.u32 $0xFFFFFC00, v2  }
0xaf: {  	v2 =	vor.u32 v4, v2;
	_ =	sdelay $0x3  }
0xb0: {  	[tilespmem:v3+s16+$0x0] =	vst.idx.add.f32.msk $0xffff, v1  }
0xb1: {  	v3 =	vld.idx.msk [tilespmem:v2+s1+$0x0], $0xffff;
	_ =	sdelay $0x1  }
0xb2: {  	v4 =	vor.u32 $0x80, v2;
	_ =	sdelay $0x1  }
0xb3: {  	s26 =	sand.u32 $0x3C00, s23;
	s21 =	sand.u32 $0x70, s21  }
0xb4: {  	s21 =	sor.u32 s21, s26  }
0xb5: {  	[tilespmem:s21+$0x5000] =	vst v3  }
0xb6: {  	v3 =	vld.idx.msk [tilespmem:v4+s1+$0x0], $0xffff;
	_ =	sdelay $0x1  }
0xb7: {  	v4 =	vor.u32 $0x100, v2;
	_ =	sdelay $0x3  }
0xb8: {  	[tilespmem:s21+$0x5080] =	vst v3  }
0xb9: {  	v3 =	vld.idx.msk [tilespmem:v4+s1+$0x0], $0xffff;
	_ =	sdelay $0x1  }
0xba: {  	v4 =	vor.u32 $0x180, v2;
	_ =	sdelay $0x3  }
0xbb: {  	[tilespmem:s21+$0x5100] =	vst v3  }
0xbc: {  	v3 =	vld.idx.msk [tilespmem:v4+s1+$0x0], $0xffff;
	_ =	sdelay $0x1  }
0xbd: {  	v4 =	vor.u32 $0x200, v2;
	_ =	sdelay $0x3  }
0xbe: {  	[tilespmem:s21+$0x5180] =	vst v3  }
0xbf: {  	v3 =	vld.idx.msk [tilespmem:v4+s1+$0x0], $0xffff;
	_ =	sdelay $0x1  }
0xc0: {  	v4 =	vor.u32 $0x280, v2;
	_ =	sdelay $0x3  }
0xc1: {  	[tilespmem:s21+$0x5200] =	vst v3  }
0xc2: {  	v3 =	vld.idx.msk [tilespmem:v4+s1+$0x0], $0xffff;
	_ =	sdelay $0x1  }
0xc3: {  	v4 =	vor.u32 $0x300, v2;
	_ =	sdelay $0x3  }
0xc4: {  	[tilespmem:s21+$0x5280] =	vst v3  }
0xc5: {  	v3 =	vld.idx.msk [tilespmem:v4+s1+$0x0], $0xffff;
	_ =	sdelay $0x1  }
0xc6: {  	v4 =	vor.u32 $0x380, v2;
	_ =	sdelay $0x3  }
0xc7: {  	[tilespmem:s21+$0x5300] =	vst v3  }
0xc8: {  	v3 =	vld.idx.msk [tilespmem:v4+s1+$0x0], $0xffff;
	_ =	sdelay $0x1  }
0xc9: {  	s26 =	sand.u32 $0x7, s24;
	v4 =	vadd.s32 $0x1000, v2  }
0xca: {  	s26 =	sshll.u32 s26, $0x4  }
0xcb: {  	s26 =	sadd.s32 s26, s23  }
0xcc: {  	s26 =	sor.u32 $0x380, s26  }
0xcd: {  	[tilespmem:s26+$0x5000] =	vst v3  }
0xce: {  	v3 =	vld.idx.msk [tilespmem:v4+s1+$0x0], $0xffff;
	_ =	sdelay $0x1  }
0xcf: {  	v4 =	vadd.s32 $0x1080, v2;
	_ =	sdelay $0x3  }
0xd0: {  	[tilespmem:s21+$0x9000] =	vst v3  }
0xd1: {  	v3 =	vld.idx.msk [tilespmem:v4+s1+$0x0], $0xffff;
	_ =	sdelay $0x1  }
0xd2: {  	v4 =	vadd.s32 $0x1100, v2;
	_ =	sdelay $0x3  }
0xd3: {  	[tilespmem:s21+$0x9080] =	vst v3  }
0xd4: {  	v3 =	vld.idx.msk [tilespmem:v4+s1+$0x0], $0xffff;
	_ =	sdelay $0x1  }
0xd5: {  	v4 =	vadd.s32 $0x1180, v2;
	_ =	sdelay $0x3  }
0xd6: {  	[tilespmem:s21+$0x9100] =	vst v3  }
0xd7: {  	v3 =	vld.idx.msk [tilespmem:v4+s1+$0x0], $0xffff;
	_ =	sdelay $0x1  }
0xd8: {  	v4 =	vadd.s32 $0x1200, v2;
	_ =	sdelay $0x3  }
0xd9: {  	[tilespmem:s21+$0x9180] =	vst v3  }
0xda: {  	v3 =	vld.idx.msk [tilespmem:v4+s1+$0x0], $0xffff;
	_ =	sdelay $0x1  }
0xdb: {  	v4 =	vadd.s32 $0x1280, v2;
	_ =	sdelay $0x3  }
0xdc: {  	[tilespmem:s21+$0x9200] =	vst v3  }
0xdd: {  	v3 =	vld.idx.msk [tilespmem:v4+s1+$0x0], $0xffff;
	_ =	sdelay $0x1  }
0xde: {  	v4 =	vadd.s32 $0x1300, v2;
	_ =	sdelay $0x3  }
0xdf: {  	[tilespmem:s21+$0x9280] =	vst v3  }
0xe0: {  	v3 =	vld.idx.msk [tilespmem:v4+s1+$0x0], $0xffff;
	_ =	sdelay $0x1  }
0xe1: {  	v4 =	vadd.s32 $0x1380, v2;
	_ =	sdelay $0x3  }
0xe2: {  	[tilespmem:s21+$0x9300] =	vst v3  }
0xe3: {  	v3 =	vld.idx.msk [tilespmem:v4+s1+$0x0], $0xffff;
	_ =	sdelay $0x1  }
0xe4: {  	v4 =	vadd.s32 $0x2000, v2;
	_ =	sdelay $0x3  }
0xe5: {  	[tilespmem:s21+$0x9380] =	vst v3  }
0xe6: {  	v3 =	vld.idx.msk [tilespmem:v4+s1+$0x0], $0xffff;
	_ =	sdelay $0x1  }
0xe7: {  	v4 =	vadd.s32 $0x2080, v2;
	_ =	sdelay $0x3  }
0xe8: {  	[tilespmem:s21+$0xD000] =	vst v3  }
0xe9: {  	v3 =	vld.idx.msk [tilespmem:v4+s1+$0x0], $0xffff;
	_ =	sdelay $0x1  }
0xea: {  	v4 =	vadd.s32 $0x2100, v2;
	_ =	sdelay $0x3  }
0xeb: {  	[tilespmem:s21+$0xD080] =	vst v3  }
0xec: {  	v3 =	vld.idx.msk [tilespmem:v4+s1+$0x0], $0xffff;
	_ =	sdelay $0x1  }
0xed: {  	v4 =	vadd.s32 $0x2180, v2;
	_ =	sdelay $0x3  }
0xee: {  	[tilespmem:s21+$0xD100] =	vst v3  }
0xef: {  	v3 =	vld.idx.msk [tilespmem:v4+s1+$0x0], $0xffff;
	_ =	sdelay $0x1  }
0xf0: {  	v4 =	vadd.s32 $0x2200, v2;
	_ =	sdelay $0x3  }
0xf1: {  	[tilespmem:s21+$0xD180] =	vst v3  }
0xf2: {  	v3 =	vld.idx.msk [tilespmem:v4+s1+$0x0], $0xffff;
	_ =	sdelay $0x1  }
0xf3: {  	v4 =	vadd.s32 $0x2280, v2;
	_ =	sdelay $0x3  }
0xf4: {  	[tilespmem:s21+$0xD200] =	vst v3  }
0xf5: {  	v3 =	vld.idx.msk [tilespmem:v4+s1+$0x0], $0xffff;
	_ =	sdelay $0x1  }
0xf6: {  	v4 =	vadd.s32 $0x2300, v2;
	_ =	sdelay $0x3  }
0xf7: {  	[tilespmem:s21+$0xD280] =	vst v3  }
0xf8: {  	v3 =	vld.idx.msk [tilespmem:v4+s1+$0x0], $0xffff;
	_ =	sdelay $0x1  }
0xf9: {  	v4 =	vadd.s32 $0x2380, v2;
	_ =	sdelay $0x3  }
0xfa: {  	[tilespmem:s21+$0xD300] =	vst v3  }
0xfb: {  	v3 =	vld.idx.msk [tilespmem:v4+s1+$0x0], $0xffff;
	_ =	sdelay $0x1  }
0xfc: {  	v4 =	vadd.s32 $0x3000, v2;
	_ =	sdelay $0x3  }
0xfd: {  	[tilespmem:s21+$0xD380] =	vst v3  }
0xfe: {  	v3 =	vld.idx.msk [tilespmem:v4+s1+$0x0], $0xffff;
	_ =	sdelay $0x1  }
0xff: {  	v4 =	vadd.s32 $0x3080, v2;
	_ =	sdelay $0x3  }
0x100: {  	[tilespmem:s21+$0x11000] =	vst v3  }
0x101: {  	v3 =	vld.idx.msk [tilespmem:v4+s1+$0x0], $0xffff;
	_ =	sdelay $0x1  }
0x102: {  	v4 =	vadd.s32 $0x3100, v2;
	_ =	sdelay $0x3  }
0x103: {  	[tilespmem:s21+$0x11080] =	vst v3  }
0x104: {  	v3 =	vld.idx.msk [tilespmem:v4+s1+$0x0], $0xffff;
	_ =	sdelay $0x1  }
0x105: {  	v4 =	vadd.s32 $0x3180, v2;
	_ =	sdelay $0x3  }
0x106: {  	[tilespmem:s21+$0x11100] =	vst v3  }
0x107: {  	v3 =	vld.idx.msk [tilespmem:v4+s1+$0x0], $0xffff;
	_ =	sdelay $0x1  }
0x108: {  	v4 =	vadd.s32 $0x3200, v2;
	_ =	sdelay $0x3  }
0x109: {  	[tilespmem:s21+$0x11180] =	vst v3  }
0x10a: {  	v3 =	vld.idx.msk [tilespmem:v4+s1+$0x0], $0xffff;
	_ =	sdelay $0x1  }
0x10b: {  	v4 =	vadd.s32 $0x3280, v2;
	_ =	sdelay $0x3  }
0x10c: {  	[tilespmem:s21+$0x11200] =	vst v3  }
0x10d: {  	v3 =	vld.idx.msk [tilespmem:v4+s1+$0x0], $0xffff;
	_ =	sdelay $0x1  }
0x10e: {  	v4 =	vadd.s32 $0x3300, v2;
	_ =	sdelay $0x3  }
0x10f: {  	[tilespmem:s21+$0x11280] =	vst v3  }
0x110: {  	v3 =	vld.idx.msk [tilespmem:v4+s1+$0x0], $0xffff;
	_ =	sdelay $0x1  }
0x111: {  	v2 =	vadd.s32 $0x3380, v2  }
.Ltmp0:
0x112: {  	(pc) =	sbr.rel @p0 .LBB2_2-.Ltmp0, $3  }
0x113: {  	_ =	sdelay $0x1  }
0x114: {  	[tilespmem:s21+$0x11300] =	vst v3  }
0x115: {  	v2 =	vld.idx.msk [tilespmem:v2+s1+$0x0], $0xffff  }
0x116: {  	_ =	sdelay $0x3  }
0x117: {  	[tilespmem:s21+$0x11380] =	vst v2  }
0x118: {  	[hbm4b:s5+s17] =	stream.strided.scatter [tilespmem:s19], [sflag:$0x1], $0x10000, s18, s17, $0x38;
	[tilespmem:$0x15200] =	vst v63  }
0x119: {  	_ =	swait.ge [sflag:s13], $0x10000  }
0x11a: {  	s21 =	simm.s32 $0x0;
	[sflag:s13] =	ssyncset.done $0x0  }
0x11b: {  	s22 =	sand.u32 $0x7F0, s21;
	[sflag:s13] =	ssyncadd.s32 $0xFFFF0000  }
0x11c: {  	v2 =	vld [tilespmem:s22+$0x4800];
	_ =	sdelay $0x4  }
0x11d: {  	v3 =	vshll.u32 v2, $0x3  }
0x11e: {  	v4 =	vand.u32 $0x7F, v2;
	v3 =	vand.u32 $0xFFFFFC00, v3  }
0x11f: {  	v3 =	vor.u32 v4, v3;
	_ =	sdelay $0x3  }
0x120: {  	[tilespmem:v2+s16+$0x0] =	vst.idx.add.f32.msk $0xffff, v1  }
0x121: {  	v2 =	vld.idx.msk [tilespmem:v3+s1+$0x0], $0xffff  }
0x122: {  	v4 =	vor.u32 $0x80, v3;
	_ =	sdelay $0x1  }
0x123: {  	s30 =	sand.u32 $0x70, s21;
	s23 =	sand.u32 $0x3C00, s21  }
0x124: {  	s22 =	sor.u32 s30, s23  }
0x125: {  	[tilespmem:s22+$0x5000] =	vst v2  }
0x126: {  	v2 =	vld.idx.msk [tilespmem:v4+s1+$0x0], $0xffff  }
0x127: {  	v35 =	vor.u32 $0x100, v3;
	_ =	sdelay $0x3  }
0x128: {  	[tilespmem:s22+$0x5080] =	vst v2  }
0x129: {  	v2 =	vld.idx.msk [tilespmem:v35+s1+$0x0], $0xffff  }
0x12a: {  	v36 =	vor.u32 $0x180, v3;
	_ =	sdelay $0x3  }
0x12b: {  	[tilespmem:s22+$0x5100] =	vst v2  }
0x12c: {  	v2 =	vld.idx.msk [tilespmem:v36+s1+$0x0], $0xffff  }
0x12d: {  	v37 =	vor.u32 $0x200, v3;
	_ =	sdelay $0x3  }
0x12e: {  	[tilespmem:s22+$0x5180] =	vst v2  }
0x12f: {  	v2 =	vld.idx.msk [tilespmem:v37+s1+$0x0], $0xffff  }
0x130: {  	v38 =	vor.u32 $0x280, v3;
	_ =	sdelay $0x3  }
0x131: {  	[tilespmem:s22+$0x5200] =	vst v2  }
0x132: {  	v2 =	vld.idx.msk [tilespmem:v38+s1+$0x0], $0xffff  }
0x133: {  	v39 =	vor.u32 $0x300, v3;
	_ =	sdelay $0x3  }
0x134: {  	[tilespmem:s22+$0x5280] =	vst v2  }
0x135: {  	v2 =	vld.idx.msk [tilespmem:v39+s1+$0x0], $0xffff  }
0x136: {  	v40 =	vor.u32 $0x380, v3;
	_ =	sdelay $0x3  }
0x137: {  	[tilespmem:s22+$0x5300] =	vst v2  }
0x138: {  	v2 =	vld.idx.msk [tilespmem:v40+s1+$0x0], $0xffff  }
0x139: {  	s31 =	sand.u32 $0x7, s21;
	v41 =	vadd.s32 $0x1000, v3  }
0x13a: {  	s23 =	sshll.u32 s31, $0x4  }
0x13b: {  	s23 =	sadd.s32 $0x0, s23  }
0x13c: {  	s23 =	sor.u32 $0x380, s23  }
0x13d: {  	[tilespmem:s23+$0x5000] =	vst v2  }
0x13e: {  	v2 =	vld.idx.msk [tilespmem:v41+s1+$0x0], $0xffff  }
0x13f: {  	v42 =	vadd.s32 $0x1080, v3;
	_ =	sdelay $0x3  }
0x140: {  	[tilespmem:s22+$0x9000] =	vst v2  }
0x141: {  	v2 =	vld.idx.msk [tilespmem:v42+s1+$0x0], $0xffff  }
0x142: {  	v43 =	vadd.s32 $0x1100, v3;
	_ =	sdelay $0x3  }
0x143: {  	[tilespmem:s22+$0x9080] =	vst v2  }
0x144: {  	v2 =	vld.idx.msk [tilespmem:v43+s1+$0x0], $0xffff  }
0x145: {  	v44 =	vadd.s32 $0x1180, v3;
	_ =	sdelay $0x3  }
0x146: {  	[tilespmem:s22+$0x9100] =	vst v2  }
0x147: {  	v2 =	vld.idx.msk [tilespmem:v44+s1+$0x0], $0xffff  }
0x148: {  	v45 =	vadd.s32 $0x1200, v3;
	_ =	sdelay $0x3  }
0x149: {  	[tilespmem:s22+$0x9180] =	vst v2  }
0x14a: {  	v2 =	vld.idx.msk [tilespmem:v45+s1+$0x0], $0xffff  }
0x14b: {  	v46 =	vadd.s32 $0x1280, v3;
	_ =	sdelay $0x3  }
0x14c: {  	[tilespmem:s22+$0x9200] =	vst v2  }
0x14d: {  	v2 =	vld.idx.msk [tilespmem:v46+s1+$0x0], $0xffff  }
0x14e: {  	v47 =	vadd.s32 $0x1300, v3;
	_ =	sdelay $0x3  }
0x14f: {  	[tilespmem:s22+$0x9280] =	vst v2  }
0x150: {  	v2 =	vld.idx.msk [tilespmem:v47+s1+$0x0], $0xffff  }
0x151: {  	v48 =	vadd.s32 $0x1380, v3;
	_ =	sdelay $0x3  }
0x152: {  	[tilespmem:s22+$0x9300] =	vst v2  }
0x153: {  	v2 =	vld.idx.msk [tilespmem:v48+s1+$0x0], $0xffff  }
0x154: {  	v49 =	vadd.s32 $0x2000, v3;
	_ =	sdelay $0x3  }
0x155: {  	[tilespmem:s22+$0x9380] =	vst v2  }
0x156: {  	v2 =	vld.idx.msk [tilespmem:v49+s1+$0x0], $0xffff  }
0x157: {  	v50 =	vadd.s32 $0x2080, v3;
	_ =	sdelay $0x3  }
0x158: {  	[tilespmem:s22+$0xD000] =	vst v2  }
0x159: {  	v2 =	vld.idx.msk [tilespmem:v50+s1+$0x0], $0xffff  }
0x15a: {  	v51 =	vadd.s32 $0x2100, v3;
	_ =	sdelay $0x3  }
0x15b: {  	[tilespmem:s22+$0xD080] =	vst v2  }
0x15c: {  	v2 =	vld.idx.msk [tilespmem:v51+s1+$0x0], $0xffff  }
0x15d: {  	v52 =	vadd.s32 $0x2180, v3;
	_ =	sdelay $0x3  }
0x15e: {  	[tilespmem:s22+$0xD100] =	vst v2  }
0x15f: {  	v2 =	vld.idx.msk [tilespmem:v52+s1+$0x0], $0xffff  }
0x160: {  	v53 =	vadd.s32 $0x2200, v3;
	_ =	sdelay $0x3  }
0x161: {  	[tilespmem:s22+$0xD180] =	vst v2  }
0x162: {  	v2 =	vld.idx.msk [tilespmem:v53+s1+$0x0], $0xffff  }
0x163: {  	v54 =	vadd.s32 $0x2280, v3;
	_ =	sdelay $0x3  }
0x164: {  	[tilespmem:s22+$0xD200] =	vst v2  }
0x165: {  	v2 =	vld.idx.msk [tilespmem:v54+s1+$0x0], $0xffff  }
0x166: {  	v55 =	vadd.s32 $0x2300, v3;
	_ =	sdelay $0x3  }
0x167: {  	[tilespmem:s22+$0xD280] =	vst v2  }
0x168: {  	v2 =	vld.idx.msk [tilespmem:v55+s1+$0x0], $0xffff  }
0x169: {  	v56 =	vadd.s32 $0x2380, v3;
	_ =	sdelay $0x3  }
0x16a: {  	[tilespmem:s22+$0xD300] =	vst v2  }
0x16b: {  	v2 =	vld.idx.msk [tilespmem:v56+s1+$0x0], $0xffff  }
0x16c: {  	v57 =	vadd.s32 $0x3000, v3;
	_ =	sdelay $0x3  }
0x16d: {  	[tilespmem:s22+$0xD380] =	vst v2  }
0x16e: {  	v2 =	vld.idx.msk [tilespmem:v57+s1+$0x0], $0xffff  }
0x16f: {  	v58 =	vadd.s32 $0x3080, v3;
	_ =	sdelay $0x3  }
0x170: {  	[tilespmem:s22+$0x11000] =	vst v2  }
0x171: {  	v2 =	vld.idx.msk [tilespmem:v58+s1+$0x0], $0xffff  }
0x172: {  	v59 =	vadd.s32 $0x3100, v3;
	_ =	sdelay $0x3  }
0x173: {  	[tilespmem:s22+$0x11080] =	vst v2  }
0x174: {  	v2 =	vld.idx.msk [tilespmem:v59+s1+$0x0], $0xffff  }
0x175: {  	v60 =	vadd.s32 $0x3180, v3;
	_ =	sdelay $0x3  }
0x176: {  	[tilespmem:s22+$0x11100] =	vst v2  }
0x177: {  	v2 =	vld.idx.msk [tilespmem:v60+s1+$0x0], $0xffff  }
0x178: {  	v61 =	vadd.s32 $0x3200, v3;
	_ =	sdelay $0x3  }
0x179: {  	[tilespmem:s22+$0x11180] =	vst v2  }
0x17a: {  	v2 =	vld.idx.msk [tilespmem:v61+s1+$0x0], $0xffff  }
0x17b: {  	v62 =	vadd.s32 $0x3280, v3;
	_ =	sdelay $0x3  }
0x17c: {  	[tilespmem:s22+$0x11200] =	vst v2  }
0x17d: {  	v2 =	vld.idx.msk [tilespmem:v62+s1+$0x0], $0xffff  }
0x17e: {  	v63 =	vadd.s32 $0x3300, v3;
	_ =	sdelay $0x3  }
0x17f: {  	[tilespmem:s22+$0x11280] =	vst v2  }
0x180: {  	v2 =	vld.idx.msk [tilespmem:v63+s1+$0x0], $0xffff  }
0x181: {  	v3 =	vadd.s32 $0x3380, v3;
	_ =	sdelay $0x3  }
0x182: {  	[tilespmem:s22+$0x11300] =	vst v2  }
0x183: {  	v2 =	vld.idx.msk [tilespmem:v3+s1+$0x0], $0xffff;
	_ =	sdelay $0x2  }
0x184: {  	s24 =	simm.s32 $0x10;
	s26 =	simm.s32 $0x20;
	s23 =	simm.s32 $0x1  }
.LBB2_4:
0x185: {  	s28 =	sand.u32 $0x7F0, s24  }
0x186: {  	[tilespmem:s22+$0x11380] =	vst v2;
	s21 =	sadd.s32 $0x80, s21;
	s22 =	smov.u32 s26;
	s25 =	sadd.s32 $0x10, s26  }
0x187: {  	p0 =	sne.s32 s26, $0x7F0;
	v3 =	vld [tilespmem:s28+$0x4800];
	_ =	sdelay $0x4  }
0x188: {  	v2 =	vshll.u32 v3, $0x3  }
0x189: {  	v4 =	vand.u32 $0x7F, v3;
	v2 =	vand.u32 $0xFFFFFC00, v2  }
0x18a: {  	v2 =	vor.u32 v4, v2;
	_ =	sdelay $0x3  }
0x18b: {  	[tilespmem:v3+s16+$0x0] =	vst.idx.add.f32.msk $0xffff, v1  }
0x18c: {  	v3 =	vld.idx.msk [tilespmem:v2+s1+$0x0], $0xffff;
	_ =	sdelay $0x1  }
0x18d: {  	v4 =	vor.u32 $0x80, v2;
	_ =	sdelay $0x1  }
0x18e: {  	s26 =	sand.u32 $0x70, s24;
	s28 =	sand.u32 $0x3C00, s21;
	s24 =	smov.u32 s22  }
0x18f: {  	s22 =	sor.u32 s26, s28  }
0x190: {  	[tilespmem:s22+$0x5000] =	vst v3  }
0x191: {  	v3 =	vld.idx.msk [tilespmem:v4+s1+$0x0], $0xffff;
	_ =	sdelay $0x1  }
0x192: {  	v4 =	vor.u32 $0x100, v2;
	_ =	sdelay $0x3  }
0x193: {  	[tilespmem:s22+$0x5080] =	vst v3  }
0x194: {  	v3 =	vld.idx.msk [tilespmem:v4+s1+$0x0], $0xffff;
	_ =	sdelay $0x1  }
0x195: {  	v4 =	vor.u32 $0x180, v2;
	_ =	sdelay $0x3  }
0x196: {  	[tilespmem:s22+$0x5100] =	vst v3  }
0x197: {  	v3 =	vld.idx.msk [tilespmem:v4+s1+$0x0], $0xffff;
	_ =	sdelay $0x1  }
0x198: {  	v4 =	vor.u32 $0x200, v2;
	_ =	sdelay $0x3  }
0x199: {  	[tilespmem:s22+$0x5180] =	vst v3  }
0x19a: {  	v3 =	vld.idx.msk [tilespmem:v4+s1+$0x0], $0xffff;
	_ =	sdelay $0x1  }
0x19b: {  	v4 =	vor.u32 $0x280, v2;
	_ =	sdelay $0x3  }
0x19c: {  	[tilespmem:s22+$0x5200] =	vst v3  }
0x19d: {  	v3 =	vld.idx.msk [tilespmem:v4+s1+$0x0], $0xffff;
	_ =	sdelay $0x1  }
0x19e: {  	v4 =	vor.u32 $0x300, v2;
	_ =	sdelay $0x3  }
0x19f: {  	[tilespmem:s22+$0x5280] =	vst v3  }
0x1a0: {  	v3 =	vld.idx.msk [tilespmem:v4+s1+$0x0], $0xffff;
	_ =	sdelay $0x1  }
0x1a1: {  	v4 =	vor.u32 $0x380, v2;
	_ =	sdelay $0x3  }
0x1a2: {  	[tilespmem:s22+$0x5300] =	vst v3  }
0x1a3: {  	v3 =	vld.idx.msk [tilespmem:v4+s1+$0x0], $0xffff;
	_ =	sdelay $0x1  }
0x1a4: {  	s26 =	sand.u32 $0x7, s23;
	v4 =	vadd.s32 $0x1000, v2  }
0x1a5: {  	s26 =	sshll.u32 s26, $0x4  }
0x1a6: {  	s26 =	sadd.s32 s26, s21  }
0x1a7: {  	s26 =	sor.u32 $0x380, s26  }
0x1a8: {  	[tilespmem:s26+$0x5000] =	vst v3  }
0x1a9: {  	v3 =	vld.idx.msk [tilespmem:v4+s1+$0x0], $0xffff;
	_ =	sdelay $0x1  }
0x1aa: {  	v4 =	vadd.s32 $0x1080, v2;
	_ =	sdelay $0x3  }
0x1ab: {  	[tilespmem:s22+$0x9000] =	vst v3  }
0x1ac: {  	v3 =	vld.idx.msk [tilespmem:v4+s1+$0x0], $0xffff;
	_ =	sdelay $0x1  }
0x1ad: {  	v4 =	vadd.s32 $0x1100, v2;
	_ =	sdelay $0x3  }
0x1ae: {  	[tilespmem:s22+$0x9080] =	vst v3  }
0x1af: {  	v3 =	vld.idx.msk [tilespmem:v4+s1+$0x0], $0xffff;
	_ =	sdelay $0x1  }
0x1b0: {  	v4 =	vadd.s32 $0x1180, v2;
	_ =	sdelay $0x3  }
0x1b1: {  	[tilespmem:s22+$0x9100] =	vst v3  }
0x1b2: {  	v3 =	vld.idx.msk [tilespmem:v4+s1+$0x0], $0xffff;
	_ =	sdelay $0x1  }
0x1b3: {  	v4 =	vadd.s32 $0x1200, v2;
	_ =	sdelay $0x3  }
0x1b4: {  	[tilespmem:s22+$0x9180] =	vst v3  }
0x1b5: {  	v3 =	vld.idx.msk [tilespmem:v4+s1+$0x0], $0xffff;
	_ =	sdelay $0x1  }
0x1b6: {  	v4 =	vadd.s32 $0x1280, v2;
	_ =	sdelay $0x3  }
0x1b7: {  	[tilespmem:s22+$0x9200] =	vst v3  }
0x1b8: {  	v3 =	vld.idx.msk [tilespmem:v4+s1+$0x0], $0xffff;
	_ =	sdelay $0x1  }
0x1b9: {  	v4 =	vadd.s32 $0x1300, v2;
	_ =	sdelay $0x3  }
0x1ba: {  	[tilespmem:s22+$0x9280] =	vst v3  }
0x1bb: {  	v3 =	vld.idx.msk [tilespmem:v4+s1+$0x0], $0xffff;
	_ =	sdelay $0x1  }
0x1bc: {  	v4 =	vadd.s32 $0x1380, v2;
	_ =	sdelay $0x3  }
0x1bd: {  	[tilespmem:s22+$0x9300] =	vst v3  }
0x1be: {  	v3 =	vld.idx.msk [tilespmem:v4+s1+$0x0], $0xffff;
	_ =	sdelay $0x1  }
0x1bf: {  	v4 =	vadd.s32 $0x2000, v2;
	_ =	sdelay $0x3  }
0x1c0: {  	[tilespmem:s22+$0x9380] =	vst v3  }
0x1c1: {  	v3 =	vld.idx.msk [tilespmem:v4+s1+$0x0], $0xffff;
	_ =	sdelay $0x1  }
0x1c2: {  	v4 =	vadd.s32 $0x2080, v2;
	_ =	sdelay $0x3  }
0x1c3: {  	[tilespmem:s22+$0xD000] =	vst v3  }
0x1c4: {  	v3 =	vld.idx.msk [tilespmem:v4+s1+$0x0], $0xffff;
	_ =	sdelay $0x1  }
0x1c5: {  	v4 =	vadd.s32 $0x2100, v2;
	_ =	sdelay $0x3  }
0x1c6: {  	[tilespmem:s22+$0xD080] =	vst v3  }
0x1c7: {  	v3 =	vld.idx.msk [tilespmem:v4+s1+$0x0], $0xffff;
	_ =	sdelay $0x1  }
0x1c8: {  	v4 =	vadd.s32 $0x2180, v2;
	_ =	sdelay $0x3  }
0x1c9: {  	[tilespmem:s22+$0xD100] =	vst v3  }
0x1ca: {  	v3 =	vld.idx.msk [tilespmem:v4+s1+$0x0], $0xffff;
	_ =	sdelay $0x1  }
0x1cb: {  	v4 =	vadd.s32 $0x2200, v2;
	_ =	sdelay $0x3  }
0x1cc: {  	[tilespmem:s22+$0xD180] =	vst v3  }
0x1cd: {  	v3 =	vld.idx.msk [tilespmem:v4+s1+$0x0], $0xffff;
	_ =	sdelay $0x1  }
0x1ce: {  	v4 =	vadd.s32 $0x2280, v2;
	_ =	sdelay $0x3  }
0x1cf: {  	[tilespmem:s22+$0xD200] =	vst v3  }
0x1d0: {  	v3 =	vld.idx.msk [tilespmem:v4+s1+$0x0], $0xffff;
	_ =	sdelay $0x1  }
0x1d1: {  	v4 =	vadd.s32 $0x2300, v2;
	_ =	sdelay $0x3  }
0x1d2: {  	[tilespmem:s22+$0xD280] =	vst v3  }
0x1d3: {  	v3 =	vld.idx.msk [tilespmem:v4+s1+$0x0], $0xffff;
	_ =	sdelay $0x1  }
0x1d4: {  	v4 =	vadd.s32 $0x2380, v2;
	_ =	sdelay $0x3  }
0x1d5: {  	[tilespmem:s22+$0xD300] =	vst v3  }
0x1d6: {  	v3 =	vld.idx.msk [tilespmem:v4+s1+$0x0], $0xffff;
	_ =	sdelay $0x1  }
0x1d7: {  	v4 =	vadd.s32 $0x3000, v2;
	_ =	sdelay $0x3  }
0x1d8: {  	[tilespmem:s22+$0xD380] =	vst v3  }
0x1d9: {  	v3 =	vld.idx.msk [tilespmem:v4+s1+$0x0], $0xffff;
	_ =	sdelay $0x1  }
0x1da: {  	v4 =	vadd.s32 $0x3080, v2;
	_ =	sdelay $0x3  }
0x1db: {  	[tilespmem:s22+$0x11000] =	vst v3  }
0x1dc: {  	v3 =	vld.idx.msk [tilespmem:v4+s1+$0x0], $0xffff;
	_ =	sdelay $0x1  }
0x1dd: {  	v4 =	vadd.s32 $0x3100, v2;
	_ =	sdelay $0x3  }
0x1de: {  	[tilespmem:s22+$0x11080] =	vst v3  }
0x1df: {  	v3 =	vld.idx.msk [tilespmem:v4+s1+$0x0], $0xffff;
	_ =	sdelay $0x1  }
0x1e0: {  	v4 =	vadd.s32 $0x3180, v2;
	_ =	sdelay $0x3  }
0x1e1: {  	[tilespmem:s22+$0x11100] =	vst v3  }
0x1e2: {  	v3 =	vld.idx.msk [tilespmem:v4+s1+$0x0], $0xffff;
	_ =	sdelay $0x1  }
0x1e3: {  	v4 =	vadd.s32 $0x3200, v2;
	_ =	sdelay $0x3  }
0x1e4: {  	[tilespmem:s22+$0x11180] =	vst v3  }
0x1e5: {  	v3 =	vld.idx.msk [tilespmem:v4+s1+$0x0], $0xffff;
	_ =	sdelay $0x1  }
0x1e6: {  	v4 =	vadd.s32 $0x3280, v2;
	_ =	sdelay $0x3  }
0x1e7: {  	[tilespmem:s22+$0x11200] =	vst v3  }
0x1e8: {  	v3 =	vld.idx.msk [tilespmem:v4+s1+$0x0], $0xffff;
	_ =	sdelay $0x1  }
0x1e9: {  	v4 =	vadd.s32 $0x3300, v2;
	_ =	sdelay $0x3  }
0x1ea: {  	[tilespmem:s22+$0x11280] =	vst v3  }
0x1eb: {  	v3 =	vld.idx.msk [tilespmem:v4+s1+$0x0], $0xffff;
	_ =	sdelay $0x1  }
0x1ec: {  	v2 =	vadd.s32 $0x3380, v2;
	_ =	sdelay $0x3  }
0x1ed: {  	[tilespmem:s22+$0x11300] =	vst v3  }
0x1ee: {  	v2 =	vld.idx.msk [tilespmem:v2+s1+$0x0], $0xffff  }
.Ltmp1:
0x1ef: {  	(pc) =	sbr.rel @p0 .LBB2_4-.Ltmp1, $2  }
0x1f0: {  	_ =	sdelay $0x2  }
0x1f1: {  	s23 =	sadd.s32 $0x1, s23;
	s26 =	smov.u32 s25  }
0x1f2: {  	s25 =	sand.u32 $0x7F0, s24;
	[tilespmem:s22+$0x11380] =	vst v2  }
0x1f3: {  	v2 =	vld [tilespmem:s25+$0x4800];
	_ =	sdelay $0x4  }
0x1f4: {  	v3 =	vshll.u32 v2, $0x3  }
0x1f5: {  	v4 =	vand.u32 $0x7F, v2;
	v3 =	vand.u32 $0xFFFFFC00, v3  }
0x1f6: {  	v3 =	vor.u32 v4, v3;
	_ =	sdelay $0x3  }
0x1f7: {  	[tilespmem:v2+s16+$0x0] =	vst.idx.add.f32.msk $0xffff, v1  }
0x1f8: {  	v2 =	vld.idx.msk [tilespmem:v3+s1+$0x0], $0xffff  }
0x1f9: {  	v4 =	vor.u32 $0x80, v3  }
0x1fa: {  	s25 =	sadd.s32 $0x80, s21  }
0x1fb: {  	s26 =	sand.u32 $0x70, s24;
	s28 =	sand.u32 $0x3C00, s25  }
0x1fc: {  	s21 =	sor.u32 s26, s28  }
0x1fd: {  	[tilespmem:s21+$0x5000] =	vst v2  }
0x1fe: {  	v2 =	vld.idx.msk [tilespmem:v4+s1+$0x0], $0xffff  }
0x1ff: {  	v61 =	vor.u32 $0x100, v3;
	_ =	sdelay $0x3  }
0x200: {  	[tilespmem:s21+$0x5080] =	vst v2  }
0x201: {  	v2 =	vld.idx.msk [tilespmem:v61+s1+$0x0], $0xffff  }
0x202: {  	v62 =	vor.u32 $0x180, v3;
	_ =	sdelay $0x3  }
0x203: {  	[tilespmem:s21+$0x5100] =	vst v2  }
0x204: {  	v2 =	vld.idx.msk [tilespmem:v62+s1+$0x0], $0xffff  }
0x205: {  	v63 =	vor.u32 $0x200, v3;
	_ =	sdelay $0x3  }
0x206: {  	[tilespmem:s21+$0x5180] =	vst v2  }
0x207: {  	v2 =	vld.idx.msk [tilespmem:v63+s1+$0x0], $0xffff  }
0x208: {  	v8 =	vor.u32 $0x280, v3;
	_ =	sdelay $0x3  }
0x209: {  	[tilespmem:s21+$0x5200] =	vst v2  }
0x20a: {  	v2 =	vld.idx.msk [tilespmem:v8+s1+$0x0], $0xffff  }
0x20b: {  	v9 =	vor.u32 $0x300, v3;
	_ =	sdelay $0x3  }
0x20c: {  	[tilespmem:s21+$0x5280] =	vst v2  }
0x20d: {  	v2 =	vld.idx.msk [tilespmem:v9+s1+$0x0], $0xffff  }
0x20e: {  	v10 =	vor.u32 $0x380, v3;
	_ =	sdelay $0x3  }
0x20f: {  	[tilespmem:s21+$0x5300] =	vst v2  }
0x210: {  	v2 =	vld.idx.msk [tilespmem:v10+s1+$0x0], $0xffff  }
0x211: {  	s23 =	sand.u32 $0x7, s23;
	v11 =	vadd.s32 $0x1000, v3  }
0x212: {  	s23 =	sshll.u32 s23, $0x4  }
0x213: {  	s22 =	sadd.s32 s23, s25  }
0x214: {  	s22 =	sor.u32 $0x380, s22  }
0x215: {  	[tilespmem:s22+$0x5000] =	vst v2  }
0x216: {  	v2 =	vld.idx.msk [tilespmem:v11+s1+$0x0], $0xffff  }
0x217: {  	v12 =	vadd.s32 $0x1080, v3;
	_ =	sdelay $0x3  }
0x218: {  	[tilespmem:s21+$0x9000] =	vst v2  }
0x219: {  	v2 =	vld.idx.msk [tilespmem:v12+s1+$0x0], $0xffff  }
0x21a: {  	v13 =	vadd.s32 $0x1100, v3;
	_ =	sdelay $0x3  }
0x21b: {  	[tilespmem:s21+$0x9080] =	vst v2  }
0x21c: {  	v2 =	vld.idx.msk [tilespmem:v13+s1+$0x0], $0xffff  }
0x21d: {  	v14 =	vadd.s32 $0x1180, v3;
	_ =	sdelay $0x3  }
0x21e: {  	[tilespmem:s21+$0x9100] =	vst v2  }
0x21f: {  	v2 =	vld.idx.msk [tilespmem:v14+s1+$0x0], $0xffff  }
0x220: {  	v15 =	vadd.s32 $0x1200, v3;
	_ =	sdelay $0x3  }
0x221: {  	[tilespmem:s21+$0x9180] =	vst v2  }
0x222: {  	v2 =	vld.idx.msk [tilespmem:v15+s1+$0x0], $0xffff  }
0x223: {  	v16 =	vadd.s32 $0x1280, v3;
	_ =	sdelay $0x3  }
0x224: {  	[tilespmem:s21+$0x9200] =	vst v2  }
0x225: {  	v2 =	vld.idx.msk [tilespmem:v16+s1+$0x0], $0xffff  }
0x226: {  	v17 =	vadd.s32 $0x1300, v3;
	_ =	sdelay $0x3  }
0x227: {  	[tilespmem:s21+$0x9280] =	vst v2  }
0x228: {  	v2 =	vld.idx.msk [tilespmem:v17+s1+$0x0], $0xffff  }
0x229: {  	v18 =	vadd.s32 $0x1380, v3;
	_ =	sdelay $0x3  }
0x22a: {  	[tilespmem:s21+$0x9300] =	vst v2  }
0x22b: {  	v2 =	vld.idx.msk [tilespmem:v18+s1+$0x0], $0xffff  }
0x22c: {  	v19 =	vadd.s32 $0x2000, v3;
	_ =	sdelay $0x3  }
0x22d: {  	[tilespmem:s21+$0x9380] =	vst v2  }
0x22e: {  	v2 =	vld.idx.msk [tilespmem:v19+s1+$0x0], $0xffff  }
0x22f: {  	v20 =	vadd.s32 $0x2080, v3;
	_ =	sdelay $0x3  }
0x230: {  	[tilespmem:s21+$0xD000] =	vst v2  }
0x231: {  	v2 =	vld.idx.msk [tilespmem:v20+s1+$0x0], $0xffff  }
0x232: {  	v21 =	vadd.s32 $0x2100, v3;
	_ =	sdelay $0x3  }
0x233: {  	[tilespmem:s21+$0xD080] =	vst v2  }
0x234: {  	v2 =	vld.idx.msk [tilespmem:v21+s1+$0x0], $0xffff  }
0x235: {  	v22 =	vadd.s32 $0x2180, v3;
	_ =	sdelay $0x3  }
0x236: {  	[tilespmem:s21+$0xD100] =	vst v2  }
0x237: {  	v2 =	vld.idx.msk [tilespmem:v22+s1+$0x0], $0xffff  }
0x238: {  	v23 =	vadd.s32 $0x2200, v3;
	_ =	sdelay $0x3  }
0x239: {  	[tilespmem:s21+$0xD180] =	vst v2  }
0x23a: {  	v2 =	vld.idx.msk [tilespmem:v23+s1+$0x0], $0xffff  }
0x23b: {  	v24 =	vadd.s32 $0x2280, v3;
	_ =	sdelay $0x3  }
0x23c: {  	[tilespmem:s21+$0xD200] =	vst v2  }
0x23d: {  	v2 =	vld.idx.msk [tilespmem:v24+s1+$0x0], $0xffff  }
0x23e: {  	v25 =	vadd.s32 $0x2300, v3;
	_ =	sdelay $0x3  }
0x23f: {  	[tilespmem:s21+$0xD280] =	vst v2  }
0x240: {  	v2 =	vld.idx.msk [tilespmem:v25+s1+$0x0], $0xffff  }
0x241: {  	v26 =	vadd.s32 $0x2380, v3;
	_ =	sdelay $0x3  }
0x242: {  	[tilespmem:s21+$0xD300] =	vst v2  }
0x243: {  	v2 =	vld.idx.msk [tilespmem:v26+s1+$0x0], $0xffff  }
0x244: {  	v27 =	vadd.s32 $0x3000, v3;
	_ =	sdelay $0x3  }
0x245: {  	[tilespmem:s21+$0xD380] =	vst v2  }
0x246: {  	v2 =	vld.idx.msk [tilespmem:v27+s1+$0x0], $0xffff  }
0x247: {  	v28 =	vadd.s32 $0x3080, v3;
	_ =	sdelay $0x3  }
0x248: {  	[tilespmem:s21+$0x11000] =	vst v2  }
0x249: {  	v2 =	vld.idx.msk [tilespmem:v28+s1+$0x0], $0xffff  }
0x24a: {  	v29 =	vadd.s32 $0x3100, v3;
	_ =	sdelay $0x3  }
0x24b: {  	[tilespmem:s21+$0x11080] =	vst v2  }
0x24c: {  	v2 =	vld.idx.msk [tilespmem:v29+s1+$0x0], $0xffff  }
0x24d: {  	v30 =	vadd.s32 $0x3180, v3;
	_ =	sdelay $0x3  }
0x24e: {  	[tilespmem:s21+$0x11100] =	vst v2  }
0x24f: {  	v2 =	vld.idx.msk [tilespmem:v30+s1+$0x0], $0xffff  }
0x250: {  	v31 =	vadd.s32 $0x3200, v3;
	_ =	sdelay $0x3  }
0x251: {  	[tilespmem:s21+$0x11180] =	vst v2  }
0x252: {  	v2 =	vld.idx.msk [tilespmem:v31+s1+$0x0], $0xffff  }
0x253: {  	v32 =	vadd.s32 $0x3280, v3;
	_ =	sdelay $0x3  }
0x254: {  	[tilespmem:s21+$0x11200] =	vst v2  }
0x255: {  	v2 =	vld.idx.msk [tilespmem:v32+s1+$0x0], $0xffff  }
0x256: {  	v33 =	vadd.s32 $0x3300, v3;
	_ =	sdelay $0x3  }
0x257: {  	[tilespmem:s21+$0x11280] =	vst v2  }
0x258: {  	v2 =	vld.idx.msk [tilespmem:v33+s1+$0x0], $0xffff  }
0x259: {  	v3 =	vadd.s32 $0x3380, v3;
	_ =	sdelay $0x3  }
0x25a: {  	[tilespmem:s21+$0x11300] =	vst v2  }
0x25b: {  	v2 =	vld.idx.msk [tilespmem:v3+s1+$0x0], $0xffff;
	_ =	sdelay $0x4  }
0x25c: {  	[tilespmem:s21+$0x11380] =	vst v2;
	s21 =	simm.s32 $0x4000  }
0x25d: {  	[hbm4b:s6+s21] =	stream.strided.scatter [tilespmem:s19], [sflag:$0x1], $0x10000, s18, s21, $0x38;
	[tilespmem:$0x15200] =	vst v63  }
0x25e: {  	_ =	swait.ge [sflag:s13], $0x10000  }
0x25f: {  	[sflag:s13] =	ssyncset.done $0x0  }
0x260: {  	[sflag:s13] =	ssyncadd.s32 $0xFFFF0000  }
0x261: {  	[hbm4b:s7+s14] =	stream.strided.scatter [tilespmem:s16], [sflag:$0x1], $0x200, s15, s14, $0x38;
	[tilespmem:$0x15200] =	vst v63  }
0x262: {  	_ =	swait.ge [sflag:s13], $0x200  }
0x263: {  	[sflag:s13] =	ssyncset.done $0x0  }
0x264: {  	[sflag:s13] =	ssyncadd.s32 $0xFFFFFE00  }
0x265: {  	[tilespmem:s21], [sflag:$0x1] =	stream.strided.gather [hbm4b:s8+s14], $0x1000, s15, s14, $0x38;
	[tilespmem:$0x15200] =	vst v63  }
0x266: {  	_ =	swait.ge [sflag:s13], $0x1000  }
0x267: {  	[sflag:s13] =	ssyncset.done $0x0  }
0x268: {  	[sflag:s13] =	ssyncadd.s32 $0xFFFFF000  }
0x269: {  	[tilespmem:$0x15000] =	vst v0  }
0x26a: {  	[tilespmem:$0x15010] =	vst v0  }
0x26b: {  	[tilespmem:$0x15020] =	vst v0  }
0x26c: {  	[tilespmem:$0x15030] =	vst v0  }
0x26d: {  	[tilespmem:$0x15040] =	vst v0  }
0x26e: {  	[tilespmem:$0x15050] =	vst v0  }
0x26f: {  	[tilespmem:$0x15060] =	vst v0  }
0x270: {  	[tilespmem:$0x15070] =	vst v0  }
0x271: {  	[tilespmem:$0x15080] =	vst v0  }
0x272: {  	[tilespmem:$0x15090] =	vst v0  }
0x273: {  	[tilespmem:$0x150A0] =	vst v0  }
0x274: {  	[tilespmem:$0x150B0] =	vst v0  }
0x275: {  	[tilespmem:$0x150C0] =	vst v0  }
0x276: {  	[tilespmem:$0x150D0] =	vst v0  }
0x277: {  	[tilespmem:$0x150E0] =	vst v0  }
0x278: {  	[tilespmem:$0x150F0] =	vst v0  }
0x279: {  	[tilespmem:$0x15100] =	vst v0  }
0x27a: {  	[tilespmem:$0x15110] =	vst v0  }
0x27b: {  	[tilespmem:$0x15120] =	vst v0  }
0x27c: {  	[tilespmem:$0x15130] =	vst v0  }
0x27d: {  	[tilespmem:$0x15140] =	vst v0  }
0x27e: {  	[tilespmem:$0x15150] =	vst v0  }
0x27f: {  	[tilespmem:$0x15160] =	vst v0  }
0x280: {  	[tilespmem:$0x15170] =	vst v0  }
0x281: {  	[tilespmem:$0x15180] =	vst v0  }
0x282: {  	[tilespmem:$0x15190] =	vst v0  }
0x283: {  	[tilespmem:$0x151A0] =	vst v0  }
0x284: {  	[tilespmem:$0x151B0] =	vst v0  }
0x285: {  	[tilespmem:$0x151C0] =	vst v0  }
0x286: {  	[tilespmem:$0x151D0] =	vst v0  }
0x287: {  	[tilespmem:$0x151E0] =	vst v0  }
0x288: {  	[tilespmem:$0x151F0] =	vst v0  }
0x289: {  	v2 =	vld [tilespmem:s21+$0x0];
	_ =	sdelay $0x4  }
0x28a: {  	v3 =	vshll.u32 v2, $0x3  }
0x28b: {  	v34 =	vand.u32 $0x7F, v2;
	v3 =	vand.u32 $0xFFFFFC00, v3  }
0x28c: {  	v3 =	vor.u32 v34, v3;
	_ =	sdelay $0x3  }
0x28d: {  	[tilespmem:v2+s16+$0x0] =	vst.idx.add.f32.msk $0xffff, v1  }
0x28e: {  	v2 =	vld.idx.msk [tilespmem:v3+s1+$0x0], $0xffff  }
0x28f: {  	v4 =	vor.u32 $0x80, v3  }
0x290: {  	s22 =	simm.s32 $0x0  }
0x291: {  	s29 =	sand.u32 $0x70, s22;
	s30 =	sand.u32 $0x3C00, s22  }
0x292: {  	s23 =	sor.u32 s29, s30  }
0x293: {  	[tilespmem:s23+$0x5000] =	vst v2  }
0x294: {  	v2 =	vld.idx.msk [tilespmem:v4+s1+$0x0], $0xffff  }
0x295: {  	v35 =	vor.u32 $0x100, v3;
	_ =	sdelay $0x3  }
0x296: {  	[tilespmem:s23+$0x5080] =	vst v2  }
0x297: {  	v2 =	vld.idx.msk [tilespmem:v35+s1+$0x0], $0xffff  }
0x298: {  	v36 =	vor.u32 $0x180, v3;
	_ =	sdelay $0x3  }
0x299: {  	[tilespmem:s23+$0x5100] =	vst v2  }
0x29a: {  	v2 =	vld.idx.msk [tilespmem:v36+s1+$0x0], $0xffff  }
0x29b: {  	v37 =	vor.u32 $0x200, v3;
	_ =	sdelay $0x3  }
0x29c: {  	[tilespmem:s23+$0x5180] =	vst v2  }
0x29d: {  	v2 =	vld.idx.msk [tilespmem:v37+s1+$0x0], $0xffff  }
0x29e: {  	v38 =	vor.u32 $0x280, v3;
	_ =	sdelay $0x3  }
0x29f: {  	[tilespmem:s23+$0x5200] =	vst v2  }
0x2a0: {  	v2 =	vld.idx.msk [tilespmem:v38+s1+$0x0], $0xffff  }
0x2a1: {  	v39 =	vor.u32 $0x300, v3;
	_ =	sdelay $0x3  }
0x2a2: {  	[tilespmem:s23+$0x5280] =	vst v2  }
0x2a3: {  	v2 =	vld.idx.msk [tilespmem:v39+s1+$0x0], $0xffff  }
0x2a4: {  	v40 =	vor.u32 $0x380, v3;
	_ =	sdelay $0x3  }
0x2a5: {  	[tilespmem:s23+$0x5300] =	vst v2  }
0x2a6: {  	v2 =	vld.idx.msk [tilespmem:v40+s1+$0x0], $0xffff  }
0x2a7: {  	s31 =	sand.u32 $0x7, s22;
	v41 =	vadd.s32 $0x1000, v3  }
0x2a8: {  	s24 =	sshll.u32 s31, $0x4  }
0x2a9: {  	s24 =	sadd.s32 $0x0, s24  }
0x2aa: {  	s24 =	sor.u32 $0x380, s24  }
0x2ab: {  	[tilespmem:s24+$0x5000] =	vst v2  }
0x2ac: {  	v2 =	vld.idx.msk [tilespmem:v41+s1+$0x0], $0xffff  }
0x2ad: {  	v42 =	vadd.s32 $0x1080, v3;
	_ =	sdelay $0x3  }
0x2ae: {  	[tilespmem:s23+$0x9000] =	vst v2  }
0x2af: {  	v2 =	vld.idx.msk [tilespmem:v42+s1+$0x0], $0xffff  }
0x2b0: {  	v43 =	vadd.s32 $0x1100, v3;
	_ =	sdelay $0x3  }
0x2b1: {  	[tilespmem:s23+$0x9080] =	vst v2  }
0x2b2: {  	v2 =	vld.idx.msk [tilespmem:v43+s1+$0x0], $0xffff  }
0x2b3: {  	v44 =	vadd.s32 $0x1180, v3;
	_ =	sdelay $0x3  }
0x2b4: {  	[tilespmem:s23+$0x9100] =	vst v2  }
0x2b5: {  	v2 =	vld.idx.msk [tilespmem:v44+s1+$0x0], $0xffff  }
0x2b6: {  	v45 =	vadd.s32 $0x1200, v3;
	_ =	sdelay $0x3  }
0x2b7: {  	[tilespmem:s23+$0x9180] =	vst v2  }
0x2b8: {  	v2 =	vld.idx.msk [tilespmem:v45+s1+$0x0], $0xffff  }
0x2b9: {  	v46 =	vadd.s32 $0x1280, v3;
	_ =	sdelay $0x3  }
0x2ba: {  	[tilespmem:s23+$0x9200] =	vst v2  }
0x2bb: {  	v2 =	vld.idx.msk [tilespmem:v46+s1+$0x0], $0xffff  }
0x2bc: {  	v47 =	vadd.s32 $0x1300, v3;
	_ =	sdelay $0x3  }
0x2bd: {  	[tilespmem:s23+$0x9280] =	vst v2  }
0x2be: {  	v2 =	vld.idx.msk [tilespmem:v47+s1+$0x0], $0xffff  }
0x2bf: {  	v48 =	vadd.s32 $0x1380, v3;
	_ =	sdelay $0x3  }
0x2c0: {  	[tilespmem:s23+$0x9300] =	vst v2  }
0x2c1: {  	v2 =	vld.idx.msk [tilespmem:v48+s1+$0x0], $0xffff  }
0x2c2: {  	v49 =	vadd.s32 $0x2000, v3;
	_ =	sdelay $0x3  }
0x2c3: {  	[tilespmem:s23+$0x9380] =	vst v2  }
0x2c4: {  	v2 =	vld.idx.msk [tilespmem:v49+s1+$0x0], $0xffff  }
0x2c5: {  	v50 =	vadd.s32 $0x2080, v3;
	_ =	sdelay $0x3  }
0x2c6: {  	[tilespmem:s23+$0xD000] =	vst v2  }
0x2c7: {  	v2 =	vld.idx.msk [tilespmem:v50+s1+$0x0], $0xffff  }
0x2c8: {  	v51 =	vadd.s32 $0x2100, v3;
	_ =	sdelay $0x3  }
0x2c9: {  	[tilespmem:s23+$0xD080] =	vst v2  }
0x2ca: {  	v2 =	vld.idx.msk [tilespmem:v51+s1+$0x0], $0xffff  }
0x2cb: {  	v52 =	vadd.s32 $0x2180, v3;
	_ =	sdelay $0x3  }
0x2cc: {  	[tilespmem:s23+$0xD100] =	vst v2  }
0x2cd: {  	v2 =	vld.idx.msk [tilespmem:v52+s1+$0x0], $0xffff  }
0x2ce: {  	v53 =	vadd.s32 $0x2200, v3;
	_ =	sdelay $0x3  }
0x2cf: {  	[tilespmem:s23+$0xD180] =	vst v2  }
0x2d0: {  	v2 =	vld.idx.msk [tilespmem:v53+s1+$0x0], $0xffff  }
0x2d1: {  	v54 =	vadd.s32 $0x2280, v3;
	_ =	sdelay $0x3  }
0x2d2: {  	[tilespmem:s23+$0xD200] =	vst v2  }
0x2d3: {  	v2 =	vld.idx.msk [tilespmem:v54+s1+$0x0], $0xffff  }
0x2d4: {  	v55 =	vadd.s32 $0x2300, v3;
	_ =	sdelay $0x3  }
0x2d5: {  	[tilespmem:s23+$0xD280] =	vst v2  }
0x2d6: {  	v2 =	vld.idx.msk [tilespmem:v55+s1+$0x0], $0xffff  }
0x2d7: {  	v56 =	vadd.s32 $0x2380, v3;
	_ =	sdelay $0x3  }
0x2d8: {  	[tilespmem:s23+$0xD300] =	vst v2  }
0x2d9: {  	v2 =	vld.idx.msk [tilespmem:v56+s1+$0x0], $0xffff  }
0x2da: {  	v57 =	vadd.s32 $0x3000, v3;
	_ =	sdelay $0x3  }
0x2db: {  	[tilespmem:s23+$0xD380] =	vst v2  }
0x2dc: {  	v2 =	vld.idx.msk [tilespmem:v57+s1+$0x0], $0xffff  }
0x2dd: {  	v58 =	vadd.s32 $0x3080, v3;
	_ =	sdelay $0x3  }
0x2de: {  	[tilespmem:s23+$0x11000] =	vst v2  }
0x2df: {  	v2 =	vld.idx.msk [tilespmem:v58+s1+$0x0], $0xffff  }
0x2e0: {  	v59 =	vadd.s32 $0x3100, v3;
	_ =	sdelay $0x3  }
0x2e1: {  	[tilespmem:s23+$0x11080] =	vst v2  }
0x2e2: {  	v2 =	vld.idx.msk [tilespmem:v59+s1+$0x0], $0xffff  }
0x2e3: {  	v60 =	vadd.s32 $0x3180, v3;
	_ =	sdelay $0x3  }
0x2e4: {  	[tilespmem:s23+$0x11100] =	vst v2  }
0x2e5: {  	v2 =	vld.idx.msk [tilespmem:v60+s1+$0x0], $0xffff  }
0x2e6: {  	v61 =	vadd.s32 $0x3200, v3;
	_ =	sdelay $0x3  }
0x2e7: {  	[tilespmem:s23+$0x11180] =	vst v2  }
0x2e8: {  	v2 =	vld.idx.msk [tilespmem:v61+s1+$0x0], $0xffff  }
0x2e9: {  	v62 =	vadd.s32 $0x3280, v3;
	_ =	sdelay $0x3  }
0x2ea: {  	[tilespmem:s23+$0x11200] =	vst v2  }
0x2eb: {  	v2 =	vld.idx.msk [tilespmem:v62+s1+$0x0], $0xffff  }
0x2ec: {  	v63 =	vadd.s32 $0x3300, v3;
	_ =	sdelay $0x3  }
0x2ed: {  	[tilespmem:s23+$0x11280] =	vst v2  }
0x2ee: {  	v2 =	vld.idx.msk [tilespmem:v63+s1+$0x0], $0xffff  }
0x2ef: {  	v3 =	vadd.s32 $0x3380, v3;
	_ =	sdelay $0x3  }
0x2f0: {  	[tilespmem:s23+$0x11300] =	vst v2  }
0x2f1: {  	s25 =	simm.s32 $0x0;
	s24 =	simm.s32 $0x10;
	v2 =	vld.idx.msk [tilespmem:v3+s1+$0x0], $0xffff  }
.LBB2_6:
0x2f2: {  	_ =	sdelay $0x3  }
0x2f3: {  	s22 =	sadd.s32 $0x80, s22;
	s25 =	sadd.s32 $0x1, s25;
	s21 =	sadd.s32 $0x10, s21;
	[tilespmem:s23+$0x11380] =	vst v2  }
0x2f4: {  	p0 =	sne.s32 s24, $0x7F0;
	s23 =	smov.u32 s24;
	s24 =	sadd.s32 $0x10, s24;
	v3 =	vld [tilespmem:s21+$0x0]  }
0x2f5: {  	_ =	sdelay $0x3  }
0x2f6: {  	v2 =	vshll.u32 v3, $0x3  }
0x2f7: {  	v4 =	vand.u32 $0x7F, v3;
	v2 =	vand.u32 $0xFFFFFC00, v2  }
0x2f8: {  	v2 =	vor.u32 v4, v2;
	_ =	sdelay $0x3  }
0x2f9: {  	[tilespmem:v3+s16+$0x0] =	vst.idx.add.f32.msk $0xffff, v1  }
0x2fa: {  	v3 =	vld.idx.msk [tilespmem:v2+s1+$0x0], $0xffff;
	_ =	sdelay $0x1  }
0x2fb: {  	v4 =	vor.u32 $0x80, v2;
	_ =	sdelay $0x1  }
0x2fc: {  	s26 =	sand.u32 $0x3C00, s22;
	s23 =	sand.u32 $0x70, s23  }
0x2fd: {  	s23 =	sor.u32 s23, s26  }
0x2fe: {  	[tilespmem:s23+$0x5000] =	vst v3  }
0x2ff: {  	v3 =	vld.idx.msk [tilespmem:v4+s1+$0x0], $0xffff;
	_ =	sdelay $0x1  }
0x300: {  	v4 =	vor.u32 $0x100, v2;
	_ =	sdelay $0x3  }
0x301: {  	[tilespmem:s23+$0x5080] =	vst v3  }
0x302: {  	v3 =	vld.idx.msk [tilespmem:v4+s1+$0x0], $0xffff;
	_ =	sdelay $0x1  }
0x303: {  	v4 =	vor.u32 $0x180, v2;
	_ =	sdelay $0x3  }
0x304: {  	[tilespmem:s23+$0x5100] =	vst v3  }
0x305: {  	v3 =	vld.idx.msk [tilespmem:v4+s1+$0x0], $0xffff;
	_ =	sdelay $0x1  }
0x306: {  	v4 =	vor.u32 $0x200, v2;
	_ =	sdelay $0x3  }
0x307: {  	[tilespmem:s23+$0x5180] =	vst v3  }
0x308: {  	v3 =	vld.idx.msk [tilespmem:v4+s1+$0x0], $0xffff;
	_ =	sdelay $0x1  }
0x309: {  	v4 =	vor.u32 $0x280, v2;
	_ =	sdelay $0x3  }
0x30a: {  	[tilespmem:s23+$0x5200] =	vst v3  }
0x30b: {  	v3 =	vld.idx.msk [tilespmem:v4+s1+$0x0], $0xffff;
	_ =	sdelay $0x1  }
0x30c: {  	v4 =	vor.u32 $0x300, v2;
	_ =	sdelay $0x3  }
0x30d: {  	[tilespmem:s23+$0x5280] =	vst v3  }
0x30e: {  	v3 =	vld.idx.msk [tilespmem:v4+s1+$0x0], $0xffff;
	_ =	sdelay $0x1  }
0x30f: {  	v4 =	vor.u32 $0x380, v2;
	_ =	sdelay $0x3  }
0x310: {  	[tilespmem:s23+$0x5300] =	vst v3  }
0x311: {  	v3 =	vld.idx.msk [tilespmem:v4+s1+$0x0], $0xffff;
	_ =	sdelay $0x1  }
0x312: {  	s26 =	sand.u32 $0x7, s25;
	v4 =	vadd.s32 $0x1000, v2  }
0x313: {  	s26 =	sshll.u32 s26, $0x4  }
0x314: {  	s26 =	sadd.s32 s26, s22  }
0x315: {  	s26 =	sor.u32 $0x380, s26  }
0x316: {  	[tilespmem:s26+$0x5000] =	vst v3  }
0x317: {  	v3 =	vld.idx.msk [tilespmem:v4+s1+$0x0], $0xffff;
	_ =	sdelay $0x1  }
0x318: {  	v4 =	vadd.s32 $0x1080, v2;
	_ =	sdelay $0x3  }
0x319: {  	[tilespmem:s23+$0x9000] =	vst v3  }
0x31a: {  	v3 =	vld.idx.msk [tilespmem:v4+s1+$0x0], $0xffff;
	_ =	sdelay $0x1  }
0x31b: {  	v4 =	vadd.s32 $0x1100, v2;
	_ =	sdelay $0x3  }
0x31c: {  	[tilespmem:s23+$0x9080] =	vst v3  }
0x31d: {  	v3 =	vld.idx.msk [tilespmem:v4+s1+$0x0], $0xffff;
	_ =	sdelay $0x1  }
0x31e: {  	v4 =	vadd.s32 $0x1180, v2;
	_ =	sdelay $0x3  }
0x31f: {  	[tilespmem:s23+$0x9100] =	vst v3  }
0x320: {  	v3 =	vld.idx.msk [tilespmem:v4+s1+$0x0], $0xffff;
	_ =	sdelay $0x1  }
0x321: {  	v4 =	vadd.s32 $0x1200, v2;
	_ =	sdelay $0x3  }
0x322: {  	[tilespmem:s23+$0x9180] =	vst v3  }
0x323: {  	v3 =	vld.idx.msk [tilespmem:v4+s1+$0x0], $0xffff;
	_ =	sdelay $0x1  }
0x324: {  	v4 =	vadd.s32 $0x1280, v2;
	_ =	sdelay $0x3  }
0x325: {  	[tilespmem:s23+$0x9200] =	vst v3  }
0x326: {  	v3 =	vld.idx.msk [tilespmem:v4+s1+$0x0], $0xffff;
	_ =	sdelay $0x1  }
0x327: {  	v4 =	vadd.s32 $0x1300, v2;
	_ =	sdelay $0x3  }
0x328: {  	[tilespmem:s23+$0x9280] =	vst v3  }
0x329: {  	v3 =	vld.idx.msk [tilespmem:v4+s1+$0x0], $0xffff;
	_ =	sdelay $0x1  }
0x32a: {  	v4 =	vadd.s32 $0x1380, v2;
	_ =	sdelay $0x3  }
0x32b: {  	[tilespmem:s23+$0x9300] =	vst v3  }
0x32c: {  	v3 =	vld.idx.msk [tilespmem:v4+s1+$0x0], $0xffff;
	_ =	sdelay $0x1  }
0x32d: {  	v4 =	vadd.s32 $0x2000, v2;
	_ =	sdelay $0x3  }
0x32e: {  	[tilespmem:s23+$0x9380] =	vst v3  }
0x32f: {  	v3 =	vld.idx.msk [tilespmem:v4+s1+$0x0], $0xffff;
	_ =	sdelay $0x1  }
0x330: {  	v4 =	vadd.s32 $0x2080, v2;
	_ =	sdelay $0x3  }
0x331: {  	[tilespmem:s23+$0xD000] =	vst v3  }
0x332: {  	v3 =	vld.idx.msk [tilespmem:v4+s1+$0x0], $0xffff;
	_ =	sdelay $0x1  }
0x333: {  	v4 =	vadd.s32 $0x2100, v2;
	_ =	sdelay $0x3  }
0x334: {  	[tilespmem:s23+$0xD080] =	vst v3  }
0x335: {  	v3 =	vld.idx.msk [tilespmem:v4+s1+$0x0], $0xffff;
	_ =	sdelay $0x1  }
0x336: {  	v4 =	vadd.s32 $0x2180, v2;
	_ =	sdelay $0x3  }
0x337: {  	[tilespmem:s23+$0xD100] =	vst v3  }
0x338: {  	v3 =	vld.idx.msk [tilespmem:v4+s1+$0x0], $0xffff;
	_ =	sdelay $0x1  }
0x339: {  	v4 =	vadd.s32 $0x2200, v2;
	_ =	sdelay $0x3  }
0x33a: {  	[tilespmem:s23+$0xD180] =	vst v3  }
0x33b: {  	v3 =	vld.idx.msk [tilespmem:v4+s1+$0x0], $0xffff;
	_ =	sdelay $0x1  }
0x33c: {  	v4 =	vadd.s32 $0x2280, v2;
	_ =	sdelay $0x3  }
0x33d: {  	[tilespmem:s23+$0xD200] =	vst v3  }
0x33e: {  	v3 =	vld.idx.msk [tilespmem:v4+s1+$0x0], $0xffff;
	_ =	sdelay $0x1  }
0x33f: {  	v4 =	vadd.s32 $0x2300, v2;
	_ =	sdelay $0x3  }
0x340: {  	[tilespmem:s23+$0xD280] =	vst v3  }
0x341: {  	v3 =	vld.idx.msk [tilespmem:v4+s1+$0x0], $0xffff;
	_ =	sdelay $0x1  }
0x342: {  	v4 =	vadd.s32 $0x2380, v2;
	_ =	sdelay $0x3  }
0x343: {  	[tilespmem:s23+$0xD300] =	vst v3  }
0x344: {  	v3 =	vld.idx.msk [tilespmem:v4+s1+$0x0], $0xffff;
	_ =	sdelay $0x1  }
0x345: {  	v4 =	vadd.s32 $0x3000, v2;
	_ =	sdelay $0x3  }
0x346: {  	[tilespmem:s23+$0xD380] =	vst v3  }
0x347: {  	v3 =	vld.idx.msk [tilespmem:v4+s1+$0x0], $0xffff;
	_ =	sdelay $0x1  }
0x348: {  	v4 =	vadd.s32 $0x3080, v2;
	_ =	sdelay $0x3  }
0x349: {  	[tilespmem:s23+$0x11000] =	vst v3  }
0x34a: {  	v3 =	vld.idx.msk [tilespmem:v4+s1+$0x0], $0xffff;
	_ =	sdelay $0x1  }
0x34b: {  	v4 =	vadd.s32 $0x3100, v2;
	_ =	sdelay $0x3  }
0x34c: {  	[tilespmem:s23+$0x11080] =	vst v3  }
0x34d: {  	v3 =	vld.idx.msk [tilespmem:v4+s1+$0x0], $0xffff;
	_ =	sdelay $0x1  }
0x34e: {  	v4 =	vadd.s32 $0x3180, v2;
	_ =	sdelay $0x3  }
0x34f: {  	[tilespmem:s23+$0x11100] =	vst v3  }
0x350: {  	v3 =	vld.idx.msk [tilespmem:v4+s1+$0x0], $0xffff;
	_ =	sdelay $0x1  }
0x351: {  	v4 =	vadd.s32 $0x3200, v2;
	_ =	sdelay $0x3  }
0x352: {  	[tilespmem:s23+$0x11180] =	vst v3  }
0x353: {  	v3 =	vld.idx.msk [tilespmem:v4+s1+$0x0], $0xffff;
	_ =	sdelay $0x1  }
0x354: {  	v4 =	vadd.s32 $0x3280, v2;
	_ =	sdelay $0x3  }
0x355: {  	[tilespmem:s23+$0x11200] =	vst v3  }
0x356: {  	v3 =	vld.idx.msk [tilespmem:v4+s1+$0x0], $0xffff;
	_ =	sdelay $0x1  }
0x357: {  	v4 =	vadd.s32 $0x3300, v2;
	_ =	sdelay $0x3  }
0x358: {  	[tilespmem:s23+$0x11280] =	vst v3  }
0x359: {  	v3 =	vld.idx.msk [tilespmem:v4+s1+$0x0], $0xffff;
	_ =	sdelay $0x1  }
0x35a: {  	v2 =	vadd.s32 $0x3380, v2  }
.Ltmp2:
0x35b: {  	(pc) =	sbr.rel @p0 .LBB2_6-.Ltmp2, $3  }
0x35c: {  	_ =	sdelay $0x1  }
0x35d: {  	[tilespmem:s23+$0x11300] =	vst v3  }
0x35e: {  	v2 =	vld.idx.msk [tilespmem:v2+s1+$0x0], $0xffff  }
0x35f: {  	_ =	sdelay $0x3  }
0x360: {  	[tilespmem:s23+$0x11380] =	vst v2  }
0x361: {  	[hbm4b:s9+s17] =	stream.strided.scatter [tilespmem:s19], [sflag:$0x1], $0x10000, s18, s17, $0x38;
	[tilespmem:$0x15200] =	vst v63  }
0x362: {  	_ =	swait.ge [sflag:s13], $0x10000  }
0x363: {  	s21 =	simm.s32 $0x0;
	[sflag:s13] =	ssyncset.done $0x0  }
0x364: {  	s22 =	sand.u32 $0x7F0, s21;
	[sflag:s13] =	ssyncadd.s32 $0xFFFF0000  }
0x365: {  	v2 =	vld [tilespmem:s22+$0x4800];
	_ =	sdelay $0x4  }
0x366: {  	v3 =	vshll.u32 v2, $0x3  }
0x367: {  	v4 =	vand.u32 $0x7F, v2;
	v3 =	vand.u32 $0xFFFFFC00, v3  }
0x368: {  	v3 =	vor.u32 v4, v3;
	_ =	sdelay $0x3  }
0x369: {  	[tilespmem:v2+s16+$0x0] =	vst.idx.add.f32.msk $0xffff, v1  }
0x36a: {  	v2 =	vld.idx.msk [tilespmem:v3+s1+$0x0], $0xffff  }
0x36b: {  	v4 =	vor.u32 $0x80, v3;
	_ =	sdelay $0x1  }
0x36c: {  	s29 =	sand.u32 $0x70, s21;
	s30 =	sand.u32 $0x3C00, s21  }
0x36d: {  	s22 =	sor.u32 s29, s30  }
0x36e: {  	[tilespmem:s22+$0x5000] =	vst v2  }
0x36f: {  	v2 =	vld.idx.msk [tilespmem:v4+s1+$0x0], $0xffff  }
0x370: {  	v35 =	vor.u32 $0x100, v3;
	_ =	sdelay $0x3  }
0x371: {  	[tilespmem:s22+$0x5080] =	vst v2  }
0x372: {  	v2 =	vld.idx.msk [tilespmem:v35+s1+$0x0], $0xffff  }
0x373: {  	v36 =	vor.u32 $0x180, v3;
	_ =	sdelay $0x3  }
0x374: {  	[tilespmem:s22+$0x5100] =	vst v2  }
0x375: {  	v2 =	vld.idx.msk [tilespmem:v36+s1+$0x0], $0xffff  }
0x376: {  	v37 =	vor.u32 $0x200, v3;
	_ =	sdelay $0x3  }
0x377: {  	[tilespmem:s22+$0x5180] =	vst v2  }
0x378: {  	v2 =	vld.idx.msk [tilespmem:v37+s1+$0x0], $0xffff  }
0x379: {  	v38 =	vor.u32 $0x280, v3;
	_ =	sdelay $0x3  }
0x37a: {  	[tilespmem:s22+$0x5200] =	vst v2  }
0x37b: {  	v2 =	vld.idx.msk [tilespmem:v38+s1+$0x0], $0xffff  }
0x37c: {  	v39 =	vor.u32 $0x300, v3;
	_ =	sdelay $0x3  }
0x37d: {  	[tilespmem:s22+$0x5280] =	vst v2  }
0x37e: {  	v2 =	vld.idx.msk [tilespmem:v39+s1+$0x0], $0xffff  }
0x37f: {  	v40 =	vor.u32 $0x380, v3;
	_ =	sdelay $0x3  }
0x380: {  	[tilespmem:s22+$0x5300] =	vst v2  }
0x381: {  	v2 =	vld.idx.msk [tilespmem:v40+s1+$0x0], $0xffff  }
0x382: {  	s31 =	sand.u32 $0x7, s21;
	v41 =	vadd.s32 $0x1000, v3  }
0x383: {  	s23 =	sshll.u32 s31, $0x4  }
0x384: {  	s23 =	sadd.s32 $0x0, s23  }
0x385: {  	s23 =	sor.u32 $0x380, s23  }
0x386: {  	[tilespmem:s23+$0x5000] =	vst v2  }
0x387: {  	v2 =	vld.idx.msk [tilespmem:v41+s1+$0x0], $0xffff  }
0x388: {  	v42 =	vadd.s32 $0x1080, v3;
	_ =	sdelay $0x3  }
0x389: {  	[tilespmem:s22+$0x9000] =	vst v2  }
0x38a: {  	v2 =	vld.idx.msk [tilespmem:v42+s1+$0x0], $0xffff  }
0x38b: {  	v43 =	vadd.s32 $0x1100, v3;
	_ =	sdelay $0x3  }
0x38c: {  	[tilespmem:s22+$0x9080] =	vst v2  }
0x38d: {  	v2 =	vld.idx.msk [tilespmem:v43+s1+$0x0], $0xffff  }
0x38e: {  	v44 =	vadd.s32 $0x1180, v3;
	_ =	sdelay $0x3  }
0x38f: {  	[tilespmem:s22+$0x9100] =	vst v2  }
0x390: {  	v2 =	vld.idx.msk [tilespmem:v44+s1+$0x0], $0xffff  }
0x391: {  	v45 =	vadd.s32 $0x1200, v3;
	_ =	sdelay $0x3  }
0x392: {  	[tilespmem:s22+$0x9180] =	vst v2  }
0x393: {  	v2 =	vld.idx.msk [tilespmem:v45+s1+$0x0], $0xffff  }
0x394: {  	v46 =	vadd.s32 $0x1280, v3;
	_ =	sdelay $0x3  }
0x395: {  	[tilespmem:s22+$0x9200] =	vst v2  }
0x396: {  	v2 =	vld.idx.msk [tilespmem:v46+s1+$0x0], $0xffff  }
0x397: {  	v47 =	vadd.s32 $0x1300, v3;
	_ =	sdelay $0x3  }
0x398: {  	[tilespmem:s22+$0x9280] =	vst v2  }
0x399: {  	v2 =	vld.idx.msk [tilespmem:v47+s1+$0x0], $0xffff  }
0x39a: {  	v48 =	vadd.s32 $0x1380, v3;
	_ =	sdelay $0x3  }
0x39b: {  	[tilespmem:s22+$0x9300] =	vst v2  }
0x39c: {  	v2 =	vld.idx.msk [tilespmem:v48+s1+$0x0], $0xffff  }
0x39d: {  	v49 =	vadd.s32 $0x2000, v3;
	_ =	sdelay $0x3  }
0x39e: {  	[tilespmem:s22+$0x9380] =	vst v2  }
0x39f: {  	v2 =	vld.idx.msk [tilespmem:v49+s1+$0x0], $0xffff  }
0x3a0: {  	v50 =	vadd.s32 $0x2080, v3;
	_ =	sdelay $0x3  }
0x3a1: {  	[tilespmem:s22+$0xD000] =	vst v2  }
0x3a2: {  	v2 =	vld.idx.msk [tilespmem:v50+s1+$0x0], $0xffff  }
0x3a3: {  	v51 =	vadd.s32 $0x2100, v3;
	_ =	sdelay $0x3  }
0x3a4: {  	[tilespmem:s22+$0xD080] =	vst v2  }
0x3a5: {  	v2 =	vld.idx.msk [tilespmem:v51+s1+$0x0], $0xffff  }
0x3a6: {  	v52 =	vadd.s32 $0x2180, v3;
	_ =	sdelay $0x3  }
0x3a7: {  	[tilespmem:s22+$0xD100] =	vst v2  }
0x3a8: {  	v2 =	vld.idx.msk [tilespmem:v52+s1+$0x0], $0xffff  }
0x3a9: {  	v53 =	vadd.s32 $0x2200, v3;
	_ =	sdelay $0x3  }
0x3aa: {  	[tilespmem:s22+$0xD180] =	vst v2  }
0x3ab: {  	v2 =	vld.idx.msk [tilespmem:v53+s1+$0x0], $0xffff  }
0x3ac: {  	v54 =	vadd.s32 $0x2280, v3;
	_ =	sdelay $0x3  }
0x3ad: {  	[tilespmem:s22+$0xD200] =	vst v2  }
0x3ae: {  	v2 =	vld.idx.msk [tilespmem:v54+s1+$0x0], $0xffff  }
0x3af: {  	v55 =	vadd.s32 $0x2300, v3;
	_ =	sdelay $0x3  }
0x3b0: {  	[tilespmem:s22+$0xD280] =	vst v2  }
0x3b1: {  	v2 =	vld.idx.msk [tilespmem:v55+s1+$0x0], $0xffff  }
0x3b2: {  	v56 =	vadd.s32 $0x2380, v3;
	_ =	sdelay $0x3  }
0x3b3: {  	[tilespmem:s22+$0xD300] =	vst v2  }
0x3b4: {  	v2 =	vld.idx.msk [tilespmem:v56+s1+$0x0], $0xffff  }
0x3b5: {  	v57 =	vadd.s32 $0x3000, v3;
	_ =	sdelay $0x3  }
0x3b6: {  	[tilespmem:s22+$0xD380] =	vst v2  }
0x3b7: {  	v2 =	vld.idx.msk [tilespmem:v57+s1+$0x0], $0xffff  }
0x3b8: {  	v58 =	vadd.s32 $0x3080, v3;
	_ =	sdelay $0x3  }
0x3b9: {  	[tilespmem:s22+$0x11000] =	vst v2  }
0x3ba: {  	v2 =	vld.idx.msk [tilespmem:v58+s1+$0x0], $0xffff  }
0x3bb: {  	v59 =	vadd.s32 $0x3100, v3;
	_ =	sdelay $0x3  }
0x3bc: {  	[tilespmem:s22+$0x11080] =	vst v2  }
0x3bd: {  	v2 =	vld.idx.msk [tilespmem:v59+s1+$0x0], $0xffff  }
0x3be: {  	v60 =	vadd.s32 $0x3180, v3;
	_ =	sdelay $0x3  }
0x3bf: {  	[tilespmem:s22+$0x11100] =	vst v2  }
0x3c0: {  	v2 =	vld.idx.msk [tilespmem:v60+s1+$0x0], $0xffff  }
0x3c1: {  	v61 =	vadd.s32 $0x3200, v3;
	_ =	sdelay $0x3  }
0x3c2: {  	[tilespmem:s22+$0x11180] =	vst v2  }
0x3c3: {  	v2 =	vld.idx.msk [tilespmem:v61+s1+$0x0], $0xffff  }
0x3c4: {  	v62 =	vadd.s32 $0x3280, v3;
	_ =	sdelay $0x3  }
0x3c5: {  	[tilespmem:s22+$0x11200] =	vst v2  }
0x3c6: {  	v2 =	vld.idx.msk [tilespmem:v62+s1+$0x0], $0xffff  }
0x3c7: {  	v63 =	vadd.s32 $0x3300, v3;
	_ =	sdelay $0x3  }
0x3c8: {  	[tilespmem:s22+$0x11280] =	vst v2  }
0x3c9: {  	v2 =	vld.idx.msk [tilespmem:v63+s1+$0x0], $0xffff  }
0x3ca: {  	v3 =	vadd.s32 $0x3380, v3;
	_ =	sdelay $0x3  }
0x3cb: {  	[tilespmem:s22+$0x11300] =	vst v2  }
0x3cc: {  	v2 =	vld.idx.msk [tilespmem:v3+s1+$0x0], $0xffff;
	_ =	sdelay $0x2  }
0x3cd: {  	s24 =	simm.s32 $0x10;
	s26 =	simm.s32 $0x20;
	s23 =	simm.s32 $0x1  }
.LBB2_8:
0x3ce: {  	s28 =	sand.u32 $0x7F0, s24  }
0x3cf: {  	[tilespmem:s22+$0x11380] =	vst v2;
	s21 =	sadd.s32 $0x80, s21;
	s22 =	smov.u32 s26;
	s25 =	sadd.s32 $0x10, s26  }
0x3d0: {  	p0 =	sne.s32 s26, $0x7F0;
	v3 =	vld [tilespmem:s28+$0x4800];
	_ =	sdelay $0x4  }
0x3d1: {  	v2 =	vshll.u32 v3, $0x3  }
0x3d2: {  	v4 =	vand.u32 $0x7F, v3;
	v2 =	vand.u32 $0xFFFFFC00, v2  }
0x3d3: {  	v2 =	vor.u32 v4, v2;
	_ =	sdelay $0x3  }
0x3d4: {  	[tilespmem:v3+s16+$0x0] =	vst.idx.add.f32.msk $0xffff, v1  }
0x3d5: {  	v3 =	vld.idx.msk [tilespmem:v2+s1+$0x0], $0xffff;
	_ =	sdelay $0x1  }
0x3d6: {  	v4 =	vor.u32 $0x80, v2;
	_ =	sdelay $0x1  }
0x3d7: {  	s26 =	sand.u32 $0x70, s24;
	s28 =	sand.u32 $0x3C00, s21;
	s24 =	smov.u32 s22  }
0x3d8: {  	s22 =	sor.u32 s26, s28  }
0x3d9: {  	[tilespmem:s22+$0x5000] =	vst v3  }
0x3da: {  	v3 =	vld.idx.msk [tilespmem:v4+s1+$0x0], $0xffff;
	_ =	sdelay $0x1  }
0x3db: {  	v4 =	vor.u32 $0x100, v2;
	_ =	sdelay $0x3  }
0x3dc: {  	[tilespmem:s22+$0x5080] =	vst v3  }
0x3dd: {  	v3 =	vld.idx.msk [tilespmem:v4+s1+$0x0], $0xffff;
	_ =	sdelay $0x1  }
0x3de: {  	v4 =	vor.u32 $0x180, v2;
	_ =	sdelay $0x3  }
0x3df: {  	[tilespmem:s22+$0x5100] =	vst v3  }
0x3e0: {  	v3 =	vld.idx.msk [tilespmem:v4+s1+$0x0], $0xffff;
	_ =	sdelay $0x1  }
0x3e1: {  	v4 =	vor.u32 $0x200, v2;
	_ =	sdelay $0x3  }
0x3e2: {  	[tilespmem:s22+$0x5180] =	vst v3  }
0x3e3: {  	v3 =	vld.idx.msk [tilespmem:v4+s1+$0x0], $0xffff;
	_ =	sdelay $0x1  }
0x3e4: {  	v4 =	vor.u32 $0x280, v2;
	_ =	sdelay $0x3  }
0x3e5: {  	[tilespmem:s22+$0x5200] =	vst v3  }
0x3e6: {  	v3 =	vld.idx.msk [tilespmem:v4+s1+$0x0], $0xffff;
	_ =	sdelay $0x1  }
0x3e7: {  	v4 =	vor.u32 $0x300, v2;
	_ =	sdelay $0x3  }
0x3e8: {  	[tilespmem:s22+$0x5280] =	vst v3  }
0x3e9: {  	v3 =	vld.idx.msk [tilespmem:v4+s1+$0x0], $0xffff;
	_ =	sdelay $0x1  }
0x3ea: {  	v4 =	vor.u32 $0x380, v2;
	_ =	sdelay $0x3  }
0x3eb: {  	[tilespmem:s22+$0x5300] =	vst v3  }
0x3ec: {  	v3 =	vld.idx.msk [tilespmem:v4+s1+$0x0], $0xffff;
	_ =	sdelay $0x1  }
0x3ed: {  	s26 =	sand.u32 $0x7, s23;
	v4 =	vadd.s32 $0x1000, v2  }
0x3ee: {  	s26 =	sshll.u32 s26, $0x4  }
0x3ef: {  	s26 =	sadd.s32 s26, s21  }
0x3f0: {  	s26 =	sor.u32 $0x380, s26  }
0x3f1: {  	[tilespmem:s26+$0x5000] =	vst v3  }
0x3f2: {  	v3 =	vld.idx.msk [tilespmem:v4+s1+$0x0], $0xffff;
	_ =	sdelay $0x1  }
0x3f3: {  	v4 =	vadd.s32 $0x1080, v2;
	_ =	sdelay $0x3  }
0x3f4: {  	[tilespmem:s22+$0x9000] =	vst v3  }
0x3f5: {  	v3 =	vld.idx.msk [tilespmem:v4+s1+$0x0], $0xffff;
	_ =	sdelay $0x1  }
0x3f6: {  	v4 =	vadd.s32 $0x1100, v2;
	_ =	sdelay $0x3  }
0x3f7: {  	[tilespmem:s22+$0x9080] =	vst v3  }
0x3f8: {  	v3 =	vld.idx.msk [tilespmem:v4+s1+$0x0], $0xffff;
	_ =	sdelay $0x1  }
0x3f9: {  	v4 =	vadd.s32 $0x1180, v2;
	_ =	sdelay $0x3  }
0x3fa: {  	[tilespmem:s22+$0x9100] =	vst v3  }
0x3fb: {  	v3 =	vld.idx.msk [tilespmem:v4+s1+$0x0], $0xffff;
	_ =	sdelay $0x1  }
0x3fc: {  	v4 =	vadd.s32 $0x1200, v2;
	_ =	sdelay $0x3  }
0x3fd: {  	[tilespmem:s22+$0x9180] =	vst v3  }
0x3fe: {  	v3 =	vld.idx.msk [tilespmem:v4+s1+$0x0], $0xffff;
	_ =	sdelay $0x1  }
0x3ff: {  	v4 =	vadd.s32 $0x1280, v2;
	_ =	sdelay $0x3  }
0x400: {  	[tilespmem:s22+$0x9200] =	vst v3  }
0x401: {  	v3 =	vld.idx.msk [tilespmem:v4+s1+$0x0], $0xffff;
	_ =	sdelay $0x1  }
0x402: {  	v4 =	vadd.s32 $0x1300, v2;
	_ =	sdelay $0x3  }
0x403: {  	[tilespmem:s22+$0x9280] =	vst v3  }
0x404: {  	v3 =	vld.idx.msk [tilespmem:v4+s1+$0x0], $0xffff;
	_ =	sdelay $0x1  }
0x405: {  	v4 =	vadd.s32 $0x1380, v2;
	_ =	sdelay $0x3  }
0x406: {  	[tilespmem:s22+$0x9300] =	vst v3  }
0x407: {  	v3 =	vld.idx.msk [tilespmem:v4+s1+$0x0], $0xffff;
	_ =	sdelay $0x1  }
0x408: {  	v4 =	vadd.s32 $0x2000, v2;
	_ =	sdelay $0x3  }
0x409: {  	[tilespmem:s22+$0x9380] =	vst v3  }
0x40a: {  	v3 =	vld.idx.msk [tilespmem:v4+s1+$0x0], $0xffff;
	_ =	sdelay $0x1  }
0x40b: {  	v4 =	vadd.s32 $0x2080, v2;
	_ =	sdelay $0x3  }
0x40c: {  	[tilespmem:s22+$0xD000] =	vst v3  }
0x40d: {  	v3 =	vld.idx.msk [tilespmem:v4+s1+$0x0], $0xffff;
	_ =	sdelay $0x1  }
0x40e: {  	v4 =	vadd.s32 $0x2100, v2;
	_ =	sdelay $0x3  }
0x40f: {  	[tilespmem:s22+$0xD080] =	vst v3  }
0x410: {  	v3 =	vld.idx.msk [tilespmem:v4+s1+$0x0], $0xffff;
	_ =	sdelay $0x1  }
0x411: {  	v4 =	vadd.s32 $0x2180, v2;
	_ =	sdelay $0x3  }
0x412: {  	[tilespmem:s22+$0xD100] =	vst v3  }
0x413: {  	v3 =	vld.idx.msk [tilespmem:v4+s1+$0x0], $0xffff;
	_ =	sdelay $0x1  }
0x414: {  	v4 =	vadd.s32 $0x2200, v2;
	_ =	sdelay $0x3  }
0x415: {  	[tilespmem:s22+$0xD180] =	vst v3  }
0x416: {  	v3 =	vld.idx.msk [tilespmem:v4+s1+$0x0], $0xffff;
	_ =	sdelay $0x1  }
0x417: {  	v4 =	vadd.s32 $0x2280, v2;
	_ =	sdelay $0x3  }
0x418: {  	[tilespmem:s22+$0xD200] =	vst v3  }
0x419: {  	v3 =	vld.idx.msk [tilespmem:v4+s1+$0x0], $0xffff;
	_ =	sdelay $0x1  }
0x41a: {  	v4 =	vadd.s32 $0x2300, v2;
	_ =	sdelay $0x3  }
0x41b: {  	[tilespmem:s22+$0xD280] =	vst v3  }
0x41c: {  	v3 =	vld.idx.msk [tilespmem:v4+s1+$0x0], $0xffff;
	_ =	sdelay $0x1  }
0x41d: {  	v4 =	vadd.s32 $0x2380, v2;
	_ =	sdelay $0x3  }
0x41e: {  	[tilespmem:s22+$0xD300] =	vst v3  }
0x41f: {  	v3 =	vld.idx.msk [tilespmem:v4+s1+$0x0], $0xffff;
	_ =	sdelay $0x1  }
0x420: {  	v4 =	vadd.s32 $0x3000, v2;
	_ =	sdelay $0x3  }
0x421: {  	[tilespmem:s22+$0xD380] =	vst v3  }
0x422: {  	v3 =	vld.idx.msk [tilespmem:v4+s1+$0x0], $0xffff;
	_ =	sdelay $0x1  }
0x423: {  	v4 =	vadd.s32 $0x3080, v2;
	_ =	sdelay $0x3  }
0x424: {  	[tilespmem:s22+$0x11000] =	vst v3  }
0x425: {  	v3 =	vld.idx.msk [tilespmem:v4+s1+$0x0], $0xffff;
	_ =	sdelay $0x1  }
0x426: {  	v4 =	vadd.s32 $0x3100, v2;
	_ =	sdelay $0x3  }
0x427: {  	[tilespmem:s22+$0x11080] =	vst v3  }
0x428: {  	v3 =	vld.idx.msk [tilespmem:v4+s1+$0x0], $0xffff;
	_ =	sdelay $0x1  }
0x429: {  	v4 =	vadd.s32 $0x3180, v2;
	_ =	sdelay $0x3  }
0x42a: {  	[tilespmem:s22+$0x11100] =	vst v3  }
0x42b: {  	v3 =	vld.idx.msk [tilespmem:v4+s1+$0x0], $0xffff;
	_ =	sdelay $0x1  }
0x42c: {  	v4 =	vadd.s32 $0x3200, v2;
	_ =	sdelay $0x3  }
0x42d: {  	[tilespmem:s22+$0x11180] =	vst v3  }
0x42e: {  	v3 =	vld.idx.msk [tilespmem:v4+s1+$0x0], $0xffff;
	_ =	sdelay $0x1  }
0x42f: {  	v4 =	vadd.s32 $0x3280, v2;
	_ =	sdelay $0x3  }
0x430: {  	[tilespmem:s22+$0x11200] =	vst v3  }
0x431: {  	v3 =	vld.idx.msk [tilespmem:v4+s1+$0x0], $0xffff;
	_ =	sdelay $0x1  }
0x432: {  	v4 =	vadd.s32 $0x3300, v2;
	_ =	sdelay $0x3  }
0x433: {  	[tilespmem:s22+$0x11280] =	vst v3  }
0x434: {  	v3 =	vld.idx.msk [tilespmem:v4+s1+$0x0], $0xffff;
	_ =	sdelay $0x1  }
0x435: {  	v2 =	vadd.s32 $0x3380, v2;
	_ =	sdelay $0x3  }
0x436: {  	[tilespmem:s22+$0x11300] =	vst v3  }
0x437: {  	v2 =	vld.idx.msk [tilespmem:v2+s1+$0x0], $0xffff  }
.Ltmp3:
0x438: {  	(pc) =	sbr.rel @p0 .LBB2_8-.Ltmp3, $2  }
0x439: {  	_ =	sdelay $0x2  }
0x43a: {  	s23 =	sadd.s32 $0x1, s23;
	s26 =	smov.u32 s25  }
0x43b: {  	s25 =	sand.u32 $0x7F0, s24;
	[tilespmem:s22+$0x11380] =	vst v2  }
0x43c: {  	v2 =	vld [tilespmem:s25+$0x4800];
	_ =	sdelay $0x4  }
0x43d: {  	v3 =	vshll.u32 v2, $0x3  }
0x43e: {  	v4 =	vand.u32 $0x7F, v2;
	v3 =	vand.u32 $0xFFFFFC00, v3  }
0x43f: {  	v3 =	vor.u32 v4, v3;
	_ =	sdelay $0x3  }
0x440: {  	[tilespmem:v2+s16+$0x0] =	vst.idx.add.f32.msk $0xffff, v1  }
0x441: {  	v2 =	vld.idx.msk [tilespmem:v3+s1+$0x0], $0xffff  }
0x442: {  	v4 =	vor.u32 $0x80, v3  }
0x443: {  	s29 =	sadd.s32 $0x80, s21  }
0x444: {  	s30 =	sand.u32 $0x70, s24;
	s31 =	sand.u32 $0x3C00, s29  }
0x445: {  	s21 =	sor.u32 s30, s31  }
0x446: {  	[tilespmem:s21+$0x5000] =	vst v2  }
0x447: {  	v2 =	vld.idx.msk [tilespmem:v4+s1+$0x0], $0xffff  }
0x448: {  	v35 =	vor.u32 $0x100, v3;
	_ =	sdelay $0x3  }
0x449: {  	[tilespmem:s21+$0x5080] =	vst v2  }
0x44a: {  	v2 =	vld.idx.msk [tilespmem:v35+s1+$0x0], $0xffff  }
0x44b: {  	v36 =	vor.u32 $0x180, v3;
	_ =	sdelay $0x3  }
0x44c: {  	[tilespmem:s21+$0x5100] =	vst v2  }
0x44d: {  	v2 =	vld.idx.msk [tilespmem:v36+s1+$0x0], $0xffff  }
0x44e: {  	v37 =	vor.u32 $0x200, v3;
	_ =	sdelay $0x3  }
0x44f: {  	[tilespmem:s21+$0x5180] =	vst v2  }
0x450: {  	v2 =	vld.idx.msk [tilespmem:v37+s1+$0x0], $0xffff  }
0x451: {  	v38 =	vor.u32 $0x280, v3;
	_ =	sdelay $0x3  }
0x452: {  	[tilespmem:s21+$0x5200] =	vst v2  }
0x453: {  	v2 =	vld.idx.msk [tilespmem:v38+s1+$0x0], $0xffff  }
0x454: {  	v39 =	vor.u32 $0x300, v3;
	_ =	sdelay $0x3  }
0x455: {  	[tilespmem:s21+$0x5280] =	vst v2  }
0x456: {  	v2 =	vld.idx.msk [tilespmem:v39+s1+$0x0], $0xffff  }
0x457: {  	v40 =	vor.u32 $0x380, v3;
	_ =	sdelay $0x3  }
0x458: {  	[tilespmem:s21+$0x5300] =	vst v2  }
0x459: {  	v2 =	vld.idx.msk [tilespmem:v40+s1+$0x0], $0xffff  }
0x45a: {  	s23 =	sand.u32 $0x7, s23;
	v41 =	vadd.s32 $0x1000, v3  }
0x45b: {  	s23 =	sshll.u32 s23, $0x4  }
0x45c: {  	s22 =	sadd.s32 s23, s29  }
0x45d: {  	s22 =	sor.u32 $0x380, s22  }
0x45e: {  	[tilespmem:s22+$0x5000] =	vst v2  }
0x45f: {  	v2 =	vld.idx.msk [tilespmem:v41+s1+$0x0], $0xffff  }
0x460: {  	v42 =	vadd.s32 $0x1080, v3;
	_ =	sdelay $0x3  }
0x461: {  	[tilespmem:s21+$0x9000] =	vst v2  }
0x462: {  	v2 =	vld.idx.msk [tilespmem:v42+s1+$0x0], $0xffff  }
0x463: {  	v43 =	vadd.s32 $0x1100, v3;
	_ =	sdelay $0x3  }
0x464: {  	[tilespmem:s21+$0x9080] =	vst v2  }
0x465: {  	v2 =	vld.idx.msk [tilespmem:v43+s1+$0x0], $0xffff  }
0x466: {  	v44 =	vadd.s32 $0x1180, v3;
	_ =	sdelay $0x3  }
0x467: {  	[tilespmem:s21+$0x9100] =	vst v2  }
0x468: {  	v2 =	vld.idx.msk [tilespmem:v44+s1+$0x0], $0xffff  }
0x469: {  	v45 =	vadd.s32 $0x1200, v3;
	_ =	sdelay $0x3  }
0x46a: {  	[tilespmem:s21+$0x9180] =	vst v2  }
0x46b: {  	v2 =	vld.idx.msk [tilespmem:v45+s1+$0x0], $0xffff  }
0x46c: {  	v46 =	vadd.s32 $0x1280, v3;
	_ =	sdelay $0x3  }
0x46d: {  	[tilespmem:s21+$0x9200] =	vst v2  }
0x46e: {  	v2 =	vld.idx.msk [tilespmem:v46+s1+$0x0], $0xffff  }
0x46f: {  	v47 =	vadd.s32 $0x1300, v3;
	_ =	sdelay $0x3  }
0x470: {  	[tilespmem:s21+$0x9280] =	vst v2  }
0x471: {  	v2 =	vld.idx.msk [tilespmem:v47+s1+$0x0], $0xffff  }
0x472: {  	v48 =	vadd.s32 $0x1380, v3;
	_ =	sdelay $0x3  }
0x473: {  	[tilespmem:s21+$0x9300] =	vst v2  }
0x474: {  	v2 =	vld.idx.msk [tilespmem:v48+s1+$0x0], $0xffff  }
0x475: {  	v49 =	vadd.s32 $0x2000, v3;
	_ =	sdelay $0x3  }
0x476: {  	[tilespmem:s21+$0x9380] =	vst v2  }
0x477: {  	v2 =	vld.idx.msk [tilespmem:v49+s1+$0x0], $0xffff  }
0x478: {  	v50 =	vadd.s32 $0x2080, v3;
	_ =	sdelay $0x3  }
0x479: {  	[tilespmem:s21+$0xD000] =	vst v2  }
0x47a: {  	v2 =	vld.idx.msk [tilespmem:v50+s1+$0x0], $0xffff  }
0x47b: {  	v51 =	vadd.s32 $0x2100, v3;
	_ =	sdelay $0x3  }
0x47c: {  	[tilespmem:s21+$0xD080] =	vst v2  }
0x47d: {  	v2 =	vld.idx.msk [tilespmem:v51+s1+$0x0], $0xffff  }
0x47e: {  	v52 =	vadd.s32 $0x2180, v3;
	_ =	sdelay $0x3  }
0x47f: {  	[tilespmem:s21+$0xD100] =	vst v2  }
0x480: {  	v2 =	vld.idx.msk [tilespmem:v52+s1+$0x0], $0xffff  }
0x481: {  	v53 =	vadd.s32 $0x2200, v3;
	_ =	sdelay $0x3  }
0x482: {  	[tilespmem:s21+$0xD180] =	vst v2  }
0x483: {  	v2 =	vld.idx.msk [tilespmem:v53+s1+$0x0], $0xffff  }
0x484: {  	v54 =	vadd.s32 $0x2280, v3;
	_ =	sdelay $0x3  }
0x485: {  	[tilespmem:s21+$0xD200] =	vst v2  }
0x486: {  	v2 =	vld.idx.msk [tilespmem:v54+s1+$0x0], $0xffff  }
0x487: {  	v55 =	vadd.s32 $0x2300, v3;
	_ =	sdelay $0x3  }
0x488: {  	[tilespmem:s21+$0xD280] =	vst v2  }
0x489: {  	v2 =	vld.idx.msk [tilespmem:v55+s1+$0x0], $0xffff  }
0x48a: {  	v56 =	vadd.s32 $0x2380, v3;
	_ =	sdelay $0x3  }
0x48b: {  	[tilespmem:s21+$0xD300] =	vst v2  }
0x48c: {  	v2 =	vld.idx.msk [tilespmem:v56+s1+$0x0], $0xffff  }
0x48d: {  	v57 =	vadd.s32 $0x3000, v3;
	_ =	sdelay $0x3  }
0x48e: {  	[tilespmem:s21+$0xD380] =	vst v2  }
0x48f: {  	v2 =	vld.idx.msk [tilespmem:v57+s1+$0x0], $0xffff  }
0x490: {  	v58 =	vadd.s32 $0x3080, v3;
	_ =	sdelay $0x3  }
0x491: {  	[tilespmem:s21+$0x11000] =	vst v2  }
0x492: {  	v2 =	vld.idx.msk [tilespmem:v58+s1+$0x0], $0xffff  }
0x493: {  	v59 =	vadd.s32 $0x3100, v3;
	_ =	sdelay $0x3  }
0x494: {  	[tilespmem:s21+$0x11080] =	vst v2  }
0x495: {  	v2 =	vld.idx.msk [tilespmem:v59+s1+$0x0], $0xffff  }
0x496: {  	v60 =	vadd.s32 $0x3180, v3;
	_ =	sdelay $0x3  }
0x497: {  	[tilespmem:s21+$0x11100] =	vst v2  }
0x498: {  	v2 =	vld.idx.msk [tilespmem:v60+s1+$0x0], $0xffff  }
0x499: {  	v61 =	vadd.s32 $0x3200, v3;
	_ =	sdelay $0x3  }
0x49a: {  	[tilespmem:s21+$0x11180] =	vst v2  }
0x49b: {  	v2 =	vld.idx.msk [tilespmem:v61+s1+$0x0], $0xffff  }
0x49c: {  	v62 =	vadd.s32 $0x3280, v3;
	_ =	sdelay $0x3  }
0x49d: {  	[tilespmem:s21+$0x11200] =	vst v2  }
0x49e: {  	v2 =	vld.idx.msk [tilespmem:v62+s1+$0x0], $0xffff  }
0x49f: {  	v63 =	vadd.s32 $0x3300, v3;
	_ =	sdelay $0x3  }
0x4a0: {  	[tilespmem:s21+$0x11280] =	vst v2  }
0x4a1: {  	v2 =	vld.idx.msk [tilespmem:v63+s1+$0x0], $0xffff  }
0x4a2: {  	v3 =	vadd.s32 $0x3380, v3;
	_ =	sdelay $0x3  }
0x4a3: {  	[tilespmem:s21+$0x11300] =	vst v2  }
0x4a4: {  	v2 =	vld.idx.msk [tilespmem:v3+s1+$0x0], $0xffff;
	_ =	sdelay $0x4  }
0x4a5: {  	[tilespmem:s21+$0x11380] =	vst v2  }
0x4a6: {  	[hbm4b:s10+s17] =	stream.strided.scatter [tilespmem:s19], [sflag:$0x1], $0x10000, s18, s17, $0x38;
	[tilespmem:$0x15200] =	vst v63  }
0x4a7: {  	s20 =	sadd.s32 $0x1, s20;
	_ =	swait.ge [sflag:s13], $0x10000  }
0x4a8: {  	p0 =	sne.s32 s20, s12;
	[sflag:s13] =	ssyncset.done $0x0  }
.Ltmp4:
0x4a9: {  	[sflag:s13] =	ssyncadd.s32 $0xFFFF0000;
	(pc) =	sbr.rel @p0 .LBB2_1-.Ltmp4, $4  }
0x4aa: {  	[hbm4b:s11+s14] =	stream.strided.scatter [tilespmem:s16], [sflag:$0x1], $0x200, s15, s14, $0x38;
	[tilespmem:$0x15200] =	vst v63  }
0x4ab: {  	_ =	swait.ge [sflag:s13], $0x200  }
0x4ac: {  	[sflag:s13] =	ssyncset.done $0x0  }
0x4ad: {  	[sflag:s13] =	ssyncadd.s32 $0xFFFFFE00  }
0x4ae: {  	_ =	sfence.sel $0x180000  }
0x4af: {  	[bflag:$0x0] =	sbarrier.arrive $0xFFFF  }
0x4b0: {  	p0 =	sne.s32 s2, $0x0;
	_ =	strace $0x90000047  }
0x4b1: {  	s0 =	sadd.s32 @!p0 $0x100000, s0;
	[bflag:$0x2] =	sbarrier.arrive $0xFFFF  }
0x4b2: {  	[sflag:s0] =	ssyncadd.tile.s32 @!p0 $0x1;
	_ =	shalt  }
.Lfunc_end2:
_tile_overlayer_lowered:
.L_overlay_start_2:
0x4b3: {  	(tag) =	ssettag $0x2  }
0x4b4: {  	s0 =	rddreg [dreg:$0x0];
	s2 =	stileid.u32  }
0x4b5: {  	s1 =	rddreg [dreg:$0x1];
	p0 =	sne.s32 s2, $0x0  }
0x4b6: {  	s3 =	rddreg [dreg:$0x2];
	[bflag:$0x3] =	sbarrier.arrive $0xFFFF;
	s2 =	simm.s32 @!p0 $0x1C01  }
0x4b7: {  	[timem:s3], [sflag:s2] =	dma.local @!p0 [hbm:s0], s1  }
0x4b8: {  	s0 =	simm.s32 @!p0 $0x1  }
0x4b9: {  	_ =	swait.ge @!p0 [sflag:s0], s1  }
0x4ba: {  	s1 =	ssub.s32 @!p0 $0x0, s1;
	[sflag:s0] =	ssyncset.done @!p0 $0x0  }
0x4bb: {  	[sflag:s0] =	ssyncadd.s32 @!p0 s1  }
0x4bc: {  	[bflag:$0x3] =	sbarrier.arrive $0xFFFF  }
0x4bd: {  	_ =	shalt  }

</sc_bundles>
